<compile_context>
chip_gen: v7x
topology: tpu7x:2x2x1
jax: 0.10.2.dev20260603
libtpu: 0.0.44.dev20260713+nightly
codegen_flags: <defaults>
</compile_context>

<pallas_src>
import jax
import jax.numpy as jnp
import numpy as np
from jax.experimental import pallas as pl
from jax.experimental.pallas import tpu as pltpu

_IN_CHANNELS = 3
_OUT_CHANNELS = 384
_FEAT_DIM = _OUT_CHANNELS // (_IN_CHANNELS * 2)
_ROWS_PER_CH = 2 * _FEAT_DIM
_ALPHA = 100.0
_WAVE = 500.0

_BLOCK_N = 2048

_POLY = (6.279730642617738, -41.136257828674694, 78.32708794268743,
         -57.11608890844998)

_STRIP = 8


def _pe_kernel(s2_ref, p2_ref, x_ref, out_ref):
    rows = x_ref.shape[0]
    strips_per_ch = _ROWS_PER_CH // _STRIP
    c1, c3, c5, c7 = (np.float32(c) for c in _POLY)

    for c in range(rows):
        v = x_ref[c, :][None, :]
        for g in range(strips_per_ch):
            s_off = g * _STRIP
            s2 = s2_ref[s_off:s_off + _STRIP, :]
            p2 = p2_ref[s_off:s_off + _STRIP, :]
            t = v * s2 + p2
            r = t - jnp.round(t)
            u = r * r
            poly = ((c7 * u + c5) * u + c3) * u + c1
            row = c * _ROWS_PER_CH + s_off
            out_ref[row:row + _STRIP, :] = poly * r


@jax.jit
def kernel(p, x):
    B, C, N = x.shape
    x2 = x.reshape(B * C, N)

    j = np.arange(_ROWS_PER_CH) // 2
    s2_np = (_ALPHA * np.power(_WAVE, -(j.astype(np.float64) / _FEAT_DIM))
             / (2.0 * np.pi))
    p2_np = np.where(np.arange(_ROWS_PER_CH) % 2 == 1, 0.25, 0.0)
    s2 = jnp.asarray(s2_np, dtype=jnp.float32).reshape(_ROWS_PER_CH, 1)
    p2 = jnp.asarray(p2_np, dtype=jnp.float32).reshape(_ROWS_PER_CH, 1)

    out_rows = B * C * _ROWS_PER_CH
    num_blocks = pl.cdiv(N, _BLOCK_N)

    out2 = pl.pallas_call(
        _pe_kernel,
        grid=(num_blocks,),
        in_specs=[
            pl.BlockSpec((_ROWS_PER_CH, 1), lambda i: (0, 0)),
            pl.BlockSpec((_ROWS_PER_CH, 1), lambda i: (0, 0)),
            pl.BlockSpec((B * C, _BLOCK_N), lambda i: (0, i)),
        ],
        out_specs=pl.BlockSpec((out_rows, _BLOCK_N), lambda i: (0, i)),
        out_shape=jax.ShapeDtypeStruct((out_rows, N), jnp.float32),
        compiler_params=pltpu.CompilerParams(
            dimension_semantics=("parallel",)),
    )(s2, p2, x2)

    return (p, out2.reshape(B, C * _ROWS_PER_CH, N))

# --- scband reference (transcript-rebuilt; emitter-appended) ---
"""Pipeline reference for scband-set-abstraction-61787399520989 (READ-ONLY COPY).

The authoritative reference and input builder live on the scoring server;
editing this copy changes nothing except your own understanding.
"""

import jax, jax.numpy as jnp
import numpy as np

IN_CHANNELS = 3
OUT_CHANNELS = 384


def setup_inputs(seed: int = 0) -> dict:
    key = jax.random.key(seed)
    k1, k2 = jax.random.split(key)
    p = jax.random.uniform(k1, (2, 100000, 3), dtype=jnp.float32)
    x = jax.random.uniform(k2, (2, 3, 100000), dtype=jnp.float32)
    return {"p": p, "x": x}


def _init_pos_pool(x):
    # x: [B, in_channels, npoint]
    B = x.shape[0]
    npoint = x.shape[2]
    feat_dim = OUT_CHANNELS // (IN_CHANNELS * 2)
    wave_length = 500.0
    alpha = 100.0
    feat_range = jnp.arange(feat_dim, dtype=jnp.float32)
    dim_mat = jnp.power(jnp.float32(wave_length), feat_range / jnp.float32(feat_dim))
    position_mat = (alpha * x)[..., None]                 # [B, C, N, feat_dim]
    div_mat = position_mat / dim_mat                      # [B, C, N, feat_dim]
    sin_mat = jnp.sin(div_mat)
    cos_mat = jnp.cos(div_mat)
    pe = jnp.stack([sin_mat, cos_mat], axis=4)            # [B, C, N, feat_dim, 2]
    pe = pe.reshape(B, IN_CHANNELS, npoint, 2 * feat_dim) # flatten(3)
    pe = jnp.transpose(pe, (0, 1, 3, 2))                  # [B, C, 2*feat_dim, N]
    pe = pe.reshape(B, OUT_CHANNELS, npoint)
    return pe


def reference(p, x):
    # SetAbstraction.forward with is_head=True: x = self.embedding(x); return (p, x)
    x_emb = _init_pos_pool(x)
    return (p, x_emb)

if __name__ == "__main__":
    import jax
    _d = setup_inputs()
    print(jax.jit(kernel)(*tuple(_d.values())))

</pallas_src>

<mosaic_0001>
module attributes {stable_mosaic.version = 14 : i64} {
  func.func @_pe_kernel(%arg0: i32, %arg1: memref<128x1xf32, #tpu.memory_space<vmem>>, %arg2: memref<128x1xf32, #tpu.memory_space<vmem>>, %arg3: memref<6x2048xf32, #tpu.memory_space<vmem>>, %arg4: memref<768x2048xf32, #tpu.memory_space<vmem>>) attributes {dimension_semantics = [#tpu.dimension_semantics<parallel>], iteration_bounds = array<i64: 49>, scalar_prefetch = 0 : i64, scratch_operands = 0 : i64, tpu.core_type = #tpu.core_type<tc>, window_params = [{pipeline_mode = #tpu.pipeline_mode<synchronous>, transform_indices = @transform_0, window_bounds = array<i64: 128, 1>}, {pipeline_mode = #tpu.pipeline_mode<synchronous>, transform_indices = @transform_1, window_bounds = array<i64: 128, 1>}, {transform_indices = @transform_2, window_bounds = array<i64: 6, 2048>}, {transform_indices = @transform_3, window_bounds = array<i64: 768, 2048>}]} {
    %get3A = arith.constant 0 : index
    %get3A_0 = arith.constant 0 : index
    %get3A_1 = vector.load %arg3[%get3A, %get3A_0] : memref<6x2048xf32, #tpu.memory_space<vmem>>, vector<1x2048xf32>
    %get3A_2 = vector.shape_cast %get3A_1 : vector<1x2048xf32> to vector<2048xf32>
    %broadcast_in_dim3A = vector.shape_cast %get3A_2 : vector<2048xf32> to vector<1x2048xf32>
    %get3A_3 = arith.constant 0 : index
    %get3A_4 = arith.constant 0 : index
    %get3A_5 = vector.load %arg1[%get3A_3, %get3A_4] : memref<128x1xf32, #tpu.memory_space<vmem>>, vector<8x1xf32>
    %get3A_6 = arith.constant 0 : index
    %get3A_7 = arith.constant 0 : index
    %get3A_8 = vector.load %arg2[%get3A_6, %get3A_7] : memref<128x1xf32, #tpu.memory_space<vmem>>, vector<8x1xf32>
    %mul3A = vector.broadcast %broadcast_in_dim3A : vector<1x2048xf32> to vector<8x2048xf32>
    %mul3A_9 = vector.broadcast %get3A_5 : vector<8x1xf32> to vector<8x2048xf32>
    %mul3A_10 = arith.mulf %mul3A, %mul3A_9 : vector<8x2048xf32>
    %add3A = vector.broadcast %get3A_8 : vector<8x1xf32> to vector<8x2048xf32>
    %add3A_11 = arith.addf %mul3A_10, %add3A : vector<8x2048xf32>
    %round3A = math.roundeven %add3A_11 : vector<8x2048xf32>
    %sub3A = arith.subf %add3A_11, %round3A : vector<8x2048xf32>
    %mul3A_12 = arith.mulf %sub3A, %sub3A : vector<8x2048xf32>
    %mul3A_13 = arith.constant -57.1160888 : f32
    %mul3A_14 = vector.broadcast %mul3A_13 : f32 to vector<8x2048xf32>
    %mul3A_15 = arith.mulf %mul3A_14, %mul3A_12 : vector<8x2048xf32>
    %add3A_16 = arith.constant 78.3270874 : f32
    %add3A_17 = vector.broadcast %add3A_16 : f32 to vector<8x2048xf32>
    %add3A_18 = arith.addf %mul3A_15, %add3A_17 : vector<8x2048xf32>
    %mul3A_19 = arith.mulf %add3A_18, %mul3A_12 : vector<8x2048xf32>
    %add3A_20 = arith.constant -41.1362572 : f32
    %add3A_21 = vector.broadcast %add3A_20 : f32 to vector<8x2048xf32>
    %add3A_22 = arith.addf %mul3A_19, %add3A_21 : vector<8x2048xf32>
    %mul3A_23 = arith.mulf %add3A_22, %mul3A_12 : vector<8x2048xf32>
    %add3A_24 = arith.constant 6.27973079 : f32
    %add3A_25 = vector.broadcast %add3A_24 : f32 to vector<8x2048xf32>
    %add3A_26 = arith.addf %mul3A_23, %add3A_25 : vector<8x2048xf32>
    %mul3A_27 = arith.mulf %add3A_26, %sub3A : vector<8x2048xf32>
    %swap3A = arith.constant 0 : index
    %swap3A_28 = arith.constant 0 : index
    %swap3A_29 = vector.load %arg4[%swap3A, %swap3A_28] : memref<768x2048xf32, #tpu.memory_space<vmem>>, vector<8x2048xf32>
    tpu.vector_store %arg4[%swap3A, %swap3A_28], %mul3A_27 {strides = array<i32>} : memref<768x2048xf32, #tpu.memory_space<vmem>>, vector<8x2048xf32>,
    %get3A_30 = arith.constant 8 : index
    %get3A_31 = arith.constant 0 : index
    %get3A_32 = vector.load %arg1[%get3A_30, %get3A_31] : memref<128x1xf32, #tpu.memory_space<vmem>>, vector<8x1xf32>
    %get3A_33 = arith.constant 8 : index
    %get3A_34 = arith.constant 0 : index
    %get3A_35 = vector.load %arg2[%get3A_33, %get3A_34] : memref<128x1xf32, #tpu.memory_space<vmem>>, vector<8x1xf32>
    %mul3A_36 = vector.broadcast %broadcast_in_dim3A : vector<1x2048xf32> to vector<8x2048xf32>
    %mul3A_37 = vector.broadcast %get3A_32 : vector<8x1xf32> to vector<8x2048xf32>
    %mul3A_38 = arith.mulf %mul3A_36, %mul3A_37 : vector<8x2048xf32>
    %add3A_39 = vector.broadcast %get3A_35 : vector<8x1xf32> to vector<8x2048xf32>
    %add3A_40 = arith.addf %mul3A_38, %add3A_39 : vector<8x2048xf32>
    %round3A_41 = math.roundeven %add3A_40 : vector<8x2048xf32>
    %sub3A_42 = arith.subf %add3A_40, %round3A_41 : vector<8x2048xf32>
    %mul3A_43 = arith.mulf %sub3A_42, %sub3A_42 : vector<8x2048xf32>
    %mul3A_44 = arith.constant -57.1160888 : f32
    %mul3A_45 = vector.broadcast %mul3A_44 : f32 to vector<8x2048xf32>
    %mul3A_46 = arith.mulf %mul3A_45, %mul3A_43 : vector<8x2048xf32>
    %add3A_47 = arith.constant 78.3270874 : f32
    %add3A_48 = vector.broadcast %add3A_47 : f32 to vector<8x2048xf32>
    %add3A_49 = arith.addf %mul3A_46, %add3A_48 : vector<8x2048xf32>
    %mul3A_50 = arith.mulf %add3A_49, %mul3A_43 : vector<8x2048xf32>
    %add3A_51 = arith.constant -41.1362572 : f32
    %add3A_52 = vector.broadcast %add3A_51 : f32 to vector<8x2048xf32>
    %add3A_53 = arith.addf %mul3A_50, %add3A_52 : vector<8x2048xf32>
    %mul3A_54 = arith.mulf %add3A_53, %mul3A_43 : vector<8x2048xf32>
    %add3A_55 = arith.constant 6.27973079 : f32
    %add3A_56 = vector.broadcast %add3A_55 : f32 to vector<8x2048xf32>
    %add3A_57 = arith.addf %mul3A_54, %add3A_56 : vector<8x2048xf32>
    %mul3A_58 = arith.mulf %add3A_57, %sub3A_42 : vector<8x2048xf32>
    %swap3A_59 = arith.constant 8 : index
    %swap3A_60 = arith.constant 0 : index
    %swap3A_61 = vector.load %arg4[%swap3A_59, %swap3A_60] : memref<768x2048xf32, #tpu.memory_space<vmem>>, vector<8x2048xf32>
    tpu.vector_store %arg4[%swap3A_59, %swap3A_60], %mul3A_58 {strides = array<i32>} : memref<768x2048xf32, #tpu.memory_space<vmem>>, vector<8x2048xf32>,
    %get3A_62 = arith.constant 16 : index
    %get3A_63 = arith.constant 0 : index
    %get3A_64 = vector.load %arg1[%get3A_62, %get3A_63] : memref<128x1xf32, #tpu.memory_space<vmem>>, vector<8x1xf32>
    %get3A_65 = arith.constant 16 : index
    %get3A_66 = arith.constant 0 : index
    %get3A_67 = vector.load %arg2[%get3A_65, %get3A_66] : memref<128x1xf32, #tpu.memory_space<vmem>>, vector<8x1xf32>
    %mul3A_68 = vector.broadcast %broadcast_in_dim3A : vector<1x2048xf32> to vector<8x2048xf32>
    %mul3A_69 = vector.broadcast %get3A_64 : vector<8x1xf32> to vector<8x2048xf32>
    %mul3A_70 = arith.mulf %mul3A_68, %mul3A_69 : vector<8x2048xf32>
    %add3A_71 = vector.broadcast %get3A_67 : vector<8x1xf32> to vector<8x2048xf32>
    %add3A_72 = arith.addf %mul3A_70, %add3A_71 : vector<8x2048xf32>
    %round3A_73 = math.roundeven %add3A_72 : vector<8x2048xf32>
    %sub3A_74 = arith.subf %add3A_72, %round3A_73 : vector<8x2048xf32>
    %mul3A_75 = arith.mulf %sub3A_74, %sub3A_74 : vector<8x2048xf32>
    %mul3A_76 = arith.constant -57.1160888 : f32
    %mul3A_77 = vector.broadcast %mul3A_76 : f32 to vector<8x2048xf32>
    %mul3A_78 = arith.mulf %mul3A_77, %mul3A_75 : vector<8x2048xf32>
    %add3A_79 = arith.constant 78.3270874 : f32
    %add3A_80 = vector.broadcast %add3A_79 : f32 to vector<8x2048xf32>
    %add3A_81 = arith.addf %mul3A_78, %add3A_80 : vector<8x2048xf32>
    %mul3A_82 = arith.mulf %add3A_81, %mul3A_75 : vector<8x2048xf32>
    %add3A_83 = arith.constant -41.1362572 : f32
    %add3A_84 = vector.broadcast %add3A_83 : f32 to vector<8x2048xf32>
    %add3A_85 = arith.addf %mul3A_82, %add3A_84 : vector<8x2048xf32>
    %mul3A_86 = arith.mulf %add3A_85, %mul3A_75 : vector<8x2048xf32>
    %add3A_87 = arith.constant 6.27973079 : f32
    %add3A_88 = vector.broadcast %add3A_87 : f32 to vector<8x2048xf32>
    %add3A_89 = arith.addf %mul3A_86, %add3A_88 : vector<8x2048xf32>
    %mul3A_90 = arith.mulf %add3A_89, %sub3A_74 : vector<8x2048xf32>
    %swap3A_91 = arith.constant 16 : index
    %swap3A_92 = arith.constant 0 : index
    %swap3A_93 = vector.load %arg4[%swap3A_91, %swap3A_92] : memref<768x2048xf32, #tpu.memory_space<vmem>>, vector<8x2048xf32>
    tpu.vector_store %arg4[%swap3A_91, %swap3A_92], %mul3A_90 {strides = array<i32>} : memref<768x2048xf32, #tpu.memory_space<vmem>>, vector<8x2048xf32>,
    %get3A_94 = arith.constant 24 : index
    %get3A_95 = arith.constant 0 : index
    %get3A_96 = vector.load %arg1[%get3A_94, %get3A_95] : memref<128x1xf32, #tpu.memory_space<vmem>>, vector<8x1xf32>
    %get3A_97 = arith.constant 24 : index
    %get3A_98 = arith.constant 0 : index
    %get3A_99 = vector.load %arg2[%get3A_97, %get3A_98] : memref<128x1xf32, #tpu.memory_space<vmem>>, vector<8x1xf32>
    %mul3A_100 = vector.broadcast %broadcast_in_dim3A : vector<1x2048xf32> to vector<8x2048xf32>
    %mul3A_101 = vector.broadcast %get3A_96 : vector<8x1xf32> to vector<8x2048xf32>
    %mul3A_102 = arith.mulf %mul3A_100, %mul3A_101 : vector<8x2048xf32>
    %add3A_103 = vector.broadcast %get3A_99 : vector<8x1xf32> to vector<8x2048xf32>
    %add3A_104 = arith.addf %mul3A_102, %add3A_103 : vector<8x2048xf32>
    %round3A_105 = math.roundeven %add3A_104 : vector<8x2048xf32>
    %sub3A_106 = arith.subf %add3A_104, %round3A_105 : vector<8x2048xf32>
    %mul3A_107 = arith.mulf %sub3A_106, %sub3A_106 : vector<8x2048xf32>
    %mul3A_108 = arith.constant -57.1160888 : f32
    %mul3A_109 = vector.broadcast %mul3A_108 : f32 to vector<8x2048xf32>
    %mul3A_110 = arith.mulf %mul3A_109, %mul3A_107 : vector<8x2048xf32>
    %add3A_111 = arith.constant 78.3270874 : f32
    %add3A_112 = vector.broadcast %add3A_111 : f32 to vector<8x2048xf32>
    %add3A_113 = arith.addf %mul3A_110, %add3A_112 : vector<8x2048xf32>
    %mul3A_114 = arith.mulf %add3A_113, %mul3A_107 : vector<8x2048xf32>
    %add3A_115 = arith.constant -41.1362572 : f32
    %add3A_116 = vector.broadcast %add3A_115 : f32 to vector<8x2048xf32>
    %add3A_117 = arith.addf %mul3A_114, %add3A_116 : vector<8x2048xf32>
    %mul3A_118 = arith.mulf %add3A_117, %mul3A_107 : vector<8x2048xf32>
    %add3A_119 = arith.constant 6.27973079 : f32
    %add3A_120 = vector.broadcast %add3A_119 : f32 to vector<8x2048xf32>
    %add3A_121 = arith.addf %mul3A_118, %add3A_120 : vector<8x2048xf32>
    %mul3A_122 = arith.mulf %add3A_121, %sub3A_106 : vector<8x2048xf32>
    %swap3A_123 = arith.constant 24 : index
    %swap3A_124 = arith.constant 0 : index
    %swap3A_125 = vector.load %arg4[%swap3A_123, %swap3A_124] : memref<768x2048xf32, #tpu.memory_space<vmem>>, vector<8x2048xf32>
    tpu.vector_store %arg4[%swap3A_123, %swap3A_124], %mul3A_122 {strides = array<i32>} : memref<768x2048xf32, #tpu.memory_space<vmem>>, vector<8x2048xf32>,
    %get3A_126 = arith.constant 32 : index
    %get3A_127 = arith.constant 0 : index
    %get3A_128 = vector.load %arg1[%get3A_126, %get3A_127] : memref<128x1xf32, #tpu.memory_space<vmem>>, vector<8x1xf32>
    %get3A_129 = arith.constant 32 : index
    %get3A_130 = arith.constant 0 : index
    %get3A_131 = vector.load %arg2[%get3A_129, %get3A_130] : memref<128x1xf32, #tpu.memory_space<vmem>>, vector<8x1xf32>
    %mul3A_132 = vector.broadcast %broadcast_in_dim3A : vector<1x2048xf32> to vector<8x2048xf32>
    %mul3A_133 = vector.broadcast %get3A_128 : vector<8x1xf32> to vector<8x2048xf32>
    %mul3A_134 = arith.mulf %mul3A_132, %mul3A_133 : vector<8x2048xf32>
    %add3A_135 = vector.broadcast %get3A_131 : vector<8x1xf32> to vector<8x2048xf32>
    %add3A_136 = arith.addf %mul3A_134, %add3A_135 : vector<8x2048xf32>
    %round3A_137 = math.roundeven %add3A_136 : vector<8x2048xf32>
    %sub3A_138 = arith.subf %add3A_136, %round3A_137 : vector<8x2048xf32>
    %mul3A_139 = arith.mulf %sub3A_138, %sub3A_138 : vector<8x2048xf32>
    %mul3A_140 = arith.constant -57.1160888 : f32
    %mul3A_141 = vector.broadcast %mul3A_140 : f32 to vector<8x2048xf32>
    %mul3A_142 = arith.mulf %mul3A_141, %mul3A_139 : vector<8x2048xf32>
    %add3A_143 = arith.constant 78.3270874 : f32
    %add3A_144 = vector.broadcast %add3A_143 : f32 to vector<8x2048xf32>
    %add3A_145 = arith.addf %mul3A_142, %add3A_144 : vector<8x2048xf32>
    %mul3A_146 = arith.mulf %add3A_145, %mul3A_139 : vector<8x2048xf32>
    %add3A_147 = arith.constant -41.1362572 : f32
    %add3A_148 = vector.broadcast %add3A_147 : f32 to vector<8x2048xf32>
    %add3A_149 = arith.addf %mul3A_146, %add3A_148 : vector<8x2048xf32>
    %mul3A_150 = arith.mulf %add3A_149, %mul3A_139 : vector<8x2048xf32>
    %add3A_151 = arith.constant 6.27973079 : f32
    %add3A_152 = vector.broadcast %add3A_151 : f32 to vector<8x2048xf32>
    %add3A_153 = arith.addf %mul3A_150, %add3A_152 : vector<8x2048xf32>
    %mul3A_154 = arith.mulf %add3A_153, %sub3A_138 : vector<8x2048xf32>
    %swap3A_155 = arith.constant 32 : index
    %swap3A_156 = arith.constant 0 : index
    %swap3A_157 = vector.load %arg4[%swap3A_155, %swap3A_156] : memref<768x2048xf32, #tpu.memory_space<vmem>>, vector<8x2048xf32>
    tpu.vector_store %arg4[%swap3A_155, %swap3A_156], %mul3A_154 {strides = array<i32>} : memref<768x2048xf32, #tpu.memory_space<vmem>>, vector<8x2048xf32>,
    %get3A_158 = arith.constant 40 : index
    %get3A_159 = arith.constant 0 : index
    %get3A_160 = vector.load %arg1[%get3A_158, %get3A_159] : memref<128x1xf32, #tpu.memory_space<vmem>>, vector<8x1xf32>
    %get3A_161 = arith.constant 40 : index
    %get3A_162 = arith.constant 0 : index
    %get3A_163 = vector.load %arg2[%get3A_161, %get3A_162] : memref<128x1xf32, #tpu.memory_space<vmem>>, vector<8x1xf32>
    %mul3A_164 = vector.broadcast %broadcast_in_dim3A : vector<1x2048xf32> to vector<8x2048xf32>
    %mul3A_165 = vector.broadcast %get3A_160 : vector<8x1xf32> to vector<8x2048xf32>
    %mul3A_166 = arith.mulf %mul3A_164, %mul3A_165 : vector<8x2048xf32>
    %add3A_167 = vector.broadcast %get3A_163 : vector<8x1xf32> to vector<8x2048xf32>
    %add3A_168 = arith.addf %mul3A_166, %add3A_167 : vector<8x2048xf32>
    %round3A_169 = math.roundeven %add3A_168 : vector<8x2048xf32>
    %sub3A_170 = arith.subf %add3A_168, %round3A_169 : vector<8x2048xf32>
    %mul3A_171 = arith.mulf %sub3A_170, %sub3A_170 : vector<8x2048xf32>
    %mul3A_172 = arith.constant -57.1160888 : f32
    %mul3A_173 = vector.broadcast %mul3A_172 : f32 to vector<8x2048xf32>
    %mul3A_174 = arith.mulf %mul3A_173, %mul3A_171 : vector<8x2048xf32>
    %add3A_175 = arith.constant 78.3270874 : f32
    %add3A_176 = vector.broadcast %add3A_175 : f32 to vector<8x2048xf32>
    %add3A_177 = arith.addf %mul3A_174, %add3A_176 : vector<8x2048xf32>
    %mul3A_178 = arith.mulf %add3A_177, %mul3A_171 : vector<8x2048xf32>
    %add3A_179 = arith.constant -41.1362572 : f32
    %add3A_180 = vector.broadcast %add3A_179 : f32 to vector<8x2048xf32>
    %add3A_181 = arith.addf %mul3A_178, %add3A_180 : vector<8x2048xf32>
    %mul3A_182 = arith.mulf %add3A_181, %mul3A_171 : vector<8x2048xf32>
    %add3A_183 = arith.constant 6.27973079 : f32
    %add3A_184 = vector.broadcast %add3A_183 : f32 to vector<8x2048xf32>
    %add3A_185 = arith.addf %mul3A_182, %add3A_184 : vector<8x2048xf32>
    %mul3A_186 = arith.mulf %add3A_185, %sub3A_170 : vector<8x2048xf32>
    %swap3A_187 = arith.constant 40 : index
    %swap3A_188 = arith.constant 0 : index
    %swap3A_189 = vector.load %arg4[%swap3A_187, %swap3A_188] : memref<768x2048xf32, #tpu.memory_space<vmem>>, vector<8x2048xf32>
    tpu.vector_store %arg4[%swap3A_187, %swap3A_188], %mul3A_186 {strides = array<i32>} : memref<768x2048xf32, #tpu.memory_space<vmem>>, vector<8x2048xf32>,
    %get3A_190 = arith.constant 48 : index
    %get3A_191 = arith.constant 0 : index
    %get3A_192 = vector.load %arg1[%get3A_190, %get3A_191] : memref<128x1xf32, #tpu.memory_space<vmem>>, vector<8x1xf32>
    %get3A_193 = arith.constant 48 : index
    %get3A_194 = arith.constant 0 : index
    %get3A_195 = vector.load %arg2[%get3A_193, %get3A_194] : memref<128x1xf32, #tpu.memory_space<vmem>>, vector<8x1xf32>
    %mul3A_196 = vector.broadcast %broadcast_in_dim3A : vector<1x2048xf32> to vector<8x2048xf32>
    %mul3A_197 = vector.broadcast %get3A_192 : vector<8x1xf32> to vector<8x2048xf32>
    %mul3A_198 = arith.mulf %mul3A_196, %mul3A_197 : vector<8x2048xf32>
    %add3A_199 = vector.broadcast %get3A_195 : vector<8x1xf32> to vector<8x2048xf32>
    %add3A_200 = arith.addf %mul3A_198, %add3A_199 : vector<8x2048xf32>
    %round3A_201 = math.roundeven %add3A_200 : vector<8x2048xf32>
    %sub3A_202 = arith.subf %add3A_200, %round3A_201 : vector<8x2048xf32>
    %mul3A_203 = arith.mulf %sub3A_202, %sub3A_202 : vector<8x2048xf32>
    %mul3A_204 = arith.constant -57.1160888 : f32
    %mul3A_205 = vector.broadcast %mul3A_204 : f32 to vector<8x2048xf32>
    %mul3A_206 = arith.mulf %mul3A_205, %mul3A_203 : vector<8x2048xf32>
    %add3A_207 = arith.constant 78.3270874 : f32
    %add3A_208 = vector.broadcast %add3A_207 : f32 to vector<8x2048xf32>
    %add3A_209 = arith.addf %mul3A_206, %add3A_208 : vector<8x2048xf32>
    %mul3A_210 = arith.mulf %add3A_209, %mul3A_203 : vector<8x2048xf32>
    %add3A_211 = arith.constant -41.1362572 : f32
    %add3A_212 = vector.broadcast %add3A_211 : f32 to vector<8x2048xf32>
    %add3A_213 = arith.addf %mul3A_210, %add3A_212 : vector<8x2048xf32>
    %mul3A_214 = arith.mulf %add3A_213, %mul3A_203 : vector<8x2048xf32>
    %add3A_215 = arith.constant 6.27973079 : f32
    %add3A_216 = vector.broadcast %add3A_215 : f32 to vector<8x2048xf32>
    %add3A_217 = arith.addf %mul3A_214, %add3A_216 : vector<8x2048xf32>
    %mul3A_218 = arith.mulf %add3A_217, %sub3A_202 : vector<8x2048xf32>
    %swap3A_219 = arith.constant 48 : index
    %swap3A_220 = arith.constant 0 : index
    %swap3A_221 = vector.load %arg4[%swap3A_219, %swap3A_220] : memref<768x2048xf32, #tpu.memory_space<vmem>>, vector<8x2048xf32>
    tpu.vector_store %arg4[%swap3A_219, %swap3A_220], %mul3A_218 {strides = array<i32>} : memref<768x2048xf32, #tpu.memory_space<vmem>>, vector<8x2048xf32>,
    %get3A_222 = arith.constant 56 : index
    %get3A_223 = arith.constant 0 : index
    %get3A_224 = vector.load %arg1[%get3A_222, %get3A_223] : memref<128x1xf32, #tpu.memory_space<vmem>>, vector<8x1xf32>
    %get3A_225 = arith.constant 56 : index
    %get3A_226 = arith.constant 0 : index
    %get3A_227 = vector.load %arg2[%get3A_225, %get3A_226] : memref<128x1xf32, #tpu.memory_space<vmem>>, vector<8x1xf32>
    %mul3A_228 = vector.broadcast %broadcast_in_dim3A : vector<1x2048xf32> to vector<8x2048xf32>
    %mul3A_229 = vector.broadcast %get3A_224 : vector<8x1xf32> to vector<8x2048xf32>
    %mul3A_230 = arith.mulf %mul3A_228, %mul3A_229 : vector<8x2048xf32>
    %add3A_231 = vector.broadcast %get3A_227 : vector<8x1xf32> to vector<8x2048xf32>
    %add3A_232 = arith.addf %mul3A_230, %add3A_231 : vector<8x2048xf32>
    %round3A_233 = math.roundeven %add3A_232 : vector<8x2048xf32>
    %sub3A_234 = arith.subf %add3A_232, %round3A_233 : vector<8x2048xf32>
    %mul3A_235 = arith.mulf %sub3A_234, %sub3A_234 : vector<8x2048xf32>
    %mul3A_236 = arith.constant -57.1160888 : f32
    %mul3A_237 = vector.broadcast %mul3A_236 : f32 to vector<8x2048xf32>
    %mul3A_238 = arith.mulf %mul3A_237, %mul3A_235 : vector<8x2048xf32>
    %add3A_239 = arith.constant 78.3270874 : f32
    %add3A_240 = vector.broadcast %add3A_239 : f32 to vector<8x2048xf32>
    %add3A_241 = arith.addf %mul3A_238, %add3A_240 : vector<8x2048xf32>
    %mul3A_242 = arith.mulf %add3A_241, %mul3A_235 : vector<8x2048xf32>
    %add3A_243 = arith.constant -41.1362572 : f32
    %add3A_244 = vector.broadcast %add3A_243 : f32 to vector<8x2048xf32>
    %add3A_245 = arith.addf %mul3A_242, %add3A_244 : vector<8x2048xf32>
    %mul3A_246 = arith.mulf %add3A_245, %mul3A_235 : vector<8x2048xf32>
    %add3A_247 = arith.constant 6.27973079 : f32
    %add3A_248 = vector.broadcast %add3A_247 : f32 to vector<8x2048xf32>
    %add3A_249 = arith.addf %mul3A_246, %add3A_248 : vector<8x2048xf32>
    %mul3A_250 = arith.mulf %add3A_249, %sub3A_234 : vector<8x2048xf32>
    %swap3A_251 = arith.constant 56 : index
    %swap3A_252 = arith.constant 0 : index
    %swap3A_253 = vector.load %arg4[%swap3A_251, %swap3A_252] : memref<768x2048xf32, #tpu.memory_space<vmem>>, vector<8x2048xf32>
    tpu.vector_store %arg4[%swap3A_251, %swap3A_252], %mul3A_250 {strides = array<i32>} : memref<768x2048xf32, #tpu.memory_space<vmem>>, vector<8x2048xf32>,
    %get3A_254 = arith.constant 64 : index
    %get3A_255 = arith.constant 0 : index
    %get3A_256 = vector.load %arg1[%get3A_254, %get3A_255] : memref<128x1xf32, #tpu.memory_space<vmem>>, vector<8x1xf32>
    %get3A_257 = arith.constant 64 : index
    %get3A_258 = arith.constant 0 : index
    %get3A_259 = vector.load %arg2[%get3A_257, %get3A_258] : memref<128x1xf32, #tpu.memory_space<vmem>>, vector<8x1xf32>
    %mul3A_260 = vector.broadcast %broadcast_in_dim3A : vector<1x2048xf32> to vector<8x2048xf32>
    %mul3A_261 = vector.broadcast %get3A_256 : vector<8x1xf32> to vector<8x2048xf32>
    %mul3A_262 = arith.mulf %mul3A_260, %mul3A_261 : vector<8x2048xf32>
    %add3A_263 = vector.broadcast %get3A_259 : vector<8x1xf32> to vector<8x2048xf32>
    %add3A_264 = arith.addf %mul3A_262, %add3A_263 : vector<8x2048xf32>
    %round3A_265 = math.roundeven %add3A_264 : vector<8x2048xf32>
    %sub3A_266 = arith.subf %add3A_264, %round3A_265 : vector<8x2048xf32>
    %mul3A_267 = arith.mulf %sub3A_266, %sub3A_266 : vector<8x2048xf32>
    %mul3A_268 = arith.constant -57.1160888 : f32
    %mul3A_269 = vector.broadcast %mul3A_268 : f32 to vector<8x2048xf32>
    %mul3A_270 = arith.mulf %mul3A_269, %mul3A_267 : vector<8x2048xf32>
    %add3A_271 = arith.constant 78.3270874 : f32
    %add3A_272 = vector.broadcast %add3A_271 : f32 to vector<8x2048xf32>
    %add3A_273 = arith.addf %mul3A_270, %add3A_272 : vector<8x2048xf32>
    %mul3A_274 = arith.mulf %add3A_273, %mul3A_267 : vector<8x2048xf32>
    %add3A_275 = arith.constant -41.1362572 : f32
    %add3A_276 = vector.broadcast %add3A_275 : f32 to vector<8x2048xf32>
    %add3A_277 = arith.addf %mul3A_274, %add3A_276 : vector<8x2048xf32>
    %mul3A_278 = arith.mulf %add3A_277, %mul3A_267 : vector<8x2048xf32>
    %add3A_279 = arith.constant 6.27973079 : f32
    %add3A_280 = vector.broadcast %add3A_279 : f32 to vector<8x2048xf32>
    %add3A_281 = arith.addf %mul3A_278, %add3A_280 : vector<8x2048xf32>
    %mul3A_282 = arith.mulf %add3A_281, %sub3A_266 : vector<8x2048xf32>
    %swap3A_283 = arith.constant 64 : index
    %swap3A_284 = arith.constant 0 : index
    %swap3A_285 = vector.load %arg4[%swap3A_283, %swap3A_284] : memref<768x2048xf32, #tpu.memory_space<vmem>>, vector<8x2048xf32>
    tpu.vector_store %arg4[%swap3A_283, %swap3A_284], %mul3A_282 {strides = array<i32>} : memref<768x2048xf32, #tpu.memory_space<vmem>>, vector<8x2048xf32>,
    %get3A_286 = arith.constant 72 : index
    %get3A_287 = arith.constant 0 : index
    %get3A_288 = vector.load %arg1[%get3A_286, %get3A_287] : memref<128x1xf32, #tpu.memory_space<vmem>>, vector<8x1xf32>
    %get3A_289 = arith.constant 72 : index
    %get3A_290 = arith.constant 0 : index
    %get3A_291 = vector.load %arg2[%get3A_289, %get3A_290] : memref<128x1xf32, #tpu.memory_space<vmem>>, vector<8x1xf32>
    %mul3A_292 = vector.broadcast %broadcast_in_dim3A : vector<1x2048xf32> to vector<8x2048xf32>
    %mul3A_293 = vector.broadcast %get3A_288 : vector<8x1xf32> to vector<8x2048xf32>
    %mul3A_294 = arith.mulf %mul3A_292, %mul3A_293 : vector<8x2048xf32>
    %add3A_295 = vector.broadcast %get3A_291 : vector<8x1xf32> to vector<8x2048xf32>
    %add3A_296 = arith.addf %mul3A_294, %add3A_295 : vector<8x2048xf32>
    %round3A_297 = math.roundeven %add3A_296 : vector<8x2048xf32>
    %sub3A_298 = arith.subf %add3A_296, %round3A_297 : vector<8x2048xf32>
    %mul3A_299 = arith.mulf %sub3A_298, %sub3A_298 : vector<8x2048xf32>
    %mul3A_300 = arith.constant -57.1160888 : f32
    %mul3A_301 = vector.broadcast %mul3A_300 : f32 to vector<8x2048xf32>
    %mul3A_302 = arith.mulf %mul3A_301, %mul3A_299 : vector<8x2048xf32>
    %add3A_303 = arith.constant 78.3270874 : f32
    %add3A_304 = vector.broadcast %add3A_303 : f32 to vector<8x2048xf32>
    %add3A_305 = arith.addf %mul3A_302, %add3A_304 : vector<8x2048xf32>
    %mul3A_306 = arith.mulf %add3A_305, %mul3A_299 : vector<8x2048xf32>
    %add3A_307 = arith.constant -41.1362572 : f32
    %add3A_308 = vector.broadcast %add3A_307 : f32 to vector<8x2048xf32>
    %add3A_309 = arith.addf %mul3A_306, %add3A_308 : vector<8x2048xf32>
    %mul3A_310 = arith.mulf %add3A_309, %mul3A_299 : vector<8x2048xf32>
    %add3A_311 = arith.constant 6.27973079 : f32
    %add3A_312 = vector.broadcast %add3A_311 : f32 to vector<8x2048xf32>
    %add3A_313 = arith.addf %mul3A_310, %add3A_312 : vector<8x2048xf32>
    %mul3A_314 = arith.mulf %add3A_313, %sub3A_298 : vector<8x2048xf32>
    %swap3A_315 = arith.constant 72 : index
    %swap3A_316 = arith.constant 0 : index
    %swap3A_317 = vector.load %arg4[%swap3A_315, %swap3A_316] : memref<768x2048xf32, #tpu.memory_space<vmem>>, vector<8x2048xf32>
    tpu.vector_store %arg4[%swap3A_315, %swap3A_316], %mul3A_314 {strides = array<i32>} : memref<768x2048xf32, #tpu.memory_space<vmem>>, vector<8x2048xf32>,
    %get3A_318 = arith.constant 80 : index
    %get3A_319 = arith.constant 0 : index
    %get3A_320 = vector.load %arg1[%get3A_318, %get3A_319] : memref<128x1xf32, #tpu.memory_space<vmem>>, vector<8x1xf32>
    %get3A_321 = arith.constant 80 : index
    %get3A_322 = arith.constant 0 : index
    %get3A_323 = vector.load %arg2[%get3A_321, %get3A_322] : memref<128x1xf32, #tpu.memory_space<vmem>>, vector<8x1xf32>
    %mul3A_324 = vector.broadcast %broadcast_in_dim3A : vector<1x2048xf32> to vector<8x2048xf32>
    %mul3A_325 = vector.broadcast %get3A_320 : vector<8x1xf32> to vector<8x2048xf32>
    %mul3A_326 = arith.mulf %mul3A_324, %mul3A_325 : vector<8x2048xf32>
    %add3A_327 = vector.broadcast %get3A_323 : vector<8x1xf32> to vector<8x2048xf32>
    %add3A_328 = arith.addf %mul3A_326, %add3A_327 : vector<8x2048xf32>
    %round3A_329 = math.roundeven %add3A_328 : vector<8x2048xf32>
    %sub3A_330 = arith.subf %add3A_328, %round3A_329 : vector<8x2048xf32>
    %mul3A_331 = arith.mulf %sub3A_330, %sub3A_330 : vector<8x2048xf32>
    %mul3A_332 = arith.constant -57.1160888 : f32
    %mul3A_333 = vector.broadcast %mul3A_332 : f32 to vector<8x2048xf32>
    %mul3A_334 = arith.mulf %mul3A_333, %mul3A_331 : vector<8x2048xf32>
    %add3A_335 = arith.constant 78.3270874 : f32
    %add3A_336 = vector.broadcast %add3A_335 : f32 to vector<8x2048xf32>
    %add3A_337 = arith.addf %mul3A_334, %add3A_336 : vector<8x2048xf32>
    %mul3A_338 = arith.mulf %add3A_337, %mul3A_331 : vector<8x2048xf32>
    %add3A_339 = arith.constant -41.1362572 : f32
    %add3A_340 = vector.broadcast %add3A_339 : f32 to vector<8x2048xf32>
    %add3A_341 = arith.addf %mul3A_338, %add3A_340 : vector<8x2048xf32>
    %mul3A_342 = arith.mulf %add3A_341, %mul3A_331 : vector<8x2048xf32>
    %add3A_343 = arith.constant 6.27973079 : f32
    %add3A_344 = vector.broadcast %add3A_343 : f32 to vector<8x2048xf32>
    %add3A_345 = arith.addf %mul3A_342, %add3A_344 : vector<8x2048xf32>
    %mul3A_346 = arith.mulf %add3A_345, %sub3A_330 : vector<8x2048xf32>
    %swap3A_347 = arith.constant 80 : index
    %swap3A_348 = arith.constant 0 : index
    %swap3A_349 = vector.load %arg4[%swap3A_347, %swap3A_348] : memref<768x2048xf32, #tpu.memory_space<vmem>>, vector<8x2048xf32>
    tpu.vector_store %arg4[%swap3A_347, %swap3A_348], %mul3A_346 {strides = array<i32>} : memref<768x2048xf32, #tpu.memory_space<vmem>>, vector<8x2048xf32>,
    %get3A_350 = arith.constant 88 : index
    %get3A_351 = arith.constant 0 : index
    %get3A_352 = vector.load %arg1[%get3A_350, %get3A_351] : memref<128x1xf32, #tpu.memory_space<vmem>>, vector<8x1xf32>
    %get3A_353 = arith.constant 88 : index
    %get3A_354 = arith.constant 0 : index
    %get3A_355 = vector.load %arg2[%get3A_353, %get3A_354] : memref<128x1xf32, #tpu.memory_space<vmem>>, vector<8x1xf32>
    %mul3A_356 = vector.broadcast %broadcast_in_dim3A : vector<1x2048xf32> to vector<8x2048xf32>
    %mul3A_357 = vector.broadcast %get3A_352 : vector<8x1xf32> to vector<8x2048xf32>
    %mul3A_358 = arith.mulf %mul3A_356, %mul3A_357 : vector<8x2048xf32>
    %add3A_359 = vector.broadcast %get3A_355 : vector<8x1xf32> to vector<8x2048xf32>
    %add3A_360 = arith.addf %mul3A_358, %add3A_359 : vector<8x2048xf32>
    %round3A_361 = math.roundeven %add3A_360 : vector<8x2048xf32>
    %sub3A_362 = arith.subf %add3A_360, %round3A_361 : vector<8x2048xf32>
    %mul3A_363 = arith.mulf %sub3A_362, %sub3A_362 : vector<8x2048xf32>
    %mul3A_364 = arith.constant -57.1160888 : f32
    %mul3A_365 = vector.broadcast %mul3A_364 : f32 to vector<8x2048xf32>
    %mul3A_366 = arith.mulf %mul3A_365, %mul3A_363 : vector<8x2048xf32>
    %add3A_367 = arith.constant 78.3270874 : f32
    %add3A_368 = vector.broadcast %add3A_367 : f32 to vector<8x2048xf32>
    %add3A_369 = arith.addf %mul3A_366, %add3A_368 : vector<8x2048xf32>
    %mul3A_370 = arith.mulf %add3A_369, %mul3A_363 : vector<8x2048xf32>
    %add3A_371 = arith.constant -41.1362572 : f32
    %add3A_372 = vector.broadcast %add3A_371 : f32 to vector<8x2048xf32>
    %add3A_373 = arith.addf %mul3A_370, %add3A_372 : vector<8x2048xf32>
    %mul3A_374 = arith.mulf %add3A_373, %mul3A_363 : vector<8x2048xf32>
    %add3A_375 = arith.constant 6.27973079 : f32
    %add3A_376 = vector.broadcast %add3A_375 : f32 to vector<8x2048xf32>
    %add3A_377 = arith.addf %mul3A_374, %add3A_376 : vector<8x2048xf32>
    %mul3A_378 = arith.mulf %add3A_377, %sub3A_362 : vector<8x2048xf32>
    %swap3A_379 = arith.constant 88 : index
    %swap3A_380 = arith.constant 0 : index
    %swap3A_381 = vector.load %arg4[%swap3A_379, %swap3A_380] : memref<768x2048xf32, #tpu.memory_space<vmem>>, vector<8x2048xf32>
    tpu.vector_store %arg4[%swap3A_379, %swap3A_380], %mul3A_378 {strides = array<i32>} : memref<768x2048xf32, #tpu.memory_space<vmem>>, vector<8x2048xf32>,
    %get3A_382 = arith.constant 96 : index
    %get3A_383 = arith.constant 0 : index
    %get3A_384 = vector.load %arg1[%get3A_382, %get3A_383] : memref<128x1xf32, #tpu.memory_space<vmem>>, vector<8x1xf32>
    %get3A_385 = arith.constant 96 : index
    %get3A_386 = arith.constant 0 : index
    %get3A_387 = vector.load %arg2[%get3A_385, %get3A_386] : memref<128x1xf32, #tpu.memory_space<vmem>>, vector<8x1xf32>
    %mul3A_388 = vector.broadcast %broadcast_in_dim3A : vector<1x2048xf32> to vector<8x2048xf32>
    %mul3A_389 = vector.broadcast %get3A_384 : vector<8x1xf32> to vector<8x2048xf32>
    %mul3A_390 = arith.mulf %mul3A_388, %mul3A_389 : vector<8x2048xf32>
    %add3A_391 = vector.broadcast %get3A_387 : vector<8x1xf32> to vector<8x2048xf32>
    %add3A_392 = arith.addf %mul3A_390, %add3A_391 : vector<8x2048xf32>
    %round3A_393 = math.roundeven %add3A_392 : vector<8x2048xf32>
    %sub3A_394 = arith.subf %add3A_392, %round3A_393 : vector<8x2048xf32>
    %mul3A_395 = arith.mulf %sub3A_394, %sub3A_394 : vector<8x2048xf32>
    %mul3A_396 = arith.constant -57.1160888 : f32
    %mul3A_397 = vector.broadcast %mul3A_396 : f32 to vector<8x2048xf32>
    %mul3A_398 = arith.mulf %mul3A_397, %mul3A_395 : vector<8x2048xf32>
    %add3A_399 = arith.constant 78.3270874 : f32
    %add3A_400 = vector.broadcast %add3A_399 : f32 to vector<8x2048xf32>
    %add3A_401 = arith.addf %mul3A_398, %add3A_400 : vector<8x2048xf32>
    %mul3A_402 = arith.mulf %add3A_401, %mul3A_395 : vector<8x2048xf32>
    %add3A_403 = arith.constant -41.1362572 : f32
    %add3A_404 = vector.broadcast %add3A_403 : f32 to vector<8x2048xf32>
    %add3A_405 = arith.addf %mul3A_402, %add3A_404 : vector<8x2048xf32>
    %mul3A_406 = arith.mulf %add3A_405, %mul3A_395 : vector<8x2048xf32>
    %add3A_407 = arith.constant 6.27973079 : f32
    %add3A_408 = vector.broadcast %add3A_407 : f32 to vector<8x2048xf32>
    %add3A_409 = arith.addf %mul3A_406, %add3A_408 : vector<8x2048xf32>
    %mul3A_410 = arith.mulf %add3A_409, %sub3A_394 : vector<8x2048xf32>
    %swap3A_411 = arith.constant 96 : index
    %swap3A_412 = arith.constant 0 : index
    %swap3A_413 = vector.load %arg4[%swap3A_411, %swap3A_412] : memref<768x2048xf32, #tpu.memory_space<vmem>>, vector<8x2048xf32>
    tpu.vector_store %arg4[%swap3A_411, %swap3A_412], %mul3A_410 {strides = array<i32>} : memref<768x2048xf32, #tpu.memory_space<vmem>>, vector<8x2048xf32>,
    %get3A_414 = arith.constant 104 : index
    %get3A_415 = arith.constant 0 : index
    %get3A_416 = vector.load %arg1[%get3A_414, %get3A_415] : memref<128x1xf32, #tpu.memory_space<vmem>>, vector<8x1xf32>
    %get3A_417 = arith.constant 104 : index
    %get3A_418 = arith.constant 0 : index
    %get3A_419 = vector.load %arg2[%get3A_417, %get3A_418] : memref<128x1xf32, #tpu.memory_space<vmem>>, vector<8x1xf32>
    %mul3A_420 = vector.broadcast %broadcast_in_dim3A : vector<1x2048xf32> to vector<8x2048xf32>
    %mul3A_421 = vector.broadcast %get3A_416 : vector<8x1xf32> to vector<8x2048xf32>
    %mul3A_422 = arith.mulf %mul3A_420, %mul3A_421 : vector<8x2048xf32>
    %add3A_423 = vector.broadcast %get3A_419 : vector<8x1xf32> to vector<8x2048xf32>
    %add3A_424 = arith.addf %mul3A_422, %add3A_423 : vector<8x2048xf32>
    %round3A_425 = math.roundeven %add3A_424 : vector<8x2048xf32>
    %sub3A_426 = arith.subf %add3A_424, %round3A_425 : vector<8x2048xf32>
    %mul3A_427 = arith.mulf %sub3A_426, %sub3A_426 : vector<8x2048xf32>
    %mul3A_428 = arith.constant -57.1160888 : f32
    %mul3A_429 = vector.broadcast %mul3A_428 : f32 to vector<8x2048xf32>
    %mul3A_430 = arith.mulf %mul3A_429, %mul3A_427 : vector<8x2048xf32>
    %add3A_431 = arith.constant 78.3270874 : f32
    %add3A_432 = vector.broadcast %add3A_431 : f32 to vector<8x2048xf32>
    %add3A_433 = arith.addf %mul3A_430, %add3A_432 : vector<8x2048xf32>
    %mul3A_434 = arith.mulf %add3A_433, %mul3A_427 : vector<8x2048xf32>
    %add3A_435 = arith.constant -41.1362572 : f32
    %add3A_436 = vector.broadcast %add3A_435 : f32 to vector<8x2048xf32>
    %add3A_437 = arith.addf %mul3A_434, %add3A_436 : vector<8x2048xf32>
    %mul3A_438 = arith.mulf %add3A_437, %mul3A_427 : vector<8x2048xf32>
    %add3A_439 = arith.constant 6.27973079 : f32
    %add3A_440 = vector.broadcast %add3A_439 : f32 to vector<8x2048xf32>
    %add3A_441 = arith.addf %mul3A_438, %add3A_440 : vector<8x2048xf32>
    %mul3A_442 = arith.mulf %add3A_441, %sub3A_426 : vector<8x2048xf32>
    %swap3A_443 = arith.constant 104 : index
    %swap3A_444 = arith.constant 0 : index
    %swap3A_445 = vector.load %arg4[%swap3A_443, %swap3A_444] : memref<768x2048xf32, #tpu.memory_space<vmem>>, vector<8x2048xf32>
    tpu.vector_store %arg4[%swap3A_443, %swap3A_444], %mul3A_442 {strides = array<i32>} : memref<768x2048xf32, #tpu.memory_space<vmem>>, vector<8x2048xf32>,
    %get3A_446 = arith.constant 112 : index
    %get3A_447 = arith.constant 0 : index
    %get3A_448 = vector.load %arg1[%get3A_446, %get3A_447] : memref<128x1xf32, #tpu.memory_space<vmem>>, vector<8x1xf32>
    %get3A_449 = arith.constant 112 : index
    %get3A_450 = arith.constant 0 : index
    %get3A_451 = vector.load %arg2[%get3A_449, %get3A_450] : memref<128x1xf32, #tpu.memory_space<vmem>>, vector<8x1xf32>
    %mul3A_452 = vector.broadcast %broadcast_in_dim3A : vector<1x2048xf32> to vector<8x2048xf32>
    %mul3A_453 = vector.broadcast %get3A_448 : vector<8x1xf32> to vector<8x2048xf32>
    %mul3A_454 = arith.mulf %mul3A_452, %mul3A_453 : vector<8x2048xf32>
    %add3A_455 = vector.broadcast %get3A_451 : vector<8x1xf32> to vector<8x2048xf32>
    %add3A_456 = arith.addf %mul3A_454, %add3A_455 : vector<8x2048xf32>
    %round3A_457 = math.roundeven %add3A_456 : vector<8x2048xf32>
    %sub3A_458 = arith.subf %add3A_456, %round3A_457 : vector<8x2048xf32>
    %mul3A_459 = arith.mulf %sub3A_458, %sub3A_458 : vector<8x2048xf32>
    %mul3A_460 = arith.constant -57.1160888 : f32
    %mul3A_461 = vector.broadcast %mul3A_460 : f32 to vector<8x2048xf32>
    %mul3A_462 = arith.mulf %mul3A_461, %mul3A_459 : vector<8x2048xf32>
    %add3A_463 = arith.constant 78.3270874 : f32
    %add3A_464 = vector.broadcast %add3A_463 : f32 to vector<8x2048xf32>
    %add3A_465 = arith.addf %mul3A_462, %add3A_464 : vector<8x2048xf32>
    %mul3A_466 = arith.mulf %add3A_465, %mul3A_459 : vector<8x2048xf32>
    %add3A_467 = arith.constant -41.1362572 : f32
    %add3A_468 = vector.broadcast %add3A_467 : f32 to vector<8x2048xf32>
    %add3A_469 = arith.addf %mul3A_466, %add3A_468 : vector<8x2048xf32>
    %mul3A_470 = arith.mulf %add3A_469, %mul3A_459 : vector<8x2048xf32>
    %add3A_471 = arith.constant 6.27973079 : f32
    %add3A_472 = vector.broadcast %add3A_471 : f32 to vector<8x2048xf32>
    %add3A_473 = arith.addf %mul3A_470, %add3A_472 : vector<8x2048xf32>
    %mul3A_474 = arith.mulf %add3A_473, %sub3A_458 : vector<8x2048xf32>
    %swap3A_475 = arith.constant 112 : index
    %swap3A_476 = arith.constant 0 : index
    %swap3A_477 = vector.load %arg4[%swap3A_475, %swap3A_476] : memref<768x2048xf32, #tpu.memory_space<vmem>>, vector<8x2048xf32>
    tpu.vector_store %arg4[%swap3A_475, %swap3A_476], %mul3A_474 {strides = array<i32>} : memref<768x2048xf32, #tpu.memory_space<vmem>>, vector<8x2048xf32>,
    %get3A_478 = arith.constant 120 : index
    %get3A_479 = arith.constant 0 : index
    %get3A_480 = vector.load %arg1[%get3A_478, %get3A_479] : memref<128x1xf32, #tpu.memory_space<vmem>>, vector<8x1xf32>
    %get3A_481 = arith.constant 120 : index
    %get3A_482 = arith.constant 0 : index
    %get3A_483 = vector.load %arg2[%get3A_481, %get3A_482] : memref<128x1xf32, #tpu.memory_space<vmem>>, vector<8x1xf32>
    %mul3A_484 = vector.broadcast %broadcast_in_dim3A : vector<1x2048xf32> to vector<8x2048xf32>
    %mul3A_485 = vector.broadcast %get3A_480 : vector<8x1xf32> to vector<8x2048xf32>
    %mul3A_486 = arith.mulf %mul3A_484, %mul3A_485 : vector<8x2048xf32>
    %add3A_487 = vector.broadcast %get3A_483 : vector<8x1xf32> to vector<8x2048xf32>
    %add3A_488 = arith.addf %mul3A_486, %add3A_487 : vector<8x2048xf32>
    %round3A_489 = math.roundeven %add3A_488 : vector<8x2048xf32>
    %sub3A_490 = arith.subf %add3A_488, %round3A_489 : vector<8x2048xf32>
    %mul3A_491 = arith.mulf %sub3A_490, %sub3A_490 : vector<8x2048xf32>
    %mul3A_492 = arith.constant -57.1160888 : f32
    %mul3A_493 = vector.broadcast %mul3A_492 : f32 to vector<8x2048xf32>
    %mul3A_494 = arith.mulf %mul3A_493, %mul3A_491 : vector<8x2048xf32>
    %add3A_495 = arith.constant 78.3270874 : f32
    %add3A_496 = vector.broadcast %add3A_495 : f32 to vector<8x2048xf32>
    %add3A_497 = arith.addf %mul3A_494, %add3A_496 : vector<8x2048xf32>
    %mul3A_498 = arith.mulf %add3A_497, %mul3A_491 : vector<8x2048xf32>
    %add3A_499 = arith.constant -41.1362572 : f32
    %add3A_500 = vector.broadcast %add3A_499 : f32 to vector<8x2048xf32>
    %add3A_501 = arith.addf %mul3A_498, %add3A_500 : vector<8x2048xf32>
    %mul3A_502 = arith.mulf %add3A_501, %mul3A_491 : vector<8x2048xf32>
    %add3A_503 = arith.constant 6.27973079 : f32
    %add3A_504 = vector.broadcast %add3A_503 : f32 to vector<8x2048xf32>
    %add3A_505 = arith.addf %mul3A_502, %add3A_504 : vector<8x2048xf32>
    %mul3A_506 = arith.mulf %add3A_505, %sub3A_490 : vector<8x2048xf32>
    %swap3A_507 = arith.constant 120 : index
    %swap3A_508 = arith.constant 0 : index
    %swap3A_509 = vector.load %arg4[%swap3A_507, %swap3A_508] : memref<768x2048xf32, #tpu.memory_space<vmem>>, vector<8x2048xf32>
    tpu.vector_store %arg4[%swap3A_507, %swap3A_508], %mul3A_506 {strides = array<i32>} : memref<768x2048xf32, #tpu.memory_space<vmem>>, vector<8x2048xf32>,
    %get3A_510 = arith.constant 1 : index
    %get3A_511 = arith.constant 0 : index
    %get3A_512 = vector.load %arg3[%get3A_510, %get3A_511] : memref<6x2048xf32, #tpu.memory_space<vmem>>, vector<1x2048xf32>
    %get3A_513 = vector.shape_cast %get3A_512 : vector<1x2048xf32> to vector<2048xf32>
    %broadcast_in_dim3A_514 = vector.shape_cast %get3A_513 : vector<2048xf32> to vector<1x2048xf32>
    %get3A_515 = arith.constant 0 : index
    %get3A_516 = arith.constant 0 : index
    %get3A_517 = vector.load %arg1[%get3A_515, %get3A_516] : memref<128x1xf32, #tpu.memory_space<vmem>>, vector<8x1xf32>
    %get3A_518 = arith.constant 0 : index
    %get3A_519 = arith.constant 0 : index
    %get3A_520 = vector.load %arg2[%get3A_518, %get3A_519] : memref<128x1xf32, #tpu.memory_space<vmem>>, vector<8x1xf32>
    %mul3A_521 = vector.broadcast %broadcast_in_dim3A_514 : vector<1x2048xf32> to vector<8x2048xf32>
    %mul3A_522 = vector.broadcast %get3A_517 : vector<8x1xf32> to vector<8x2048xf32>
    %mul3A_523 = arith.mulf %mul3A_521, %mul3A_522 : vector<8x2048xf32>
    %add3A_524 = vector.broadcast %get3A_520 : vector<8x1xf32> to vector<8x2048xf32>
    %add3A_525 = arith.addf %mul3A_523, %add3A_524 : vector<8x2048xf32>
    %round3A_526 = math.roundeven %add3A_525 : vector<8x2048xf32>
    %sub3A_527 = arith.subf %add3A_525, %round3A_526 : vector<8x2048xf32>
    %mul3A_528 = arith.mulf %sub3A_527, %sub3A_527 : vector<8x2048xf32>
    %mul3A_529 = arith.constant -57.1160888 : f32
    %mul3A_530 = vector.broadcast %mul3A_529 : f32 to vector<8x2048xf32>
    %mul3A_531 = arith.mulf %mul3A_530, %mul3A_528 : vector<8x2048xf32>
    %add3A_532 = arith.constant 78.3270874 : f32
    %add3A_533 = vector.broadcast %add3A_532 : f32 to vector<8x2048xf32>
    %add3A_534 = arith.addf %mul3A_531, %add3A_533 : vector<8x2048xf32>
    %mul3A_535 = arith.mulf %add3A_534, %mul3A_528 : vector<8x2048xf32>
    %add3A_536 = arith.constant -41.1362572 : f32
    %add3A_537 = vector.broadcast %add3A_536 : f32 to vector<8x2048xf32>
    %add3A_538 = arith.addf %mul3A_535, %add3A_537 : vector<8x2048xf32>
    %mul3A_539 = arith.mulf %add3A_538, %mul3A_528 : vector<8x2048xf32>
    %add3A_540 = arith.constant 6.27973079 : f32
    %add3A_541 = vector.broadcast %add3A_540 : f32 to vector<8x2048xf32>
    %add3A_542 = arith.addf %mul3A_539, %add3A_541 : vector<8x2048xf32>
    %mul3A_543 = arith.mulf %add3A_542, %sub3A_527 : vector<8x2048xf32>
    %swap3A_544 = arith.constant 128 : index
    %swap3A_545 = arith.constant 0 : index
    %swap3A_546 = vector.load %arg4[%swap3A_544, %swap3A_545] : memref<768x2048xf32, #tpu.memory_space<vmem>>, vector<8x2048xf32>
    tpu.vector_store %arg4[%swap3A_544, %swap3A_545], %mul3A_543 {strides = array<i32>} : memref<768x2048xf32, #tpu.memory_space<vmem>>, vector<8x2048xf32>,
    %get3A_547 = arith.constant 8 : index
    %get3A_548 = arith.constant 0 : index
    %get3A_549 = vector.load %arg1[%get3A_547, %get3A_548] : memref<128x1xf32, #tpu.memory_space<vmem>>, vector<8x1xf32>
    %get3A_550 = arith.constant 8 : index
    %get3A_551 = arith.constant 0 : index
    %get3A_552 = vector.load %arg2[%get3A_550, %get3A_551] : memref<128x1xf32, #tpu.memory_space<vmem>>, vector<8x1xf32>
    %mul3A_553 = vector.broadcast %broadcast_in_dim3A_514 : vector<1x2048xf32> to vector<8x2048xf32>
    %mul3A_554 = vector.broadcast %get3A_549 : vector<8x1xf32> to vector<8x2048xf32>
    %mul3A_555 = arith.mulf %mul3A_553, %mul3A_554 : vector<8x2048xf32>
    %add3A_556 = vector.broadcast %get3A_552 : vector<8x1xf32> to vector<8x2048xf32>
    %add3A_557 = arith.addf %mul3A_555, %add3A_556 : vector<8x2048xf32>
    %round3A_558 = math.roundeven %add3A_557 : vector<8x2048xf32>
    %sub3A_559 = arith.subf %add3A_557, %round3A_558 : vector<8x2048xf32>
    %mul3A_560 = arith.mulf %sub3A_559, %sub3A_559 : vector<8x2048xf32>
    %mul3A_561 = arith.constant -57.1160888 : f32
    %mul3A_562 = vector.broadcast %mul3A_561 : f32 to vector<8x2048xf32>
    %mul3A_563 = arith.mulf %mul3A_562, %mul3A_560 : vector<8x2048xf32>
    %add3A_564 = arith.constant 78.3270874 : f32
    %add3A_565 = vector.broadcast %add3A_564 : f32 to vector<8x2048xf32>
    %add3A_566 = arith.addf %mul3A_563, %add3A_565 : vector<8x2048xf32>
    %mul3A_567 = arith.mulf %add3A_566, %mul3A_560 : vector<8x2048xf32>
    %add3A_568 = arith.constant -41.1362572 : f32
    %add3A_569 = vector.broadcast %add3A_568 : f32 to vector<8x2048xf32>
    %add3A_570 = arith.addf %mul3A_567, %add3A_569 : vector<8x2048xf32>
    %mul3A_571 = arith.mulf %add3A_570, %mul3A_560 : vector<8x2048xf32>
    %add3A_572 = arith.constant 6.27973079 : f32
    %add3A_573 = vector.broadcast %add3A_572 : f32 to vector<8x2048xf32>
    %add3A_574 = arith.addf %mul3A_571, %add3A_573 : vector<8x2048xf32>
    %mul3A_575 = arith.mulf %add3A_574, %sub3A_559 : vector<8x2048xf32>
    %swap3A_576 = arith.constant 136 : index
    %swap3A_577 = arith.constant 0 : index
    %swap3A_578 = vector.load %arg4[%swap3A_576, %swap3A_577] : memref<768x2048xf32, #tpu.memory_space<vmem>>, vector<8x2048xf32>
    tpu.vector_store %arg4[%swap3A_576, %swap3A_577], %mul3A_575 {strides = array<i32>} : memref<768x2048xf32, #tpu.memory_space<vmem>>, vector<8x2048xf32>,
    %get3A_579 = arith.constant 16 : index
    %get3A_580 = arith.constant 0 : index
    %get3A_581 = vector.load %arg1[%get3A_579, %get3A_580] : memref<128x1xf32, #tpu.memory_space<vmem>>, vector<8x1xf32>
    %get3A_582 = arith.constant 16 : index
    %get3A_583 = arith.constant 0 : index
    %get3A_584 = vector.load %arg2[%get3A_582, %get3A_583] : memref<128x1xf32, #tpu.memory_space<vmem>>, vector<8x1xf32>
    %mul3A_585 = vector.broadcast %broadcast_in_dim3A_514 : vector<1x2048xf32> to vector<8x2048xf32>
    %mul3A_586 = vector.broadcast %get3A_581 : vector<8x1xf32> to vector<8x2048xf32>
    %mul3A_587 = arith.mulf %mul3A_585, %mul3A_586 : vector<8x2048xf32>
    %add3A_588 = vector.broadcast %get3A_584 : vector<8x1xf32> to vector<8x2048xf32>
    %add3A_589 = arith.addf %mul3A_587, %add3A_588 : vector<8x2048xf32>
    %round3A_590 = math.roundeven %add3A_589 : vector<8x2048xf32>
    %sub3A_591 = arith.subf %add3A_589, %round3A_590 : vector<8x2048xf32>
    %mul3A_592 = arith.mulf %sub3A_591, %sub3A_591 : vector<8x2048xf32>
    %mul3A_593 = arith.constant -57.1160888 : f32
    %mul3A_594 = vector.broadcast %mul3A_593 : f32 to vector<8x2048xf32>
    %mul3A_595 = arith.mulf %mul3A_594, %mul3A_592 : vector<8x2048xf32>
    %add3A_596 = arith.constant 78.3270874 : f32
    %add3A_597 = vector.broadcast %add3A_596 : f32 to vector<8x2048xf32>
    %add3A_598 = arith.addf %mul3A_595, %add3A_597 : vector<8x2048xf32>
    %mul3A_599 = arith.mulf %add3A_598, %mul3A_592 : vector<8x2048xf32>
    %add3A_600 = arith.constant -41.1362572 : f32
    %add3A_601 = vector.broadcast %add3A_600 : f32 to vector<8x2048xf32>
    %add3A_602 = arith.addf %mul3A_599, %add3A_601 : vector<8x2048xf32>
    %mul3A_603 = arith.mulf %add3A_602, %mul3A_592 : vector<8x2048xf32>
    %add3A_604 = arith.constant 6.27973079 : f32
    %add3A_605 = vector.broadcast %add3A_604 : f32 to vector<8x2048xf32>
    %add3A_606 = arith.addf %mul3A_603, %add3A_605 : vector<8x2048xf32>
    %mul3A_607 = arith.mulf %add3A_606, %sub3A_591 : vector<8x2048xf32>
    %swap3A_608 = arith.constant 144 : index
    %swap3A_609 = arith.constant 0 : index
    %swap3A_610 = vector.load %arg4[%swap3A_608, %swap3A_609] : memref<768x2048xf32, #tpu.memory_space<vmem>>, vector<8x2048xf32>
    tpu.vector_store %arg4[%swap3A_608, %swap3A_609], %mul3A_607 {strides = array<i32>} : memref<768x2048xf32, #tpu.memory_space<vmem>>, vector<8x2048xf32>,
    %get3A_611 = arith.constant 24 : index
    %get3A_612 = arith.constant 0 : index
    %get3A_613 = vector.load %arg1[%get3A_611, %get3A_612] : memref<128x1xf32, #tpu.memory_space<vmem>>, vector<8x1xf32>
    %get3A_614 = arith.constant 24 : index
    %get3A_615 = arith.constant 0 : index
    %get3A_616 = vector.load %arg2[%get3A_614, %get3A_615] : memref<128x1xf32, #tpu.memory_space<vmem>>, vector<8x1xf32>
    %mul3A_617 = vector.broadcast %broadcast_in_dim3A_514 : vector<1x2048xf32> to vector<8x2048xf32>
    %mul3A_618 = vector.broadcast %get3A_613 : vector<8x1xf32> to vector<8x2048xf32>
    %mul3A_619 = arith.mulf %mul3A_617, %mul3A_618 : vector<8x2048xf32>
    %add3A_620 = vector.broadcast %get3A_616 : vector<8x1xf32> to vector<8x2048xf32>
    %add3A_621 = arith.addf %mul3A_619, %add3A_620 : vector<8x2048xf32>
    %round3A_622 = math.roundeven %add3A_621 : vector<8x2048xf32>
    %sub3A_623 = arith.subf %add3A_621, %round3A_622 : vector<8x2048xf32>
    %mul3A_624 = arith.mulf %sub3A_623, %sub3A_623 : vector<8x2048xf32>
    %mul3A_625 = arith.constant -57.1160888 : f32
    %mul3A_626 = vector.broadcast %mul3A_625 : f32 to vector<8x2048xf32>
    %mul3A_627 = arith.mulf %mul3A_626, %mul3A_624 : vector<8x2048xf32>
    %add3A_628 = arith.constant 78.3270874 : f32
    %add3A_629 = vector.broadcast %add3A_628 : f32 to vector<8x2048xf32>
    %add3A_630 = arith.addf %mul3A_627, %add3A_629 : vector<8x2048xf32>
    %mul3A_631 = arith.mulf %add3A_630, %mul3A_624 : vector<8x2048xf32>
    %add3A_632 = arith.constant -41.1362572 : f32
    %add3A_633 = vector.broadcast %add3A_632 : f32 to vector<8x2048xf32>
    %add3A_634 = arith.addf %mul3A_631, %add3A_633 : vector<8x2048xf32>
    %mul3A_635 = arith.mulf %add3A_634, %mul3A_624 : vector<8x2048xf32>
    %add3A_636 = arith.constant 6.27973079 : f32
    %add3A_637 = vector.broadcast %add3A_636 : f32 to vector<8x2048xf32>
    %add3A_638 = arith.addf %mul3A_635, %add3A_637 : vector<8x2048xf32>
    %mul3A_639 = arith.mulf %add3A_638, %sub3A_623 : vector<8x2048xf32>
    %swap3A_640 = arith.constant 152 : index
    %swap3A_641 = arith.constant 0 : index
    %swap3A_642 = vector.load %arg4[%swap3A_640, %swap3A_641] : memref<768x2048xf32, #tpu.memory_space<vmem>>, vector<8x2048xf32>
    tpu.vector_store %arg4[%swap3A_640, %swap3A_641], %mul3A_639 {strides = array<i32>} : memref<768x2048xf32, #tpu.memory_space<vmem>>, vector<8x2048xf32>,
    %get3A_643 = arith.constant 32 : index
    %get3A_644 = arith.constant 0 : index
    %get3A_645 = vector.load %arg1[%get3A_643, %get3A_644] : memref<128x1xf32, #tpu.memory_space<vmem>>, vector<8x1xf32>
    %get3A_646 = arith.constant 32 : index
    %get3A_647 = arith.constant 0 : index
    %get3A_648 = vector.load %arg2[%get3A_646, %get3A_647] : memref<128x1xf32, #tpu.memory_space<vmem>>, vector<8x1xf32>
    %mul3A_649 = vector.broadcast %broadcast_in_dim3A_514 : vector<1x2048xf32> to vector<8x2048xf32>
    %mul3A_650 = vector.broadcast %get3A_645 : vector<8x1xf32> to vector<8x2048xf32>
    %mul3A_651 = arith.mulf %mul3A_649, %mul3A_650 : vector<8x2048xf32>
    %add3A_652 = vector.broadcast %get3A_648 : vector<8x1xf32> to vector<8x2048xf32>
    %add3A_653 = arith.addf %mul3A_651, %add3A_652 : vector<8x2048xf32>
    %round3A_654 = math.roundeven %add3A_653 : vector<8x2048xf32>
    %sub3A_655 = arith.subf %add3A_653, %round3A_654 : vector<8x2048xf32>
    %mul3A_656 = arith.mulf %sub3A_655, %sub3A_655 : vector<8x2048xf32>
    %mul3A_657 = arith.constant -57.1160888 : f32
    %mul3A_658 = vector.broadcast %mul3A_657 : f32 to vector<8x2048xf32>
    %mul3A_659 = arith.mulf %mul3A_658, %mul3A_656 : vector<8x2048xf32>
    %add3A_660 = arith.constant 78.3270874 : f32
    %add3A_661 = vector.broadcast %add3A_660 : f32 to vector<8x2048xf32>
    %add3A_662 = arith.addf %mul3A_659, %add3A_661 : vector<8x2048xf32>
    %mul3A_663 = arith.mulf %add3A_662, %mul3A_656 : vector<8x2048xf32>
    %add3A_664 = arith.constant -41.1362572 : f32
    %add3A_665 = vector.broadcast %add3A_664 : f32 to vector<8x2048xf32>
    %add3A_666 = arith.addf %mul3A_663, %add3A_665 : vector<8x2048xf32>
    %mul3A_667 = arith.mulf %add3A_666, %mul3A_656 : vector<8x2048xf32>
    %add3A_668 = arith.constant 6.27973079 : f32
    %add3A_669 = vector.broadcast %add3A_668 : f32 to vector<8x2048xf32>
    %add3A_670 = arith.addf %mul3A_667, %add3A_669 : vector<8x2048xf32>
    %mul3A_671 = arith.mulf %add3A_670, %sub3A_655 : vector<8x2048xf32>
    %swap3A_672 = arith.constant 160 : index
    %swap3A_673 = arith.constant 0 : index
    %swap3A_674 = vector.load %arg4[%swap3A_672, %swap3A_673] : memref<768x2048xf32, #tpu.memory_space<vmem>>, vector<8x2048xf32>
    tpu.vector_store %arg4[%swap3A_672, %swap3A_673], %mul3A_671 {strides = array<i32>} : memref<768x2048xf32, #tpu.memory_space<vmem>>, vector<8x2048xf32>,
    %get3A_675 = arith.constant 40 : index
    %get3A_676 = arith.constant 0 : index
    %get3A_677 = vector.load %arg1[%get3A_675, %get3A_676] : memref<128x1xf32, #tpu.memory_space<vmem>>, vector<8x1xf32>
    %get3A_678 = arith.constant 40 : index
    %get3A_679 = arith.constant 0 : index
    %get3A_680 = vector.load %arg2[%get3A_678, %get3A_679] : memref<128x1xf32, #tpu.memory_space<vmem>>, vector<8x1xf32>
    %mul3A_681 = vector.broadcast %broadcast_in_dim3A_514 : vector<1x2048xf32> to vector<8x2048xf32>
    %mul3A_682 = vector.broadcast %get3A_677 : vector<8x1xf32> to vector<8x2048xf32>
    %mul3A_683 = arith.mulf %mul3A_681, %mul3A_682 : vector<8x2048xf32>
    %add3A_684 = vector.broadcast %get3A_680 : vector<8x1xf32> to vector<8x2048xf32>
    %add3A_685 = arith.addf %mul3A_683, %add3A_684 : vector<8x2048xf32>
    %round3A_686 = math.roundeven %add3A_685 : vector<8x2048xf32>
    %sub3A_687 = arith.subf %add3A_685, %round3A_686 : vector<8x2048xf32>
    %mul3A_688 = arith.mulf %sub3A_687, %sub3A_687 : vector<8x2048xf32>
    %mul3A_689 = arith.constant -57.1160888 : f32
    %mul3A_690 = vector.broadcast %mul3A_689 : f32 to vector<8x2048xf32>
    %mul3A_691 = arith.mulf %mul3A_690, %mul3A_688 : vector<8x2048xf32>
    %add3A_692 = arith.constant 78.3270874 : f32
    %add3A_693 = vector.broadcast %add3A_692 : f32 to vector<8x2048xf32>
    %add3A_694 = arith.addf %mul3A_691, %add3A_693 : vector<8x2048xf32>
    %mul3A_695 = arith.mulf %add3A_694, %mul3A_688 : vector<8x2048xf32>
    %add3A_696 = arith.constant -41.1362572 : f32
    %add3A_697 = vector.broadcast %add3A_696 : f32 to vector<8x2048xf32>
    %add3A_698 = arith.addf %mul3A_695, %add3A_697 : vector<8x2048xf32>
    %mul3A_699 = arith.mulf %add3A_698, %mul3A_688 : vector<8x2048xf32>
    %add3A_700 = arith.constant 6.27973079 : f32
    %add3A_701 = vector.broadcast %add3A_700 : f32 to vector<8x2048xf32>
    %add3A_702 = arith.addf %mul3A_699, %add3A_701 : vector<8x2048xf32>
    %mul3A_703 = arith.mulf %add3A_702, %sub3A_687 : vector<8x2048xf32>
    %swap3A_704 = arith.constant 168 : index
    %swap3A_705 = arith.constant 0 : index
    %swap3A_706 = vector.load %arg4[%swap3A_704, %swap3A_705] : memref<768x2048xf32, #tpu.memory_space<vmem>>, vector<8x2048xf32>
    tpu.vector_store %arg4[%swap3A_704, %swap3A_705], %mul3A_703 {strides = array<i32>} : memref<768x2048xf32, #tpu.memory_space<vmem>>, vector<8x2048xf32>,
    %get3A_707 = arith.constant 48 : index
    %get3A_708 = arith.constant 0 : index
    %get3A_709 = vector.load %arg1[%get3A_707, %get3A_708] : memref<128x1xf32, #tpu.memory_space<vmem>>, vector<8x1xf32>
    %get3A_710 = arith.constant 48 : index
    %get3A_711 = arith.constant 0 : index
    %get3A_712 = vector.load %arg2[%get3A_710, %get3A_711] : memref<128x1xf32, #tpu.memory_space<vmem>>, vector<8x1xf32>
    %mul3A_713 = vector.broadcast %broadcast_in_dim3A_514 : vector<1x2048xf32> to vector<8x2048xf32>
    %mul3A_714 = vector.broadcast %get3A_709 : vector<8x1xf32> to vector<8x2048xf32>
    %mul3A_715 = arith.mulf %mul3A_713, %mul3A_714 : vector<8x2048xf32>
    %add3A_716 = vector.broadcast %get3A_712 : vector<8x1xf32> to vector<8x2048xf32>
    %add3A_717 = arith.addf %mul3A_715, %add3A_716 : vector<8x2048xf32>
    %round3A_718 = math.roundeven %add3A_717 : vector<8x2048xf32>
    %sub3A_719 = arith.subf %add3A_717, %round3A_718 : vector<8x2048xf32>
    %mul3A_720 = arith.mulf %sub3A_719, %sub3A_719 : vector<8x2048xf32>
    %mul3A_721 = arith.constant -57.1160888 : f32
    %mul3A_722 = vector.broadcast %mul3A_721 : f32 to vector<8x2048xf32>
    %mul3A_723 = arith.mulf %mul3A_722, %mul3A_720 : vector<8x2048xf32>
    %add3A_724 = arith.constant 78.3270874 : f32
    %add3A_725 = vector.broadcast %add3A_724 : f32 to vector<8x2048xf32>
    %add3A_726 = arith.addf %mul3A_723, %add3A_725 : vector<8x2048xf32>
    %mul3A_727 = arith.mulf %add3A_726, %mul3A_720 : vector<8x2048xf32>
    %add3A_728 = arith.constant -41.1362572 : f32
    %add3A_729 = vector.broadcast %add3A_728 : f32 to vector<8x2048xf32>
    %add3A_730 = arith.addf %mul3A_727, %add3A_729 : vector<8x2048xf32>
    %mul3A_731 = arith.mulf %add3A_730, %mul3A_720 : vector<8x2048xf32>
    %add3A_732 = arith.constant 6.27973079 : f32
    %add3A_733 = vector.broadcast %add3A_732 : f32 to vector<8x2048xf32>
    %add3A_734 = arith.addf %mul3A_731, %add3A_733 : vector<8x2048xf32>
    %mul3A_735 = arith.mulf %add3A_734, %sub3A_719 : vector<8x2048xf32>
    %swap3A_736 = arith.constant 176 : index
    %swap3A_737 = arith.constant 0 : index
    %swap3A_738 = vector.load %arg4[%swap3A_736, %swap3A_737] : memref<768x2048xf32, #tpu.memory_space<vmem>>, vector<8x2048xf32>
    tpu.vector_store %arg4[%swap3A_736, %swap3A_737], %mul3A_735 {strides = array<i32>} : memref<768x2048xf32, #tpu.memory_space<vmem>>, vector<8x2048xf32>,
    %get3A_739 = arith.constant 56 : index
    %get3A_740 = arith.constant 0 : index
    %get3A_741 = vector.load %arg1[%get3A_739, %get3A_740] : memref<128x1xf32, #tpu.memory_space<vmem>>, vector<8x1xf32>
    %get3A_742 = arith.constant 56 : index
    %get3A_743 = arith.constant 0 : index
    %get3A_744 = vector.load %arg2[%get3A_742, %get3A_743] : memref<128x1xf32, #tpu.memory_space<vmem>>, vector<8x1xf32>
    %mul3A_745 = vector.broadcast %broadcast_in_dim3A_514 : vector<1x2048xf32> to vector<8x2048xf32>
    %mul3A_746 = vector.broadcast %get3A_741 : vector<8x1xf32> to vector<8x2048xf32>
    %mul3A_747 = arith.mulf %mul3A_745, %mul3A_746 : vector<8x2048xf32>
    %add3A_748 = vector.broadcast %get3A_744 : vector<8x1xf32> to vector<8x2048xf32>
    %add3A_749 = arith.addf %mul3A_747, %add3A_748 : vector<8x2048xf32>
    %round3A_750 = math.roundeven %add3A_749 : vector<8x2048xf32>
    %sub3A_751 = arith.subf %add3A_749, %round3A_750 : vector<8x2048xf32>
    %mul3A_752 = arith.mulf %sub3A_751, %sub3A_751 : vector<8x2048xf32>
    %mul3A_753 = arith.constant -57.1160888 : f32
    %mul3A_754 = vector.broadcast %mul3A_753 : f32 to vector<8x2048xf32>
    %mul3A_755 = arith.mulf %mul3A_754, %mul3A_752 : vector<8x2048xf32>
    %add3A_756 = arith.constant 78.3270874 : f32
    %add3A_757 = vector.broadcast %add3A_756 : f32 to vector<8x2048xf32>
    %add3A_758 = arith.addf %mul3A_755, %add3A_757 : vector<8x2048xf32>
    %mul3A_759 = arith.mulf %add3A_758, %mul3A_752 : vector<8x2048xf32>
    %add3A_760 = arith.constant -41.1362572 : f32
    %add3A_761 = vector.broadcast %add3A_760 : f32 to vector<8x2048xf32>
    %add3A_762 = arith.addf %mul3A_759, %add3A_761 : vector<8x2048xf32>
    %mul3A_763 = arith.mulf %add3A_762, %mul3A_752 : vector<8x2048xf32>
    %add3A_764 = arith.constant 6.27973079 : f32
    %add3A_765 = vector.broadcast %add3A_764 : f32 to vector<8x2048xf32>
    %add3A_766 = arith.addf %mul3A_763, %add3A_765 : vector<8x2048xf32>
    %mul3A_767 = arith.mulf %add3A_766, %sub3A_751 : vector<8x2048xf32>
    %swap3A_768 = arith.constant 184 : index
    %swap3A_769 = arith.constant 0 : index
    %swap3A_770 = vector.load %arg4[%swap3A_768, %swap3A_769] : memref<768x2048xf32, #tpu.memory_space<vmem>>, vector<8x2048xf32>
    tpu.vector_store %arg4[%swap3A_768, %swap3A_769], %mul3A_767 {strides = array<i32>} : memref<768x2048xf32, #tpu.memory_space<vmem>>, vector<8x2048xf32>,
    %get3A_771 = arith.constant 64 : index
    %get3A_772 = arith.constant 0 : index
    %get3A_773 = vector.load %arg1[%get3A_771, %get3A_772] : memref<128x1xf32, #tpu.memory_space<vmem>>, vector<8x1xf32>
    %get3A_774 = arith.constant 64 : index
    %get3A_775 = arith.constant 0 : index
    %get3A_776 = vector.load %arg2[%get3A_774, %get3A_775] : memref<128x1xf32, #tpu.memory_space<vmem>>, vector<8x1xf32>
    %mul3A_777 = vector.broadcast %broadcast_in_dim3A_514 : vector<1x2048xf32> to vector<8x2048xf32>
    %mul3A_778 = vector.broadcast %get3A_773 : vector<8x1xf32> to vector<8x2048xf32>
    %mul3A_779 = arith.mulf %mul3A_777, %mul3A_778 : vector<8x2048xf32>
    %add3A_780 = vector.broadcast %get3A_776 : vector<8x1xf32> to vector<8x2048xf32>
    %add3A_781 = arith.addf %mul3A_779, %add3A_780 : vector<8x2048xf32>
    %round3A_782 = math.roundeven %add3A_781 : vector<8x2048xf32>
    %sub3A_783 = arith.subf %add3A_781, %round3A_782 : vector<8x2048xf32>
    %mul3A_784 = arith.mulf %sub3A_783, %sub3A_783 : vector<8x2048xf32>
    %mul3A_785 = arith.constant -57.1160888 : f32
    %mul3A_786 = vector.broadcast %mul3A_785 : f32 to vector<8x2048xf32>
    %mul3A_787 = arith.mulf %mul3A_786, %mul3A_784 : vector<8x2048xf32>
    %add3A_788 = arith.constant 78.3270874 : f32
    %add3A_789 = vector.broadcast %add3A_788 : f32 to vector<8x2048xf32>
    %add3A_790 = arith.addf %mul3A_787, %add3A_789 : vector<8x2048xf32>
    %mul3A_791 = arith.mulf %add3A_790, %mul3A_784 : vector<8x2048xf32>
    %add3A_792 = arith.constant -41.1362572 : f32
    %add3A_793 = vector.broadcast %add3A_792 : f32 to vector<8x2048xf32>
    %add3A_794 = arith.addf %mul3A_791, %add3A_793 : vector<8x2048xf32>
    %mul3A_795 = arith.mulf %add3A_794, %mul3A_784 : vector<8x2048xf32>
    %add3A_796 = arith.constant 6.27973079 : f32
    %add3A_797 = vector.broadcast %add3A_796 : f32 to vector<8x2048xf32>
    %add3A_798 = arith.addf %mul3A_795, %add3A_797 : vector<8x2048xf32>
    %mul3A_799 = arith.mulf %add3A_798, %sub3A_783 : vector<8x2048xf32>
    %swap3A_800 = arith.constant 192 : index
    %swap3A_801 = arith.constant 0 : index
    %swap3A_802 = vector.load %arg4[%swap3A_800, %swap3A_801] : memref<768x2048xf32, #tpu.memory_space<vmem>>, vector<8x2048xf32>
    tpu.vector_store %arg4[%swap3A_800, %swap3A_801], %mul3A_799 {strides = array<i32>} : memref<768x2048xf32, #tpu.memory_space<vmem>>, vector<8x2048xf32>,
    %get3A_803 = arith.constant 72 : index
    %get3A_804 = arith.constant 0 : index
    %get3A_805 = vector.load %arg1[%get3A_803, %get3A_804] : memref<128x1xf32, #tpu.memory_space<vmem>>, vector<8x1xf32>
    %get3A_806 = arith.constant 72 : index
    %get3A_807 = arith.constant 0 : index
    %get3A_808 = vector.load %arg2[%get3A_806, %get3A_807] : memref<128x1xf32, #tpu.memory_space<vmem>>, vector<8x1xf32>
    %mul3A_809 = vector.broadcast %broadcast_in_dim3A_514 : vector<1x2048xf32> to vector<8x2048xf32>
    %mul3A_810 = vector.broadcast %get3A_805 : vector<8x1xf32> to vector<8x2048xf32>
    %mul3A_811 = arith.mulf %mul3A_809, %mul3A_810 : vector<8x2048xf32>
    %add3A_812 = vector.broadcast %get3A_808 : vector<8x1xf32> to vector<8x2048xf32>
    %add3A_813 = arith.addf %mul3A_811, %add3A_812 : vector<8x2048xf32>
    %round3A_814 = math.roundeven %add3A_813 : vector<8x2048xf32>
    %sub3A_815 = arith.subf %add3A_813, %round3A_814 : vector<8x2048xf32>
    %mul3A_816 = arith.mulf %sub3A_815, %sub3A_815 : vector<8x2048xf32>
    %mul3A_817 = arith.constant -57.1160888 : f32
    %mul3A_818 = vector.broadcast %mul3A_817 : f32 to vector<8x2048xf32>
    %mul3A_819 = arith.mulf %mul3A_818, %mul3A_816 : vector<8x2048xf32>
    %add3A_820 = arith.constant 78.3270874 : f32
    %add3A_821 = vector.broadcast %add3A_820 : f32 to vector<8x2048xf32>
    %add3A_822 = arith.addf %mul3A_819, %add3A_821 : vector<8x2048xf32>
    %mul3A_823 = arith.mulf %add3A_822, %mul3A_816 : vector<8x2048xf32>
    %add3A_824 = arith.constant -41.1362572 : f32
    %add3A_825 = vector.broadcast %add3A_824 : f32 to vector<8x2048xf32>
    %add3A_826 = arith.addf %mul3A_823, %add3A_825 : vector<8x2048xf32>
    %mul3A_827 = arith.mulf %add3A_826, %mul3A_816 : vector<8x2048xf32>
    %add3A_828 = arith.constant 6.27973079 : f32
    %add3A_829 = vector.broadcast %add3A_828 : f32 to vector<8x2048xf32>
    %add3A_830 = arith.addf %mul3A_827, %add3A_829 : vector<8x2048xf32>
    %mul3A_831 = arith.mulf %add3A_830, %sub3A_815 : vector<8x2048xf32>
    %swap3A_832 = arith.constant 200 : index
    %swap3A_833 = arith.constant 0 : index
    %swap3A_834 = vector.load %arg4[%swap3A_832, %swap3A_833] : memref<768x2048xf32, #tpu.memory_space<vmem>>, vector<8x2048xf32>
    tpu.vector_store %arg4[%swap3A_832, %swap3A_833], %mul3A_831 {strides = array<i32>} : memref<768x2048xf32, #tpu.memory_space<vmem>>, vector<8x2048xf32>,
    %get3A_835 = arith.constant 80 : index
    %get3A_836 = arith.constant 0 : index
    %get3A_837 = vector.load %arg1[%get3A_835, %get3A_836] : memref<128x1xf32, #tpu.memory_space<vmem>>, vector<8x1xf32>
    %get3A_838 = arith.constant 80 : index
    %get3A_839 = arith.constant 0 : index
    %get3A_840 = vector.load %arg2[%get3A_838, %get3A_839] : memref<128x1xf32, #tpu.memory_space<vmem>>, vector<8x1xf32>
    %mul3A_841 = vector.broadcast %broadcast_in_dim3A_514 : vector<1x2048xf32> to vector<8x2048xf32>
    %mul3A_842 = vector.broadcast %get3A_837 : vector<8x1xf32> to vector<8x2048xf32>
    %mul3A_843 = arith.mulf %mul3A_841, %mul3A_842 : vector<8x2048xf32>
    %add3A_844 = vector.broadcast %get3A_840 : vector<8x1xf32> to vector<8x2048xf32>
    %add3A_845 = arith.addf %mul3A_843, %add3A_844 : vector<8x2048xf32>
    %round3A_846 = math.roundeven %add3A_845 : vector<8x2048xf32>
    %sub3A_847 = arith.subf %add3A_845, %round3A_846 : vector<8x2048xf32>
    %mul3A_848 = arith.mulf %sub3A_847, %sub3A_847 : vector<8x2048xf32>
    %mul3A_849 = arith.constant -57.1160888 : f32
    %mul3A_850 = vector.broadcast %mul3A_849 : f32 to vector<8x2048xf32>
    %mul3A_851 = arith.mulf %mul3A_850, %mul3A_848 : vector<8x2048xf32>
    %add3A_852 = arith.constant 78.3270874 : f32
    %add3A_853 = vector.broadcast %add3A_852 : f32 to vector<8x2048xf32>
    %add3A_854 = arith.addf %mul3A_851, %add3A_853 : vector<8x2048xf32>
    %mul3A_855 = arith.mulf %add3A_854, %mul3A_848 : vector<8x2048xf32>
    %add3A_856 = arith.constant -41.1362572 : f32
    %add3A_857 = vector.broadcast %add3A_856 : f32 to vector<8x2048xf32>
    %add3A_858 = arith.addf %mul3A_855, %add3A_857 : vector<8x2048xf32>
    %mul3A_859 = arith.mulf %add3A_858, %mul3A_848 : vector<8x2048xf32>
    %add3A_860 = arith.constant 6.27973079 : f32
    %add3A_861 = vector.broadcast %add3A_860 : f32 to vector<8x2048xf32>
    %add3A_862 = arith.addf %mul3A_859, %add3A_861 : vector<8x2048xf32>
    %mul3A_863 = arith.mulf %add3A_862, %sub3A_847 : vector<8x2048xf32>
    %swap3A_864 = arith.constant 208 : index
    %swap3A_865 = arith.constant 0 : index
    %swap3A_866 = vector.load %arg4[%swap3A_864, %swap3A_865] : memref<768x2048xf32, #tpu.memory_space<vmem>>, vector<8x2048xf32>
    tpu.vector_store %arg4[%swap3A_864, %swap3A_865], %mul3A_863 {strides = array<i32>} : memref<768x2048xf32, #tpu.memory_space<vmem>>, vector<8x2048xf32>,
    %get3A_867 = arith.constant 88 : index
    %get3A_868 = arith.constant 0 : index
    %get3A_869 = vector.load %arg1[%get3A_867, %get3A_868] : memref<128x1xf32, #tpu.memory_space<vmem>>, vector<8x1xf32>
    %get3A_870 = arith.constant 88 : index
    %get3A_871 = arith.constant 0 : index
    %get3A_872 = vector.load %arg2[%get3A_870, %get3A_871] : memref<128x1xf32, #tpu.memory_space<vmem>>, vector<8x1xf32>
    %mul3A_873 = vector.broadcast %broadcast_in_dim3A_514 : vector<1x2048xf32> to vector<8x2048xf32>
    %mul3A_874 = vector.broadcast %get3A_869 : vector<8x1xf32> to vector<8x2048xf32>
    %mul3A_875 = arith.mulf %mul3A_873, %mul3A_874 : vector<8x2048xf32>
    %add3A_876 = vector.broadcast %get3A_872 : vector<8x1xf32> to vector<8x2048xf32>
    %add3A_877 = arith.addf %mul3A_875, %add3A_876 : vector<8x2048xf32>
    %round3A_878 = math.roundeven %add3A_877 : vector<8x2048xf32>
    %sub3A_879 = arith.subf %add3A_877, %round3A_878 : vector<8x2048xf32>
    %mul3A_880 = arith.mulf %sub3A_879, %sub3A_879 : vector<8x2048xf32>
    %mul3A_881 = arith.constant -57.1160888 : f32
    %mul3A_882 = vector.broadcast %mul3A_881 : f32 to vector<8x2048xf32>
    %mul3A_883 = arith.mulf %mul3A_882, %mul3A_880 : vector<8x2048xf32>
    %add3A_884 = arith.constant 78.3270874 : f32
    %add3A_885 = vector.broadcast %add3A_884 : f32 to vector<8x2048xf32>
    %add3A_886 = arith.addf %mul3A_883, %add3A_885 : vector<8x2048xf32>
    %mul3A_887 = arith.mulf %add3A_886, %mul3A_880 : vector<8x2048xf32>
    %add3A_888 = arith.constant -41.1362572 : f32
    %add3A_889 = vector.broadcast %add3A_888 : f32 to vector<8x2048xf32>
    %add3A_890 = arith.addf %mul3A_887, %add3A_889 : vector<8x2048xf32>
    %mul3A_891 = arith.mulf %add3A_890, %mul3A_880 : vector<8x2048xf32>
    %add3A_892 = arith.constant 6.27973079 : f32
    %add3A_893 = vector.broadcast %add3A_892 : f32 to vector<8x2048xf32>
    %add3A_894 = arith.addf %mul3A_891, %add3A_893 : vector<8x2048xf32>
    %mul3A_895 = arith.mulf %add3A_894, %sub3A_879 : vector<8x2048xf32>
    %swap3A_896 = arith.constant 216 : index
    %swap3A_897 = arith.constant 0 : index
    %swap3A_898 = vector.load %arg4[%swap3A_896, %swap3A_897] : memref<768x2048xf32, #tpu.memory_space<vmem>>, vector<8x2048xf32>
    tpu.vector_store %arg4[%swap3A_896, %swap3A_897], %mul3A_895 {strides = array<i32>} : memref<768x2048xf32, #tpu.memory_space<vmem>>, vector<8x2048xf32>,
    %get3A_899 = arith.constant 96 : index
    %get3A_900 = arith.constant 0 : index
    %get3A_901 = vector.load %arg1[%get3A_899, %get3A_900] : memref<128x1xf32, #tpu.memory_space<vmem>>, vector<8x1xf32>
    %get3A_902 = arith.constant 96 : index
    %get3A_903 = arith.constant 0 : index
    %get3A_904 = vector.load %arg2[%get3A_902, %get3A_903] : memref<128x1xf32, #tpu.memory_space<vmem>>, vector<8x1xf32>
    %mul3A_905 = vector.broadcast %broadcast_in_dim3A_514 : vector<1x2048xf32> to vector<8x2048xf32>
    %mul3A_906 = vector.broadcast %get3A_901 : vector<8x1xf32> to vector<8x2048xf32>
    %mul3A_907 = arith.mulf %mul3A_905, %mul3A_906 : vector<8x2048xf32>
    %add3A_908 = vector.broadcast %get3A_904 : vector<8x1xf32> to vector<8x2048xf32>
    %add3A_909 = arith.addf %mul3A_907, %add3A_908 : vector<8x2048xf32>
    %round3A_910 = math.roundeven %add3A_909 : vector<8x2048xf32>
    %sub3A_911 = arith.subf %add3A_909, %round3A_910 : vector<8x2048xf32>
    %mul3A_912 = arith.mulf %sub3A_911, %sub3A_911 : vector<8x2048xf32>
    %mul3A_913 = arith.constant -57.1160888 : f32
    %mul3A_914 = vector.broadcast %mul3A_913 : f32 to vector<8x2048xf32>
    %mul3A_915 = arith.mulf %mul3A_914, %mul3A_912 : vector<8x2048xf32>
    %add3A_916 = arith.constant 78.3270874 : f32
    %add3A_917 = vector.broadcast %add3A_916 : f32 to vector<8x2048xf32>
    %add3A_918 = arith.addf %mul3A_915, %add3A_917 : vector<8x2048xf32>
    %mul3A_919 = arith.mulf %add3A_918, %mul3A_912 : vector<8x2048xf32>
    %add3A_920 = arith.constant -41.1362572 : f32
    %add3A_921 = vector.broadcast %add3A_920 : f32 to vector<8x2048xf32>
    %add3A_922 = arith.addf %mul3A_919, %add3A_921 : vector<8x2048xf32>
    %mul3A_923 = arith.mulf %add3A_922, %mul3A_912 : vector<8x2048xf32>
    %add3A_924 = arith.constant 6.27973079 : f32
    %add3A_925 = vector.broadcast %add3A_924 : f32 to vector<8x2048xf32>
    %add3A_926 = arith.addf %mul3A_923, %add3A_925 : vector<8x2048xf32>
    %mul3A_927 = arith.mulf %add3A_926, %sub3A_911 : vector<8x2048xf32>
    %swap3A_928 = arith.constant 224 : index
    %swap3A_929 = arith.constant 0 : index
    %swap3A_930 = vector.load %arg4[%swap3A_928, %swap3A_929] : memref<768x2048xf32, #tpu.memory_space<vmem>>, vector<8x2048xf32>
    tpu.vector_store %arg4[%swap3A_928, %swap3A_929], %mul3A_927 {strides = array<i32>} : memref<768x2048xf32, #tpu.memory_space<vmem>>, vector<8x2048xf32>,
    %get3A_931 = arith.constant 104 : index
    %get3A_932 = arith.constant 0 : index
    %get3A_933 = vector.load %arg1[%get3A_931, %get3A_932] : memref<128x1xf32, #tpu.memory_space<vmem>>, vector<8x1xf32>
    %get3A_934 = arith.constant 104 : index
    %get3A_935 = arith.constant 0 : index
    %get3A_936 = vector.load %arg2[%get3A_934, %get3A_935] : memref<128x1xf32, #tpu.memory_space<vmem>>, vector<8x1xf32>
    %mul3A_937 = vector.broadcast %broadcast_in_dim3A_514 : vector<1x2048xf32> to vector<8x2048xf32>
    %mul3A_938 = vector.broadcast %get3A_933 : vector<8x1xf32> to vector<8x2048xf32>
    %mul3A_939 = arith.mulf %mul3A_937, %mul3A_938 : vector<8x2048xf32>
    %add3A_940 = vector.broadcast %get3A_936 : vector<8x1xf32> to vector<8x2048xf32>
    %add3A_941 = arith.addf %mul3A_939, %add3A_940 : vector<8x2048xf32>
    %round3A_942 = math.roundeven %add3A_941 : vector<8x2048xf32>
    %sub3A_943 = arith.subf %add3A_941, %round3A_942 : vector<8x2048xf32>
    %mul3A_944 = arith.mulf %sub3A_943, %sub3A_943 : vector<8x2048xf32>
    %mul3A_945 = arith.constant -57.1160888 : f32
    %mul3A_946 = vector.broadcast %mul3A_945 : f32 to vector<8x2048xf32>
    %mul3A_947 = arith.mulf %mul3A_946, %mul3A_944 : vector<8x2048xf32>
    %add3A_948 = arith.constant 78.3270874 : f32
    %add3A_949 = vector.broadcast %add3A_948 : f32 to vector<8x2048xf32>
    %add3A_950 = arith.addf %mul3A_947, %add3A_949 : vector<8x2048xf32>
    %mul3A_951 = arith.mulf %add3A_950, %mul3A_944 : vector<8x2048xf32>
    %add3A_952 = arith.constant -41.1362572 : f32
    %add3A_953 = vector.broadcast %add3A_952 : f32 to vector<8x2048xf32>
    %add3A_954 = arith.addf %mul3A_951, %add3A_953 : vector<8x2048xf32>
    %mul3A_955 = arith.mulf %add3A_954, %mul3A_944 : vector<8x2048xf32>
    %add3A_956 = arith.constant 6.27973079 : f32
    %add3A_957 = vector.broadcast %add3A_956 : f32 to vector<8x2048xf32>
    %add3A_958 = arith.addf %mul3A_955, %add3A_957 : vector<8x2048xf32>
    %mul3A_959 = arith.mulf %add3A_958, %sub3A_943 : vector<8x2048xf32>
    %swap3A_960 = arith.constant 232 : index
    %swap3A_961 = arith.constant 0 : index
    %swap3A_962 = vector.load %arg4[%swap3A_960, %swap3A_961] : memref<768x2048xf32, #tpu.memory_space<vmem>>, vector<8x2048xf32>
    tpu.vector_store %arg4[%swap3A_960, %swap3A_961], %mul3A_959 {strides = array<i32>} : memref<768x2048xf32, #tpu.memory_space<vmem>>, vector<8x2048xf32>,
    %get3A_963 = arith.constant 112 : index
    %get3A_964 = arith.constant 0 : index
    %get3A_965 = vector.load %arg1[%get3A_963, %get3A_964] : memref<128x1xf32, #tpu.memory_space<vmem>>, vector<8x1xf32>
    %get3A_966 = arith.constant 112 : index
    %get3A_967 = arith.constant 0 : index
    %get3A_968 = vector.load %arg2[%get3A_966, %get3A_967] : memref<128x1xf32, #tpu.memory_space<vmem>>, vector<8x1xf32>
    %mul3A_969 = vector.broadcast %broadcast_in_dim3A_514 : vector<1x2048xf32> to vector<8x2048xf32>
    %mul3A_970 = vector.broadcast %get3A_965 : vector<8x1xf32> to vector<8x2048xf32>
    %mul3A_971 = arith.mulf %mul3A_969, %mul3A_970 : vector<8x2048xf32>
    %add3A_972 = vector.broadcast %get3A_968 : vector<8x1xf32> to vector<8x2048xf32>
    %add3A_973 = arith.addf %mul3A_971, %add3A_972 : vector<8x2048xf32>
    %round3A_974 = math.roundeven %add3A_973 : vector<8x2048xf32>
    %sub3A_975 = arith.subf %add3A_973, %round3A_974 : vector<8x2048xf32>
    %mul3A_976 = arith.mulf %sub3A_975, %sub3A_975 : vector<8x2048xf32>
    %mul3A_977 = arith.constant -57.1160888 : f32
    %mul3A_978 = vector.broadcast %mul3A_977 : f32 to vector<8x2048xf32>
    %mul3A_979 = arith.mulf %mul3A_978, %mul3A_976 : vector<8x2048xf32>
    %add3A_980 = arith.constant 78.3270874 : f32
    %add3A_981 = vector.broadcast %add3A_980 : f32 to vector<8x2048xf32>
    %add3A_982 = arith.addf %mul3A_979, %add3A_981 : vector<8x2048xf32>
    %mul3A_983 = arith.mulf %add3A_982, %mul3A_976 : vector<8x2048xf32>
    %add3A_984 = arith.constant -41.1362572 : f32
    %add3A_985 = vector.broadcast %add3A_984 : f32 to vector<8x2048xf32>
    %add3A_986 = arith.addf %mul3A_983, %add3A_985 : vector<8x2048xf32>
    %mul3A_987 = arith.mulf %add3A_986, %mul3A_976 : vector<8x2048xf32>
    %add3A_988 = arith.constant 6.27973079 : f32
    %add3A_989 = vector.broadcast %add3A_988 : f32 to vector<8x2048xf32>
    %add3A_990 = arith.addf %mul3A_987, %add3A_989 : vector<8x2048xf32>
    %mul3A_991 = arith.mulf %add3A_990, %sub3A_975 : vector<8x2048xf32>
    %swap3A_992 = arith.constant 240 : index
    %swap3A_993 = arith.constant 0 : index
    %swap3A_994 = vector.load %arg4[%swap3A_992, %swap3A_993] : memref<768x2048xf32, #tpu.memory_space<vmem>>, vector<8x2048xf32>
    tpu.vector_store %arg4[%swap3A_992, %swap3A_993], %mul3A_991 {strides = array<i32>} : memref<768x2048xf32, #tpu.memory_space<vmem>>, vector<8x2048xf32>,
    %get3A_995 = arith.constant 120 : index
    %get3A_996 = arith.constant 0 : index
    %get3A_997 = vector.load %arg1[%get3A_995, %get3A_996] : memref<128x1xf32, #tpu.memory_space<vmem>>, vector<8x1xf32>
    %get3A_998 = arith.constant 120 : index
    %get3A_999 = arith.constant 0 : index
    %get3A_1000 = vector.load %arg2[%get3A_998, %get3A_999] : memref<128x1xf32, #tpu.memory_space<vmem>>, vector<8x1xf32>
    %mul3A_1001 = vector.broadcast %broadcast_in_dim3A_514 : vector<1x2048xf32> to vector<8x2048xf32>
    %mul3A_1002 = vector.broadcast %get3A_997 : vector<8x1xf32> to vector<8x2048xf32>
    %mul3A_1003 = arith.mulf %mul3A_1001, %mul3A_1002 : vector<8x2048xf32>
    %add3A_1004 = vector.broadcast %get3A_1000 : vector<8x1xf32> to vector<8x2048xf32>
    %add3A_1005 = arith.addf %mul3A_1003, %add3A_1004 : vector<8x2048xf32>
    %round3A_1006 = math.roundeven %add3A_1005 : vector<8x2048xf32>
    %sub3A_1007 = arith.subf %add3A_1005, %round3A_1006 : vector<8x2048xf32>
    %mul3A_1008 = arith.mulf %sub3A_1007, %sub3A_1007 : vector<8x2048xf32>
    %mul3A_1009 = arith.constant -57.1160888 : f32
    %mul3A_1010 = vector.broadcast %mul3A_1009 : f32 to vector<8x2048xf32>
    %mul3A_1011 = arith.mulf %mul3A_1010, %mul3A_1008 : vector<8x2048xf32>
    %add3A_1012 = arith.constant 78.3270874 : f32
    %add3A_1013 = vector.broadcast %add3A_1012 : f32 to vector<8x2048xf32>
    %add3A_1014 = arith.addf %mul3A_1011, %add3A_1013 : vector<8x2048xf32>
    %mul3A_1015 = arith.mulf %add3A_1014, %mul3A_1008 : vector<8x2048xf32>
    %add3A_1016 = arith.constant -41.1362572 : f32
    %add3A_1017 = vector.broadcast %add3A_1016 : f32 to vector<8x2048xf32>
    %add3A_1018 = arith.addf %mul3A_1015, %add3A_1017 : vector<8x2048xf32>
    %mul3A_1019 = arith.mulf %add3A_1018, %mul3A_1008 : vector<8x2048xf32>
    %add3A_1020 = arith.constant 6.27973079 : f32
    %add3A_1021 = vector.broadcast %add3A_1020 : f32 to vector<8x2048xf32>
    %add3A_1022 = arith.addf %mul3A_1019, %add3A_1021 : vector<8x2048xf32>
    %mul3A_1023 = arith.mulf %add3A_1022, %sub3A_1007 : vector<8x2048xf32>
    %swap3A_1024 = arith.constant 248 : index
    %swap3A_1025 = arith.constant 0 : index
    %swap3A_1026 = vector.load %arg4[%swap3A_1024, %swap3A_1025] : memref<768x2048xf32, #tpu.memory_space<vmem>>, vector<8x2048xf32>
    tpu.vector_store %arg4[%swap3A_1024, %swap3A_1025], %mul3A_1023 {strides = array<i32>} : memref<768x2048xf32, #tpu.memory_space<vmem>>, vector<8x2048xf32>,
    %get3A_1027 = arith.constant 2 : index
    %get3A_1028 = arith.constant 0 : index
    %get3A_1029 = vector.load %arg3[%get3A_1027, %get3A_1028] : memref<6x2048xf32, #tpu.memory_space<vmem>>, vector<1x2048xf32>
    %get3A_1030 = vector.shape_cast %get3A_1029 : vector<1x2048xf32> to vector<2048xf32>
    %broadcast_in_dim3A_1031 = vector.shape_cast %get3A_1030 : vector<2048xf32> to vector<1x2048xf32>
    %get3A_1032 = arith.constant 0 : index
    %get3A_1033 = arith.constant 0 : index
    %get3A_1034 = vector.load %arg1[%get3A_1032, %get3A_1033] : memref<128x1xf32, #tpu.memory_space<vmem>>, vector<8x1xf32>
    %get3A_1035 = arith.constant 0 : index
    %get3A_1036 = arith.constant 0 : index
    %get3A_1037 = vector.load %arg2[%get3A_1035, %get3A_1036] : memref<128x1xf32, #tpu.memory_space<vmem>>, vector<8x1xf32>
    %mul3A_1038 = vector.broadcast %broadcast_in_dim3A_1031 : vector<1x2048xf32> to vector<8x2048xf32>
    %mul3A_1039 = vector.broadcast %get3A_1034 : vector<8x1xf32> to vector<8x2048xf32>
    %mul3A_1040 = arith.mulf %mul3A_1038, %mul3A_1039 : vector<8x2048xf32>
    %add3A_1041 = vector.broadcast %get3A_1037 : vector<8x1xf32> to vector<8x2048xf32>
    %add3A_1042 = arith.addf %mul3A_1040, %add3A_1041 : vector<8x2048xf32>
    %round3A_1043 = math.roundeven %add3A_1042 : vector<8x2048xf32>
    %sub3A_1044 = arith.subf %add3A_1042, %round3A_1043 : vector<8x2048xf32>
    %mul3A_1045 = arith.mulf %sub3A_1044, %sub3A_1044 : vector<8x2048xf32>
    %mul3A_1046 = arith.constant -57.1160888 : f32
    %mul3A_1047 = vector.broadcast %mul3A_1046 : f32 to vector<8x2048xf32>
    %mul3A_1048 = arith.mulf %mul3A_1047, %mul3A_1045 : vector<8x2048xf32>
    %add3A_1049 = arith.constant 78.3270874 : f32
    %add3A_1050 = vector.broadcast %add3A_1049 : f32 to vector<8x2048xf32>
    %add3A_1051 = arith.addf %mul3A_1048, %add3A_1050 : vector<8x2048xf32>
    %mul3A_1052 = arith.mulf %add3A_1051, %mul3A_1045 : vector<8x2048xf32>
    %add3A_1053 = arith.constant -41.1362572 : f32
    %add3A_1054 = vector.broadcast %add3A_1053 : f32 to vector<8x2048xf32>
    %add3A_1055 = arith.addf %mul3A_1052, %add3A_1054 : vector<8x2048xf32>
    %mul3A_1056 = arith.mulf %add3A_1055, %mul3A_1045 : vector<8x2048xf32>
    %add3A_1057 = arith.constant 6.27973079 : f32
    %add3A_1058 = vector.broadcast %add3A_1057 : f32 to vector<8x2048xf32>
    %add3A_1059 = arith.addf %mul3A_1056, %add3A_1058 : vector<8x2048xf32>
    %mul3A_1060 = arith.mulf %add3A_1059, %sub3A_1044 : vector<8x2048xf32>
    %swap3A_1061 = arith.constant 256 : index
    %swap3A_1062 = arith.constant 0 : index
    %swap3A_1063 = vector.load %arg4[%swap3A_1061, %swap3A_1062] : memref<768x2048xf32, #tpu.memory_space<vmem>>, vector<8x2048xf32>
    tpu.vector_store %arg4[%swap3A_1061, %swap3A_1062], %mul3A_1060 {strides = array<i32>} : memref<768x2048xf32, #tpu.memory_space<vmem>>, vector<8x2048xf32>,
    %get3A_1064 = arith.constant 8 : index
    %get3A_1065 = arith.constant 0 : index
    %get3A_1066 = vector.load %arg1[%get3A_1064, %get3A_1065] : memref<128x1xf32, #tpu.memory_space<vmem>>, vector<8x1xf32>
    %get3A_1067 = arith.constant 8 : index
    %get3A_1068 = arith.constant 0 : index
    %get3A_1069 = vector.load %arg2[%get3A_1067, %get3A_1068] : memref<128x1xf32, #tpu.memory_space<vmem>>, vector<8x1xf32>
    %mul3A_1070 = vector.broadcast %broadcast_in_dim3A_1031 : vector<1x2048xf32> to vector<8x2048xf32>
    %mul3A_1071 = vector.broadcast %get3A_1066 : vector<8x1xf32> to vector<8x2048xf32>
    %mul3A_1072 = arith.mulf %mul3A_1070, %mul3A_1071 : vector<8x2048xf32>
    %add3A_1073 = vector.broadcast %get3A_1069 : vector<8x1xf32> to vector<8x2048xf32>
    %add3A_1074 = arith.addf %mul3A_1072, %add3A_1073 : vector<8x2048xf32>
    %round3A_1075 = math.roundeven %add3A_1074 : vector<8x2048xf32>
    %sub3A_1076 = arith.subf %add3A_1074, %round3A_1075 : vector<8x2048xf32>
    %mul3A_1077 = arith.mulf %sub3A_1076, %sub3A_1076 : vector<8x2048xf32>
    %mul3A_1078 = arith.constant -57.1160888 : f32
    %mul3A_1079 = vector.broadcast %mul3A_1078 : f32 to vector<8x2048xf32>
    %mul3A_1080 = arith.mulf %mul3A_1079, %mul3A_1077 : vector<8x2048xf32>
    %add3A_1081 = arith.constant 78.3270874 : f32
    %add3A_1082 = vector.broadcast %add3A_1081 : f32 to vector<8x2048xf32>
    %add3A_1083 = arith.addf %mul3A_1080, %add3A_1082 : vector<8x2048xf32>
    %mul3A_1084 = arith.mulf %add3A_1083, %mul3A_1077 : vector<8x2048xf32>
    %add3A_1085 = arith.constant -41.1362572 : f32
    %add3A_1086 = vector.broadcast %add3A_1085 : f32 to vector<8x2048xf32>
    %add3A_1087 = arith.addf %mul3A_1084, %add3A_1086 : vector<8x2048xf32>
    %mul3A_1088 = arith.mulf %add3A_1087, %mul3A_1077 : vector<8x2048xf32>
    %add3A_1089 = arith.constant 6.27973079 : f32
    %add3A_1090 = vector.broadcast %add3A_1089 : f32 to vector<8x2048xf32>
    %add3A_1091 = arith.addf %mul3A_1088, %add3A_1090 : vector<8x2048xf32>
    %mul3A_1092 = arith.mulf %add3A_1091, %sub3A_1076 : vector<8x2048xf32>
    %swap3A_1093 = arith.constant 264 : index
    %swap3A_1094 = arith.constant 0 : index
    %swap3A_1095 = vector.load %arg4[%swap3A_1093, %swap3A_1094] : memref<768x2048xf32, #tpu.memory_space<vmem>>, vector<8x2048xf32>
    tpu.vector_store %arg4[%swap3A_1093, %swap3A_1094], %mul3A_1092 {strides = array<i32>} : memref<768x2048xf32, #tpu.memory_space<vmem>>, vector<8x2048xf32>,
    %get3A_1096 = arith.constant 16 : index
    %get3A_1097 = arith.constant 0 : index
    %get3A_1098 = vector.load %arg1[%get3A_1096, %get3A_1097] : memref<128x1xf32, #tpu.memory_space<vmem>>, vector<8x1xf32>
    %get3A_1099 = arith.constant 16 : index
    %get3A_1100 = arith.constant 0 : index
    %get3A_1101 = vector.load %arg2[%get3A_1099, %get3A_1100] : memref<128x1xf32, #tpu.memory_space<vmem>>, vector<8x1xf32>
    %mul3A_1102 = vector.broadcast %broadcast_in_dim3A_1031 : vector<1x2048xf32> to vector<8x2048xf32>
    %mul3A_1103 = vector.broadcast %get3A_1098 : vector<8x1xf32> to vector<8x2048xf32>
    %mul3A_1104 = arith.mulf %mul3A_1102, %mul3A_1103 : vector<8x2048xf32>
    %add3A_1105 = vector.broadcast %get3A_1101 : vector<8x1xf32> to vector<8x2048xf32>
    %add3A_1106 = arith.addf %mul3A_1104, %add3A_1105 : vector<8x2048xf32>
    %round3A_1107 = math.roundeven %add3A_1106 : vector<8x2048xf32>
    %sub3A_1108 = arith.subf %add3A_1106, %round3A_1107 : vector<8x2048xf32>
    %mul3A_1109 = arith.mulf %sub3A_1108, %sub3A_1108 : vector<8x2048xf32>
    %mul3A_1110 = arith.constant -57.1160888 : f32
    %mul3A_1111 = vector.broadcast %mul3A_1110 : f32 to vector<8x2048xf32>
    %mul3A_1112 = arith.mulf %mul3A_1111, %mul3A_1109 : vector<8x2048xf32>
    %add3A_1113 = arith.constant 78.3270874 : f32
    %add3A_1114 = vector.broadcast %add3A_1113 : f32 to vector<8x2048xf32>
    %add3A_1115 = arith.addf %mul3A_1112, %add3A_1114 : vector<8x2048xf32>
    %mul3A_1116 = arith.mulf %add3A_1115, %mul3A_1109 : vector<8x2048xf32>
    %add3A_1117 = arith.constant -41.1362572 : f32
    %add3A_1118 = vector.broadcast %add3A_1117 : f32 to vector<8x2048xf32>
    %add3A_1119 = arith.addf %mul3A_1116, %add3A_1118 : vector<8x2048xf32>
    %mul3A_1120 = arith.mulf %add3A_1119, %mul3A_1109 : vector<8x2048xf32>
    %add3A_1121 = arith.constant 6.27973079 : f32
    %add3A_1122 = vector.broadcast %add3A_1121 : f32 to vector<8x2048xf32>
    %add3A_1123 = arith.addf %mul3A_1120, %add3A_1122 : vector<8x2048xf32>
    %mul3A_1124 = arith.mulf %add3A_1123, %sub3A_1108 : vector<8x2048xf32>
    %swap3A_1125 = arith.constant 272 : index
    %swap3A_1126 = arith.constant 0 : index
    %swap3A_1127 = vector.load %arg4[%swap3A_1125, %swap3A_1126] : memref<768x2048xf32, #tpu.memory_space<vmem>>, vector<8x2048xf32>
    tpu.vector_store %arg4[%swap3A_1125, %swap3A_1126], %mul3A_1124 {strides = array<i32>} : memref<768x2048xf32, #tpu.memory_space<vmem>>, vector<8x2048xf32>,
    %get3A_1128 = arith.constant 24 : index
    %get3A_1129 = arith.constant 0 : index
    %get3A_1130 = vector.load %arg1[%get3A_1128, %get3A_1129] : memref<128x1xf32, #tpu.memory_space<vmem>>, vector<8x1xf32>
    %get3A_1131 = arith.constant 24 : index
    %get3A_1132 = arith.constant 0 : index
    %get3A_1133 = vector.load %arg2[%get3A_1131, %get3A_1132] : memref<128x1xf32, #tpu.memory_space<vmem>>, vector<8x1xf32>
    %mul3A_1134 = vector.broadcast %broadcast_in_dim3A_1031 : vector<1x2048xf32> to vector<8x2048xf32>
    %mul3A_1135 = vector.broadcast %get3A_1130 : vector<8x1xf32> to vector<8x2048xf32>
    %mul3A_1136 = arith.mulf %mul3A_1134, %mul3A_1135 : vector<8x2048xf32>
    %add3A_1137 = vector.broadcast %get3A_1133 : vector<8x1xf32> to vector<8x2048xf32>
    %add3A_1138 = arith.addf %mul3A_1136, %add3A_1137 : vector<8x2048xf32>
    %round3A_1139 = math.roundeven %add3A_1138 : vector<8x2048xf32>
    %sub3A_1140 = arith.subf %add3A_1138, %round3A_1139 : vector<8x2048xf32>
    %mul3A_1141 = arith.mulf %sub3A_1140, %sub3A_1140 : vector<8x2048xf32>
    %mul3A_1142 = arith.constant -57.1160888 : f32
    %mul3A_1143 = vector.broadcast %mul3A_1142 : f32 to vector<8x2048xf32>
    %mul3A_1144 = arith.mulf %mul3A_1143, %mul3A_1141 : vector<8x2048xf32>
    %add3A_1145 = arith.constant 78.3270874 : f32
    %add3A_1146 = vector.broadcast %add3A_1145 : f32 to vector<8x2048xf32>
    %add3A_1147 = arith.addf %mul3A_1144, %add3A_1146 : vector<8x2048xf32>
    %mul3A_1148 = arith.mulf %add3A_1147, %mul3A_1141 : vector<8x2048xf32>
    %add3A_1149 = arith.constant -41.1362572 : f32
    %add3A_1150 = vector.broadcast %add3A_1149 : f32 to vector<8x2048xf32>
    %add3A_1151 = arith.addf %mul3A_1148, %add3A_1150 : vector<8x2048xf32>
    %mul3A_1152 = arith.mulf %add3A_1151, %mul3A_1141 : vector<8x2048xf32>
    %add3A_1153 = arith.constant 6.27973079 : f32
    %add3A_1154 = vector.broadcast %add3A_1153 : f32 to vector<8x2048xf32>
    %add3A_1155 = arith.addf %mul3A_1152, %add3A_1154 : vector<8x2048xf32>
    %mul3A_1156 = arith.mulf %add3A_1155, %sub3A_1140 : vector<8x2048xf32>
    %swap3A_1157 = arith.constant 280 : index
    %swap3A_1158 = arith.constant 0 : index
    %swap3A_1159 = vector.load %arg4[%swap3A_1157, %swap3A_1158] : memref<768x2048xf32, #tpu.memory_space<vmem>>, vector<8x2048xf32>
    tpu.vector_store %arg4[%swap3A_1157, %swap3A_1158], %mul3A_1156 {strides = array<i32>} : memref<768x2048xf32, #tpu.memory_space<vmem>>, vector<8x2048xf32>,
    %get3A_1160 = arith.constant 32 : index
    %get3A_1161 = arith.constant 0 : index
    %get3A_1162 = vector.load %arg1[%get3A_1160, %get3A_1161] : memref<128x1xf32, #tpu.memory_space<vmem>>, vector<8x1xf32>
    %get3A_1163 = arith.constant 32 : index
    %get3A_1164 = arith.constant 0 : index
    %get3A_1165 = vector.load %arg2[%get3A_1163, %get3A_1164] : memref<128x1xf32, #tpu.memory_space<vmem>>, vector<8x1xf32>
    %mul3A_1166 = vector.broadcast %broadcast_in_dim3A_1031 : vector<1x2048xf32> to vector<8x2048xf32>
    %mul3A_1167 = vector.broadcast %get3A_1162 : vector<8x1xf32> to vector<8x2048xf32>
    %mul3A_1168 = arith.mulf %mul3A_1166, %mul3A_1167 : vector<8x2048xf32>
    %add3A_1169 = vector.broadcast %get3A_1165 : vector<8x1xf32> to vector<8x2048xf32>
    %add3A_1170 = arith.addf %mul3A_1168, %add3A_1169 : vector<8x2048xf32>
    %round3A_1171 = math.roundeven %add3A_1170 : vector<8x2048xf32>
    %sub3A_1172 = arith.subf %add3A_1170, %round3A_1171 : vector<8x2048xf32>
    %mul3A_1173 = arith.mulf %sub3A_1172, %sub3A_1172 : vector<8x2048xf32>
    %mul3A_1174 = arith.constant -57.1160888 : f32
    %mul3A_1175 = vector.broadcast %mul3A_1174 : f32 to vector<8x2048xf32>
    %mul3A_1176 = arith.mulf %mul3A_1175, %mul3A_1173 : vector<8x2048xf32>
    %add3A_1177 = arith.constant 78.3270874 : f32
    %add3A_1178 = vector.broadcast %add3A_1177 : f32 to vector<8x2048xf32>
    %add3A_1179 = arith.addf %mul3A_1176, %add3A_1178 : vector<8x2048xf32>
    %mul3A_1180 = arith.mulf %add3A_1179, %mul3A_1173 : vector<8x2048xf32>
    %add3A_1181 = arith.constant -41.1362572 : f32
    %add3A_1182 = vector.broadcast %add3A_1181 : f32 to vector<8x2048xf32>
    %add3A_1183 = arith.addf %mul3A_1180, %add3A_1182 : vector<8x2048xf32>
    %mul3A_1184 = arith.mulf %add3A_1183, %mul3A_1173 : vector<8x2048xf32>
    %add3A_1185 = arith.constant 6.27973079 : f32
    %add3A_1186 = vector.broadcast %add3A_1185 : f32 to vector<8x2048xf32>
    %add3A_1187 = arith.addf %mul3A_1184, %add3A_1186 : vector<8x2048xf32>
    %mul3A_1188 = arith.mulf %add3A_1187, %sub3A_1172 : vector<8x2048xf32>
    %swap3A_1189 = arith.constant 288 : index
    %swap3A_1190 = arith.constant 0 : index
    %swap3A_1191 = vector.load %arg4[%swap3A_1189, %swap3A_1190] : memref<768x2048xf32, #tpu.memory_space<vmem>>, vector<8x2048xf32>
    tpu.vector_store %arg4[%swap3A_1189, %swap3A_1190], %mul3A_1188 {strides = array<i32>} : memref<768x2048xf32, #tpu.memory_space<vmem>>, vector<8x2048xf32>,
    %get3A_1192 = arith.constant 40 : index
    %get3A_1193 = arith.constant 0 : index
    %get3A_1194 = vector.load %arg1[%get3A_1192, %get3A_1193] : memref<128x1xf32, #tpu.memory_space<vmem>>, vector<8x1xf32>
    %get3A_1195 = arith.constant 40 : index
    %get3A_1196 = arith.constant 0 : index
    %get3A_1197 = vector.load %arg2[%get3A_1195, %get3A_1196] : memref<128x1xf32, #tpu.memory_space<vmem>>, vector<8x1xf32>
    %mul3A_1198 = vector.broadcast %broadcast_in_dim3A_1031 : vector<1x2048xf32> to vector<8x2048xf32>
    %mul3A_1199 = vector.broadcast %get3A_1194 : vector<8x1xf32> to vector<8x2048xf32>
    %mul3A_1200 = arith.mulf %mul3A_1198, %mul3A_1199 : vector<8x2048xf32>
    %add3A_1201 = vector.broadcast %get3A_1197 : vector<8x1xf32> to vector<8x2048xf32>
    %add3A_1202 = arith.addf %mul3A_1200, %add3A_1201 : vector<8x2048xf32>
    %round3A_1203 = math.roundeven %add3A_1202 : vector<8x2048xf32>
    %sub3A_1204 = arith.subf %add3A_1202, %round3A_1203 : vector<8x2048xf32>
    %mul3A_1205 = arith.mulf %sub3A_1204, %sub3A_1204 : vector<8x2048xf32>
    %mul3A_1206 = arith.constant -57.1160888 : f32
    %mul3A_1207 = vector.broadcast %mul3A_1206 : f32 to vector<8x2048xf32>
    %mul3A_1208 = arith.mulf %mul3A_1207, %mul3A_1205 : vector<8x2048xf32>
    %add3A_1209 = arith.constant 78.3270874 : f32
    %add3A_1210 = vector.broadcast %add3A_1209 : f32 to vector<8x2048xf32>
    %add3A_1211 = arith.addf %mul3A_1208, %add3A_1210 : vector<8x2048xf32>
    %mul3A_1212 = arith.mulf %add3A_1211, %mul3A_1205 : vector<8x2048xf32>
    %add3A_1213 = arith.constant -41.1362572 : f32
    %add3A_1214 = vector.broadcast %add3A_1213 : f32 to vector<8x2048xf32>
    %add3A_1215 = arith.addf %mul3A_1212, %add3A_1214 : vector<8x2048xf32>
    %mul3A_1216 = arith.mulf %add3A_1215, %mul3A_1205 : vector<8x2048xf32>
    %add3A_1217 = arith.constant 6.27973079 : f32
    %add3A_1218 = vector.broadcast %add3A_1217 : f32 to vector<8x2048xf32>
    %add3A_1219 = arith.addf %mul3A_1216, %add3A_1218 : vector<8x2048xf32>
    %mul3A_1220 = arith.mulf %add3A_1219, %sub3A_1204 : vector<8x2048xf32>
    %swap3A_1221 = arith.constant 296 : index
    %swap3A_1222 = arith.constant 0 : index
    %swap3A_1223 = vector.load %arg4[%swap3A_1221, %swap3A_1222] : memref<768x2048xf32, #tpu.memory_space<vmem>>, vector<8x2048xf32>
    tpu.vector_store %arg4[%swap3A_1221, %swap3A_1222], %mul3A_1220 {strides = array<i32>} : memref<768x2048xf32, #tpu.memory_space<vmem>>, vector<8x2048xf32>,
    %get3A_1224 = arith.constant 48 : index
    %get3A_1225 = arith.constant 0 : index
    %get3A_1226 = vector.load %arg1[%get3A_1224, %get3A_1225] : memref<128x1xf32, #tpu.memory_space<vmem>>, vector<8x1xf32>
    %get3A_1227 = arith.constant 48 : index
    %get3A_1228 = arith.constant 0 : index
    %get3A_1229 = vector.load %arg2[%get3A_1227, %get3A_1228] : memref<128x1xf32, #tpu.memory_space<vmem>>, vector<8x1xf32>
    %mul3A_1230 = vector.broadcast %broadcast_in_dim3A_1031 : vector<1x2048xf32> to vector<8x2048xf32>
    %mul3A_1231 = vector.broadcast %get3A_1226 : vector<8x1xf32> to vector<8x2048xf32>
    %mul3A_1232 = arith.mulf %mul3A_1230, %mul3A_1231 : vector<8x2048xf32>
    %add3A_1233 = vector.broadcast %get3A_1229 : vector<8x1xf32> to vector<8x2048xf32>
    %add3A_1234 = arith.addf %mul3A_1232, %add3A_1233 : vector<8x2048xf32>
    %round3A_1235 = math.roundeven %add3A_1234 : vector<8x2048xf32>
    %sub3A_1236 = arith.subf %add3A_1234, %round3A_1235 : vector<8x2048xf32>
    %mul3A_1237 = arith.mulf %sub3A_1236, %sub3A_1236 : vector<8x2048xf32>
    %mul3A_1238 = arith.constant -57.1160888 : f32
    %mul3A_1239 = vector.broadcast %mul3A_1238 : f32 to vector<8x2048xf32>
    %mul3A_1240 = arith.mulf %mul3A_1239, %mul3A_1237 : vector<8x2048xf32>
    %add3A_1241 = arith.constant 78.3270874 : f32
    %add3A_1242 = vector.broadcast %add3A_1241 : f32 to vector<8x2048xf32>
    %add3A_1243 = arith.addf %mul3A_1240, %add3A_1242 : vector<8x2048xf32>
    %mul3A_1244 = arith.mulf %add3A_1243, %mul3A_1237 : vector<8x2048xf32>
    %add3A_1245 = arith.constant -41.1362572 : f32
    %add3A_1246 = vector.broadcast %add3A_1245 : f32 to vector<8x2048xf32>
    %add3A_1247 = arith.addf %mul3A_1244, %add3A_1246 : vector<8x2048xf32>
    %mul3A_1248 = arith.mulf %add3A_1247, %mul3A_1237 : vector<8x2048xf32>
    %add3A_1249 = arith.constant 6.27973079 : f32
    %add3A_1250 = vector.broadcast %add3A_1249 : f32 to vector<8x2048xf32>
    %add3A_1251 = arith.addf %mul3A_1248, %add3A_1250 : vector<8x2048xf32>
    %mul3A_1252 = arith.mulf %add3A_1251, %sub3A_1236 : vector<8x2048xf32>
    %swap3A_1253 = arith.constant 304 : index
    %swap3A_1254 = arith.constant 0 : index
    %swap3A_1255 = vector.load %arg4[%swap3A_1253, %swap3A_1254] : memref<768x2048xf32, #tpu.memory_space<vmem>>, vector<8x2048xf32>
    tpu.vector_store %arg4[%swap3A_1253, %swap3A_1254], %mul3A_1252 {strides = array<i32>} : memref<768x2048xf32, #tpu.memory_space<vmem>>, vector<8x2048xf32>,
    %get3A_1256 = arith.constant 56 : index
    %get3A_1257 = arith.constant 0 : index
    %get3A_1258 = vector.load %arg1[%get3A_1256, %get3A_1257] : memref<128x1xf32, #tpu.memory_space<vmem>>, vector<8x1xf32>
    %get3A_1259 = arith.constant 56 : index
    %get3A_1260 = arith.constant 0 : index
    %get3A_1261 = vector.load %arg2[%get3A_1259, %get3A_1260] : memref<128x1xf32, #tpu.memory_space<vmem>>, vector<8x1xf32>
    %mul3A_1262 = vector.broadcast %broadcast_in_dim3A_1031 : vector<1x2048xf32> to vector<8x2048xf32>
    %mul3A_1263 = vector.broadcast %get3A_1258 : vector<8x1xf32> to vector<8x2048xf32>
    %mul3A_1264 = arith.mulf %mul3A_1262, %mul3A_1263 : vector<8x2048xf32>
    %add3A_1265 = vector.broadcast %get3A_1261 : vector<8x1xf32> to vector<8x2048xf32>
    %add3A_1266 = arith.addf %mul3A_1264, %add3A_1265 : vector<8x2048xf32>
    %round3A_1267 = math.roundeven %add3A_1266 : vector<8x2048xf32>
    %sub3A_1268 = arith.subf %add3A_1266, %round3A_1267 : vector<8x2048xf32>
    %mul3A_1269 = arith.mulf %sub3A_1268, %sub3A_1268 : vector<8x2048xf32>
    %mul3A_1270 = arith.constant -57.1160888 : f32
    %mul3A_1271 = vector.broadcast %mul3A_1270 : f32 to vector<8x2048xf32>
    %mul3A_1272 = arith.mulf %mul3A_1271, %mul3A_1269 : vector<8x2048xf32>
    %add3A_1273 = arith.constant 78.3270874 : f32
    %add3A_1274 = vector.broadcast %add3A_1273 : f32 to vector<8x2048xf32>
    %add3A_1275 = arith.addf %mul3A_1272, %add3A_1274 : vector<8x2048xf32>
    %mul3A_1276 = arith.mulf %add3A_1275, %mul3A_1269 : vector<8x2048xf32>
    %add3A_1277 = arith.constant -41.1362572 : f32
    %add3A_1278 = vector.broadcast %add3A_1277 : f32 to vector<8x2048xf32>
    %add3A_1279 = arith.addf %mul3A_1276, %add3A_1278 : vector<8x2048xf32>
    %mul3A_1280 = arith.mulf %add3A_1279, %mul3A_1269 : vector<8x2048xf32>
    %add3A_1281 = arith.constant 6.27973079 : f32
    %add3A_1282 = vector.broadcast %add3A_1281 : f32 to vector<8x2048xf32>
    %add3A_1283 = arith.addf %mul3A_1280, %add3A_1282 : vector<8x2048xf32>
    %mul3A_1284 = arith.mulf %add3A_1283, %sub3A_1268 : vector<8x2048xf32>
    %swap3A_1285 = arith.constant 312 : index
    %swap3A_1286 = arith.constant 0 : index
    %swap3A_1287 = vector.load %arg4[%swap3A_1285, %swap3A_1286] : memref<768x2048xf32, #tpu.memory_space<vmem>>, vector<8x2048xf32>
    tpu.vector_store %arg4[%swap3A_1285, %swap3A_1286], %mul3A_1284 {strides = array<i32>} : memref<768x2048xf32, #tpu.memory_space<vmem>>, vector<8x2048xf32>,
    %get3A_1288 = arith.constant 64 : index
    %get3A_1289 = arith.constant 0 : index
    %get3A_1290 = vector.load %arg1[%get3A_1288, %get3A_1289] : memref<128x1xf32, #tpu.memory_space<vmem>>, vector<8x1xf32>
    %get3A_1291 = arith.constant 64 : index
    %get3A_1292 = arith.constant 0 : index
    %get3A_1293 = vector.load %arg2[%get3A_1291, %get3A_1292] : memref<128x1xf32, #tpu.memory_space<vmem>>, vector<8x1xf32>
    %mul3A_1294 = vector.broadcast %broadcast_in_dim3A_1031 : vector<1x2048xf32> to vector<8x2048xf32>
    %mul3A_1295 = vector.broadcast %get3A_1290 : vector<8x1xf32> to vector<8x2048xf32>
    %mul3A_1296 = arith.mulf %mul3A_1294, %mul3A_1295 : vector<8x2048xf32>
    %add3A_1297 = vector.broadcast %get3A_1293 : vector<8x1xf32> to vector<8x2048xf32>
    %add3A_1298 = arith.addf %mul3A_1296, %add3A_1297 : vector<8x2048xf32>
    %round3A_1299 = math.roundeven %add3A_1298 : vector<8x2048xf32>
    %sub3A_1300 = arith.subf %add3A_1298, %round3A_1299 : vector<8x2048xf32>
    %mul3A_1301 = arith.mulf %sub3A_1300, %sub3A_1300 : vector<8x2048xf32>
    %mul3A_1302 = arith.constant -57.1160888 : f32
    %mul3A_1303 = vector.broadcast %mul3A_1302 : f32 to vector<8x2048xf32>
    %mul3A_1304 = arith.mulf %mul3A_1303, %mul3A_1301 : vector<8x2048xf32>
    %add3A_1305 = arith.constant 78.3270874 : f32
    %add3A_1306 = vector.broadcast %add3A_1305 : f32 to vector<8x2048xf32>
    %add3A_1307 = arith.addf %mul3A_1304, %add3A_1306 : vector<8x2048xf32>
    %mul3A_1308 = arith.mulf %add3A_1307, %mul3A_1301 : vector<8x2048xf32>
    %add3A_1309 = arith.constant -41.1362572 : f32
    %add3A_1310 = vector.broadcast %add3A_1309 : f32 to vector<8x2048xf32>
    %add3A_1311 = arith.addf %mul3A_1308, %add3A_1310 : vector<8x2048xf32>
    %mul3A_1312 = arith.mulf %add3A_1311, %mul3A_1301 : vector<8x2048xf32>
    %add3A_1313 = arith.constant 6.27973079 : f32
    %add3A_1314 = vector.broadcast %add3A_1313 : f32 to vector<8x2048xf32>
    %add3A_1315 = arith.addf %mul3A_1312, %add3A_1314 : vector<8x2048xf32>
    %mul3A_1316 = arith.mulf %add3A_1315, %sub3A_1300 : vector<8x2048xf32>
    %swap3A_1317 = arith.constant 320 : index
    %swap3A_1318 = arith.constant 0 : index
    %swap3A_1319 = vector.load %arg4[%swap3A_1317, %swap3A_1318] : memref<768x2048xf32, #tpu.memory_space<vmem>>, vector<8x2048xf32>
    tpu.vector_store %arg4[%swap3A_1317, %swap3A_1318], %mul3A_1316 {strides = array<i32>} : memref<768x2048xf32, #tpu.memory_space<vmem>>, vector<8x2048xf32>,
    %get3A_1320 = arith.constant 72 : index
    %get3A_1321 = arith.constant 0 : index
    %get3A_1322 = vector.load %arg1[%get3A_1320, %get3A_1321] : memref<128x1xf32, #tpu.memory_space<vmem>>, vector<8x1xf32>
    %get3A_1323 = arith.constant 72 : index
    %get3A_1324 = arith.constant 0 : index
    %get3A_1325 = vector.load %arg2[%get3A_1323, %get3A_1324] : memref<128x1xf32, #tpu.memory_space<vmem>>, vector<8x1xf32>
    %mul3A_1326 = vector.broadcast %broadcast_in_dim3A_1031 : vector<1x2048xf32> to vector<8x2048xf32>
    %mul3A_1327 = vector.broadcast %get3A_1322 : vector<8x1xf32> to vector<8x2048xf32>
    %mul3A_1328 = arith.mulf %mul3A_1326, %mul3A_1327 : vector<8x2048xf32>
    %add3A_1329 = vector.broadcast %get3A_1325 : vector<8x1xf32> to vector<8x2048xf32>
    %add3A_1330 = arith.addf %mul3A_1328, %add3A_1329 : vector<8x2048xf32>
    %round3A_1331 = math.roundeven %add3A_1330 : vector<8x2048xf32>
    %sub3A_1332 = arith.subf %add3A_1330, %round3A_1331 : vector<8x2048xf32>
    %mul3A_1333 = arith.mulf %sub3A_1332, %sub3A_1332 : vector<8x2048xf32>
    %mul3A_1334 = arith.constant -57.1160888 : f32
    %mul3A_1335 = vector.broadcast %mul3A_1334 : f32 to vector<8x2048xf32>
    %mul3A_1336 = arith.mulf %mul3A_1335, %mul3A_1333 : vector<8x2048xf32>
    %add3A_1337 = arith.constant 78.3270874 : f32
    %add3A_1338 = vector.broadcast %add3A_1337 : f32 to vector<8x2048xf32>
    %add3A_1339 = arith.addf %mul3A_1336, %add3A_1338 : vector<8x2048xf32>
    %mul3A_1340 = arith.mulf %add3A_1339, %mul3A_1333 : vector<8x2048xf32>
    %add3A_1341 = arith.constant -41.1362572 : f32
    %add3A_1342 = vector.broadcast %add3A_1341 : f32 to vector<8x2048xf32>
    %add3A_1343 = arith.addf %mul3A_1340, %add3A_1342 : vector<8x2048xf32>
    %mul3A_1344 = arith.mulf %add3A_1343, %mul3A_1333 : vector<8x2048xf32>
    %add3A_1345 = arith.constant 6.27973079 : f32
    %add3A_1346 = vector.broadcast %add3A_1345 : f32 to vector<8x2048xf32>
    %add3A_1347 = arith.addf %mul3A_1344, %add3A_1346 : vector<8x2048xf32>
    %mul3A_1348 = arith.mulf %add3A_1347, %sub3A_1332 : vector<8x2048xf32>
    %swap3A_1349 = arith.constant 328 : index
    %swap3A_1350 = arith.constant 0 : index
    %swap3A_1351 = vector.load %arg4[%swap3A_1349, %swap3A_1350] : memref<768x2048xf32, #tpu.memory_space<vmem>>, vector<8x2048xf32>
    tpu.vector_store %arg4[%swap3A_1349, %swap3A_1350], %mul3A_1348 {strides = array<i32>} : memref<768x2048xf32, #tpu.memory_space<vmem>>, vector<8x2048xf32>,
    %get3A_1352 = arith.constant 80 : index
    %get3A_1353 = arith.constant 0 : index
    %get3A_1354 = vector.load %arg1[%get3A_1352, %get3A_1353] : memref<128x1xf32, #tpu.memory_space<vmem>>, vector<8x1xf32>
    %get3A_1355 = arith.constant 80 : index
    %get3A_1356 = arith.constant 0 : index
    %get3A_1357 = vector.load %arg2[%get3A_1355, %get3A_1356] : memref<128x1xf32, #tpu.memory_space<vmem>>, vector<8x1xf32>
    %mul3A_1358 = vector.broadcast %broadcast_in_dim3A_1031 : vector<1x2048xf32> to vector<8x2048xf32>
    %mul3A_1359 = vector.broadcast %get3A_1354 : vector<8x1xf32> to vector<8x2048xf32>
    %mul3A_1360 = arith.mulf %mul3A_1358, %mul3A_1359 : vector<8x2048xf32>
    %add3A_1361 = vector.broadcast %get3A_1357 : vector<8x1xf32> to vector<8x2048xf32>
    %add3A_1362 = arith.addf %mul3A_1360, %add3A_1361 : vector<8x2048xf32>
    %round3A_1363 = math.roundeven %add3A_1362 : vector<8x2048xf32>
    %sub3A_1364 = arith.subf %add3A_1362, %round3A_1363 : vector<8x2048xf32>
    %mul3A_1365 = arith.mulf %sub3A_1364, %sub3A_1364 : vector<8x2048xf32>
    %mul3A_1366 = arith.constant -57.1160888 : f32
    %mul3A_1367 = vector.broadcast %mul3A_1366 : f32 to vector<8x2048xf32>
    %mul3A_1368 = arith.mulf %mul3A_1367, %mul3A_1365 : vector<8x2048xf32>
    %add3A_1369 = arith.constant 78.3270874 : f32
    %add3A_1370 = vector.broadcast %add3A_1369 : f32 to vector<8x2048xf32>
    %add3A_1371 = arith.addf %mul3A_1368, %add3A_1370 : vector<8x2048xf32>
    %mul3A_1372 = arith.mulf %add3A_1371, %mul3A_1365 : vector<8x2048xf32>
    %add3A_1373 = arith.constant -41.1362572 : f32
    %add3A_1374 = vector.broadcast %add3A_1373 : f32 to vector<8x2048xf32>
    %add3A_1375 = arith.addf %mul3A_1372, %add3A_1374 : vector<8x2048xf32>
    %mul3A_1376 = arith.mulf %add3A_1375, %mul3A_1365 : vector<8x2048xf32>
    %add3A_1377 = arith.constant 6.27973079 : f32
    %add3A_1378 = vector.broadcast %add3A_1377 : f32 to vector<8x2048xf32>
    %add3A_1379 = arith.addf %mul3A_1376, %add3A_1378 : vector<8x2048xf32>
    %mul3A_1380 = arith.mulf %add3A_1379, %sub3A_1364 : vector<8x2048xf32>
    %swap3A_1381 = arith.constant 336 : index
    %swap3A_1382 = arith.constant 0 : index
    %swap3A_1383 = vector.load %arg4[%swap3A_1381, %swap3A_1382] : memref<768x2048xf32, #tpu.memory_space<vmem>>, vector<8x2048xf32>
    tpu.vector_store %arg4[%swap3A_1381, %swap3A_1382], %mul3A_1380 {strides = array<i32>} : memref<768x2048xf32, #tpu.memory_space<vmem>>, vector<8x2048xf32>,
    %get3A_1384 = arith.constant 88 : index
    %get3A_1385 = arith.constant 0 : index
    %get3A_1386 = vector.load %arg1[%get3A_1384, %get3A_1385] : memref<128x1xf32, #tpu.memory_space<vmem>>, vector<8x1xf32>
    %get3A_1387 = arith.constant 88 : index
    %get3A_1388 = arith.constant 0 : index
    %get3A_1389 = vector.load %arg2[%get3A_1387, %get3A_1388] : memref<128x1xf32, #tpu.memory_space<vmem>>, vector<8x1xf32>
    %mul3A_1390 = vector.broadcast %broadcast_in_dim3A_1031 : vector<1x2048xf32> to vector<8x2048xf32>
    %mul3A_1391 = vector.broadcast %get3A_1386 : vector<8x1xf32> to vector<8x2048xf32>
    %mul3A_1392 = arith.mulf %mul3A_1390, %mul3A_1391 : vector<8x2048xf32>
    %add3A_1393 = vector.broadcast %get3A_1389 : vector<8x1xf32> to vector<8x2048xf32>
    %add3A_1394 = arith.addf %mul3A_1392, %add3A_1393 : vector<8x2048xf32>
    %round3A_1395 = math.roundeven %add3A_1394 : vector<8x2048xf32>
    %sub3A_1396 = arith.subf %add3A_1394, %round3A_1395 : vector<8x2048xf32>
    %mul3A_1397 = arith.mulf %sub3A_1396, %sub3A_1396 : vector<8x2048xf32>
    %mul3A_1398 = arith.constant -57.1160888 : f32
    %mul3A_1399 = vector.broadcast %mul3A_1398 : f32 to vector<8x2048xf32>
    %mul3A_1400 = arith.mulf %mul3A_1399, %mul3A_1397 : vector<8x2048xf32>
    %add3A_1401 = arith.constant 78.3270874 : f32
    %add3A_1402 = vector.broadcast %add3A_1401 : f32 to vector<8x2048xf32>
    %add3A_1403 = arith.addf %mul3A_1400, %add3A_1402 : vector<8x2048xf32>
    %mul3A_1404 = arith.mulf %add3A_1403, %mul3A_1397 : vector<8x2048xf32>
    %add3A_1405 = arith.constant -41.1362572 : f32
    %add3A_1406 = vector.broadcast %add3A_1405 : f32 to vector<8x2048xf32>
    %add3A_1407 = arith.addf %mul3A_1404, %add3A_1406 : vector<8x2048xf32>
    %mul3A_1408 = arith.mulf %add3A_1407, %mul3A_1397 : vector<8x2048xf32>
    %add3A_1409 = arith.constant 6.27973079 : f32
    %add3A_1410 = vector.broadcast %add3A_1409 : f32 to vector<8x2048xf32>
    %add3A_1411 = arith.addf %mul3A_1408, %add3A_1410 : vector<8x2048xf32>
    %mul3A_1412 = arith.mulf %add3A_1411, %sub3A_1396 : vector<8x2048xf32>
    %swap3A_1413 = arith.constant 344 : index
    %swap3A_1414 = arith.constant 0 : index
    %swap3A_1415 = vector.load %arg4[%swap3A_1413, %swap3A_1414] : memref<768x2048xf32, #tpu.memory_space<vmem>>, vector<8x2048xf32>
    tpu.vector_store %arg4[%swap3A_1413, %swap3A_1414], %mul3A_1412 {strides = array<i32>} : memref<768x2048xf32, #tpu.memory_space<vmem>>, vector<8x2048xf32>,
    %get3A_1416 = arith.constant 96 : index
    %get3A_1417 = arith.constant 0 : index
    %get3A_1418 = vector.load %arg1[%get3A_1416, %get3A_1417] : memref<128x1xf32, #tpu.memory_space<vmem>>, vector<8x1xf32>
    %get3A_1419 = arith.constant 96 : index
    %get3A_1420 = arith.constant 0 : index
    %get3A_1421 = vector.load %arg2[%get3A_1419, %get3A_1420] : memref<128x1xf32, #tpu.memory_space<vmem>>, vector<8x1xf32>
    %mul3A_1422 = vector.broadcast %broadcast_in_dim3A_1031 : vector<1x2048xf32> to vector<8x2048xf32>
    %mul3A_1423 = vector.broadcast %get3A_1418 : vector<8x1xf32> to vector<8x2048xf32>
    %mul3A_1424 = arith.mulf %mul3A_1422, %mul3A_1423 : vector<8x2048xf32>
    %add3A_1425 = vector.broadcast %get3A_1421 : vector<8x1xf32> to vector<8x2048xf32>
    %add3A_1426 = arith.addf %mul3A_1424, %add3A_1425 : vector<8x2048xf32>
    %round3A_1427 = math.roundeven %add3A_1426 : vector<8x2048xf32>
    %sub3A_1428 = arith.subf %add3A_1426, %round3A_1427 : vector<8x2048xf32>
    %mul3A_1429 = arith.mulf %sub3A_1428, %sub3A_1428 : vector<8x2048xf32>
    %mul3A_1430 = arith.constant -57.1160888 : f32
    %mul3A_1431 = vector.broadcast %mul3A_1430 : f32 to vector<8x2048xf32>
    %mul3A_1432 = arith.mulf %mul3A_1431, %mul3A_1429 : vector<8x2048xf32>
    %add3A_1433 = arith.constant 78.3270874 : f32
    %add3A_1434 = vector.broadcast %add3A_1433 : f32 to vector<8x2048xf32>
    %add3A_1435 = arith.addf %mul3A_1432, %add3A_1434 : vector<8x2048xf32>
    %mul3A_1436 = arith.mulf %add3A_1435, %mul3A_1429 : vector<8x2048xf32>
    %add3A_1437 = arith.constant -41.1362572 : f32
    %add3A_1438 = vector.broadcast %add3A_1437 : f32 to vector<8x2048xf32>
    %add3A_1439 = arith.addf %mul3A_1436, %add3A_1438 : vector<8x2048xf32>
    %mul3A_1440 = arith.mulf %add3A_1439, %mul3A_1429 : vector<8x2048xf32>
    %add3A_1441 = arith.constant 6.27973079 : f32
    %add3A_1442 = vector.broadcast %add3A_1441 : f32 to vector<8x2048xf32>
    %add3A_1443 = arith.addf %mul3A_1440, %add3A_1442 : vector<8x2048xf32>
    %mul3A_1444 = arith.mulf %add3A_1443, %sub3A_1428 : vector<8x2048xf32>
    %swap3A_1445 = arith.constant 352 : index
    %swap3A_1446 = arith.constant 0 : index
    %swap3A_1447 = vector.load %arg4[%swap3A_1445, %swap3A_1446] : memref<768x2048xf32, #tpu.memory_space<vmem>>, vector<8x2048xf32>
    tpu.vector_store %arg4[%swap3A_1445, %swap3A_1446], %mul3A_1444 {strides = array<i32>} : memref<768x2048xf32, #tpu.memory_space<vmem>>, vector<8x2048xf32>,
    %get3A_1448 = arith.constant 104 : index
    %get3A_1449 = arith.constant 0 : index
    %get3A_1450 = vector.load %arg1[%get3A_1448, %get3A_1449] : memref<128x1xf32, #tpu.memory_space<vmem>>, vector<8x1xf32>
    %get3A_1451 = arith.constant 104 : index
    %get3A_1452 = arith.constant 0 : index
    %get3A_1453 = vector.load %arg2[%get3A_1451, %get3A_1452] : memref<128x1xf32, #tpu.memory_space<vmem>>, vector<8x1xf32>
    %mul3A_1454 = vector.broadcast %broadcast_in_dim3A_1031 : vector<1x2048xf32> to vector<8x2048xf32>
    %mul3A_1455 = vector.broadcast %get3A_1450 : vector<8x1xf32> to vector<8x2048xf32>
    %mul3A_1456 = arith.mulf %mul3A_1454, %mul3A_1455 : vector<8x2048xf32>
    %add3A_1457 = vector.broadcast %get3A_1453 : vector<8x1xf32> to vector<8x2048xf32>
    %add3A_1458 = arith.addf %mul3A_1456, %add3A_1457 : vector<8x2048xf32>
    %round3A_1459 = math.roundeven %add3A_1458 : vector<8x2048xf32>
    %sub3A_1460 = arith.subf %add3A_1458, %round3A_1459 : vector<8x2048xf32>
    %mul3A_1461 = arith.mulf %sub3A_1460, %sub3A_1460 : vector<8x2048xf32>
    %mul3A_1462 = arith.constant -57.1160888 : f32
    %mul3A_1463 = vector.broadcast %mul3A_1462 : f32 to vector<8x2048xf32>
    %mul3A_1464 = arith.mulf %mul3A_1463, %mul3A_1461 : vector<8x2048xf32>
    %add3A_1465 = arith.constant 78.3270874 : f32
    %add3A_1466 = vector.broadcast %add3A_1465 : f32 to vector<8x2048xf32>
    %add3A_1467 = arith.addf %mul3A_1464, %add3A_1466 : vector<8x2048xf32>
    %mul3A_1468 = arith.mulf %add3A_1467, %mul3A_1461 : vector<8x2048xf32>
    %add3A_1469 = arith.constant -41.1362572 : f32
    %add3A_1470 = vector.broadcast %add3A_1469 : f32 to vector<8x2048xf32>
    %add3A_1471 = arith.addf %mul3A_1468, %add3A_1470 : vector<8x2048xf32>
    %mul3A_1472 = arith.mulf %add3A_1471, %mul3A_1461 : vector<8x2048xf32>
    %add3A_1473 = arith.constant 6.27973079 : f32
    %add3A_1474 = vector.broadcast %add3A_1473 : f32 to vector<8x2048xf32>
    %add3A_1475 = arith.addf %mul3A_1472, %add3A_1474 : vector<8x2048xf32>
    %mul3A_1476 = arith.mulf %add3A_1475, %sub3A_1460 : vector<8x2048xf32>
    %swap3A_1477 = arith.constant 360 : index
    %swap3A_1478 = arith.constant 0 : index
    %swap3A_1479 = vector.load %arg4[%swap3A_1477, %swap3A_1478] : memref<768x2048xf32, #tpu.memory_space<vmem>>, vector<8x2048xf32>
    tpu.vector_store %arg4[%swap3A_1477, %swap3A_1478], %mul3A_1476 {strides = array<i32>} : memref<768x2048xf32, #tpu.memory_space<vmem>>, vector<8x2048xf32>,
    %get3A_1480 = arith.constant 112 : index
    %get3A_1481 = arith.constant 0 : index
    %get3A_1482 = vector.load %arg1[%get3A_1480, %get3A_1481] : memref<128x1xf32, #tpu.memory_space<vmem>>, vector<8x1xf32>
    %get3A_1483 = arith.constant 112 : index
    %get3A_1484 = arith.constant 0 : index
    %get3A_1485 = vector.load %arg2[%get3A_1483, %get3A_1484] : memref<128x1xf32, #tpu.memory_space<vmem>>, vector<8x1xf32>
    %mul3A_1486 = vector.broadcast %broadcast_in_dim3A_1031 : vector<1x2048xf32> to vector<8x2048xf32>
    %mul3A_1487 = vector.broadcast %get3A_1482 : vector<8x1xf32> to vector<8x2048xf32>
    %mul3A_1488 = arith.mulf %mul3A_1486, %mul3A_1487 : vector<8x2048xf32>
    %add3A_1489 = vector.broadcast %get3A_1485 : vector<8x1xf32> to vector<8x2048xf32>
    %add3A_1490 = arith.addf %mul3A_1488, %add3A_1489 : vector<8x2048xf32>
    %round3A_1491 = math.roundeven %add3A_1490 : vector<8x2048xf32>
    %sub3A_1492 = arith.subf %add3A_1490, %round3A_1491 : vector<8x2048xf32>
    %mul3A_1493 = arith.mulf %sub3A_1492, %sub3A_1492 : vector<8x2048xf32>
    %mul3A_1494 = arith.constant -57.1160888 : f32
    %mul3A_1495 = vector.broadcast %mul3A_1494 : f32 to vector<8x2048xf32>
    %mul3A_1496 = arith.mulf %mul3A_1495, %mul3A_1493 : vector<8x2048xf32>
    %add3A_1497 = arith.constant 78.3270874 : f32
    %add3A_1498 = vector.broadcast %add3A_1497 : f32 to vector<8x2048xf32>
    %add3A_1499 = arith.addf %mul3A_1496, %add3A_1498 : vector<8x2048xf32>
    %mul3A_1500 = arith.mulf %add3A_1499, %mul3A_1493 : vector<8x2048xf32>
    %add3A_1501 = arith.constant -41.1362572 : f32
    %add3A_1502 = vector.broadcast %add3A_1501 : f32 to vector<8x2048xf32>
    %add3A_1503 = arith.addf %mul3A_1500, %add3A_1502 : vector<8x2048xf32>
    %mul3A_1504 = arith.mulf %add3A_1503, %mul3A_1493 : vector<8x2048xf32>
    %add3A_1505 = arith.constant 6.27973079 : f32
    %add3A_1506 = vector.broadcast %add3A_1505 : f32 to vector<8x2048xf32>
    %add3A_1507 = arith.addf %mul3A_1504, %add3A_1506 : vector<8x2048xf32>
    %mul3A_1508 = arith.mulf %add3A_1507, %sub3A_1492 : vector<8x2048xf32>
    %swap3A_1509 = arith.constant 368 : index
    %swap3A_1510 = arith.constant 0 : index
    %swap3A_1511 = vector.load %arg4[%swap3A_1509, %swap3A_1510] : memref<768x2048xf32, #tpu.memory_space<vmem>>, vector<8x2048xf32>
    tpu.vector_store %arg4[%swap3A_1509, %swap3A_1510], %mul3A_1508 {strides = array<i32>} : memref<768x2048xf32, #tpu.memory_space<vmem>>, vector<8x2048xf32>,
    %get3A_1512 = arith.constant 120 : index
    %get3A_1513 = arith.constant 0 : index
    %get3A_1514 = vector.load %arg1[%get3A_1512, %get3A_1513] : memref<128x1xf32, #tpu.memory_space<vmem>>, vector<8x1xf32>
    %get3A_1515 = arith.constant 120 : index
    %get3A_1516 = arith.constant 0 : index
    %get3A_1517 = vector.load %arg2[%get3A_1515, %get3A_1516] : memref<128x1xf32, #tpu.memory_space<vmem>>, vector<8x1xf32>
    %mul3A_1518 = vector.broadcast %broadcast_in_dim3A_1031 : vector<1x2048xf32> to vector<8x2048xf32>
    %mul3A_1519 = vector.broadcast %get3A_1514 : vector<8x1xf32> to vector<8x2048xf32>
    %mul3A_1520 = arith.mulf %mul3A_1518, %mul3A_1519 : vector<8x2048xf32>
    %add3A_1521 = vector.broadcast %get3A_1517 : vector<8x1xf32> to vector<8x2048xf32>
    %add3A_1522 = arith.addf %mul3A_1520, %add3A_1521 : vector<8x2048xf32>
    %round3A_1523 = math.roundeven %add3A_1522 : vector<8x2048xf32>
    %sub3A_1524 = arith.subf %add3A_1522, %round3A_1523 : vector<8x2048xf32>
    %mul3A_1525 = arith.mulf %sub3A_1524, %sub3A_1524 : vector<8x2048xf32>
    %mul3A_1526 = arith.constant -57.1160888 : f32
    %mul3A_1527 = vector.broadcast %mul3A_1526 : f32 to vector<8x2048xf32>
    %mul3A_1528 = arith.mulf %mul3A_1527, %mul3A_1525 : vector<8x2048xf32>
    %add3A_1529 = arith.constant 78.3270874 : f32
    %add3A_1530 = vector.broadcast %add3A_1529 : f32 to vector<8x2048xf32>
    %add3A_1531 = arith.addf %mul3A_1528, %add3A_1530 : vector<8x2048xf32>
    %mul3A_1532 = arith.mulf %add3A_1531, %mul3A_1525 : vector<8x2048xf32>
    %add3A_1533 = arith.constant -41.1362572 : f32
    %add3A_1534 = vector.broadcast %add3A_1533 : f32 to vector<8x2048xf32>
    %add3A_1535 = arith.addf %mul3A_1532, %add3A_1534 : vector<8x2048xf32>
    %mul3A_1536 = arith.mulf %add3A_1535, %mul3A_1525 : vector<8x2048xf32>
    %add3A_1537 = arith.constant 6.27973079 : f32
    %add3A_1538 = vector.broadcast %add3A_1537 : f32 to vector<8x2048xf32>
    %add3A_1539 = arith.addf %mul3A_1536, %add3A_1538 : vector<8x2048xf32>
    %mul3A_1540 = arith.mulf %add3A_1539, %sub3A_1524 : vector<8x2048xf32>
    %swap3A_1541 = arith.constant 376 : index
    %swap3A_1542 = arith.constant 0 : index
    %swap3A_1543 = vector.load %arg4[%swap3A_1541, %swap3A_1542] : memref<768x2048xf32, #tpu.memory_space<vmem>>, vector<8x2048xf32>
    tpu.vector_store %arg4[%swap3A_1541, %swap3A_1542], %mul3A_1540 {strides = array<i32>} : memref<768x2048xf32, #tpu.memory_space<vmem>>, vector<8x2048xf32>,
    %get3A_1544 = arith.constant 3 : index
    %get3A_1545 = arith.constant 0 : index
    %get3A_1546 = vector.load %arg3[%get3A_1544, %get3A_1545] : memref<6x2048xf32, #tpu.memory_space<vmem>>, vector<1x2048xf32>
    %get3A_1547 = vector.shape_cast %get3A_1546 : vector<1x2048xf32> to vector<2048xf32>
    %broadcast_in_dim3A_1548 = vector.shape_cast %get3A_1547 : vector<2048xf32> to vector<1x2048xf32>
    %get3A_1549 = arith.constant 0 : index
    %get3A_1550 = arith.constant 0 : index
    %get3A_1551 = vector.load %arg1[%get3A_1549, %get3A_1550] : memref<128x1xf32, #tpu.memory_space<vmem>>, vector<8x1xf32>
    %get3A_1552 = arith.constant 0 : index
    %get3A_1553 = arith.constant 0 : index
    %get3A_1554 = vector.load %arg2[%get3A_1552, %get3A_1553] : memref<128x1xf32, #tpu.memory_space<vmem>>, vector<8x1xf32>
    %mul3A_1555 = vector.broadcast %broadcast_in_dim3A_1548 : vector<1x2048xf32> to vector<8x2048xf32>
    %mul3A_1556 = vector.broadcast %get3A_1551 : vector<8x1xf32> to vector<8x2048xf32>
    %mul3A_1557 = arith.mulf %mul3A_1555, %mul3A_1556 : vector<8x2048xf32>
    %add3A_1558 = vector.broadcast %get3A_1554 : vector<8x1xf32> to vector<8x2048xf32>
    %add3A_1559 = arith.addf %mul3A_1557, %add3A_1558 : vector<8x2048xf32>
    %round3A_1560 = math.roundeven %add3A_1559 : vector<8x2048xf32>
    %sub3A_1561 = arith.subf %add3A_1559, %round3A_1560 : vector<8x2048xf32>
    %mul3A_1562 = arith.mulf %sub3A_1561, %sub3A_1561 : vector<8x2048xf32>
    %mul3A_1563 = arith.constant -57.1160888 : f32
    %mul3A_1564 = vector.broadcast %mul3A_1563 : f32 to vector<8x2048xf32>
    %mul3A_1565 = arith.mulf %mul3A_1564, %mul3A_1562 : vector<8x2048xf32>
    %add3A_1566 = arith.constant 78.3270874 : f32
    %add3A_1567 = vector.broadcast %add3A_1566 : f32 to vector<8x2048xf32>
    %add3A_1568 = arith.addf %mul3A_1565, %add3A_1567 : vector<8x2048xf32>
    %mul3A_1569 = arith.mulf %add3A_1568, %mul3A_1562 : vector<8x2048xf32>
    %add3A_1570 = arith.constant -41.1362572 : f32
    %add3A_1571 = vector.broadcast %add3A_1570 : f32 to vector<8x2048xf32>
    %add3A_1572 = arith.addf %mul3A_1569, %add3A_1571 : vector<8x2048xf32>
    %mul3A_1573 = arith.mulf %add3A_1572, %mul3A_1562 : vector<8x2048xf32>
    %add3A_1574 = arith.constant 6.27973079 : f32
    %add3A_1575 = vector.broadcast %add3A_1574 : f32 to vector<8x2048xf32>
    %add3A_1576 = arith.addf %mul3A_1573, %add3A_1575 : vector<8x2048xf32>
    %mul3A_1577 = arith.mulf %add3A_1576, %sub3A_1561 : vector<8x2048xf32>
    %swap3A_1578 = arith.constant 384 : index
    %swap3A_1579 = arith.constant 0 : index
    %swap3A_1580 = vector.load %arg4[%swap3A_1578, %swap3A_1579] : memref<768x2048xf32, #tpu.memory_space<vmem>>, vector<8x2048xf32>
    tpu.vector_store %arg4[%swap3A_1578, %swap3A_1579], %mul3A_1577 {strides = array<i32>} : memref<768x2048xf32, #tpu.memory_space<vmem>>, vector<8x2048xf32>,
    %get3A_1581 = arith.constant 8 : index
    %get3A_1582 = arith.constant 0 : index
    %get3A_1583 = vector.load %arg1[%get3A_1581, %get3A_1582] : memref<128x1xf32, #tpu.memory_space<vmem>>, vector<8x1xf32>
    %get3A_1584 = arith.constant 8 : index
    %get3A_1585 = arith.constant 0 : index
    %get3A_1586 = vector.load %arg2[%get3A_1584, %get3A_1585] : memref<128x1xf32, #tpu.memory_space<vmem>>, vector<8x1xf32>
    %mul3A_1587 = vector.broadcast %broadcast_in_dim3A_1548 : vector<1x2048xf32> to vector<8x2048xf32>
    %mul3A_1588 = vector.broadcast %get3A_1583 : vector<8x1xf32> to vector<8x2048xf32>
    %mul3A_1589 = arith.mulf %mul3A_1587, %mul3A_1588 : vector<8x2048xf32>
    %add3A_1590 = vector.broadcast %get3A_1586 : vector<8x1xf32> to vector<8x2048xf32>
    %add3A_1591 = arith.addf %mul3A_1589, %add3A_1590 : vector<8x2048xf32>
    %round3A_1592 = math.roundeven %add3A_1591 : vector<8x2048xf32>
    %sub3A_1593 = arith.subf %add3A_1591, %round3A_1592 : vector<8x2048xf32>
    %mul3A_1594 = arith.mulf %sub3A_1593, %sub3A_1593 : vector<8x2048xf32>
    %mul3A_1595 = arith.constant -57.1160888 : f32
    %mul3A_1596 = vector.broadcast %mul3A_1595 : f32 to vector<8x2048xf32>
    %mul3A_1597 = arith.mulf %mul3A_1596, %mul3A_1594 : vector<8x2048xf32>
    %add3A_1598 = arith.constant 78.3270874 : f32
    %add3A_1599 = vector.broadcast %add3A_1598 : f32 to vector<8x2048xf32>
    %add3A_1600 = arith.addf %mul3A_1597, %add3A_1599 : vector<8x2048xf32>
    %mul3A_1601 = arith.mulf %add3A_1600, %mul3A_1594 : vector<8x2048xf32>
    %add3A_1602 = arith.constant -41.1362572 : f32
    %add3A_1603 = vector.broadcast %add3A_1602 : f32 to vector<8x2048xf32>
    %add3A_1604 = arith.addf %mul3A_1601, %add3A_1603 : vector<8x2048xf32>
    %mul3A_1605 = arith.mulf %add3A_1604, %mul3A_1594 : vector<8x2048xf32>
    %add3A_1606 = arith.constant 6.27973079 : f32
    %add3A_1607 = vector.broadcast %add3A_1606 : f32 to vector<8x2048xf32>
    %add3A_1608 = arith.addf %mul3A_1605, %add3A_1607 : vector<8x2048xf32>
    %mul3A_1609 = arith.mulf %add3A_1608, %sub3A_1593 : vector<8x2048xf32>
    %swap3A_1610 = arith.constant 392 : index
    %swap3A_1611 = arith.constant 0 : index
    %swap3A_1612 = vector.load %arg4[%swap3A_1610, %swap3A_1611] : memref<768x2048xf32, #tpu.memory_space<vmem>>, vector<8x2048xf32>
    tpu.vector_store %arg4[%swap3A_1610, %swap3A_1611], %mul3A_1609 {strides = array<i32>} : memref<768x2048xf32, #tpu.memory_space<vmem>>, vector<8x2048xf32>,
    %get3A_1613 = arith.constant 16 : index
    %get3A_1614 = arith.constant 0 : index
    %get3A_1615 = vector.load %arg1[%get3A_1613, %get3A_1614] : memref<128x1xf32, #tpu.memory_space<vmem>>, vector<8x1xf32>
    %get3A_1616 = arith.constant 16 : index
    %get3A_1617 = arith.constant 0 : index
    %get3A_1618 = vector.load %arg2[%get3A_1616, %get3A_1617] : memref<128x1xf32, #tpu.memory_space<vmem>>, vector<8x1xf32>
    %mul3A_1619 = vector.broadcast %broadcast_in_dim3A_1548 : vector<1x2048xf32> to vector<8x2048xf32>
    %mul3A_1620 = vector.broadcast %get3A_1615 : vector<8x1xf32> to vector<8x2048xf32>
    %mul3A_1621 = arith.mulf %mul3A_1619, %mul3A_1620 : vector<8x2048xf32>
    %add3A_1622 = vector.broadcast %get3A_1618 : vector<8x1xf32> to vector<8x2048xf32>
    %add3A_1623 = arith.addf %mul3A_1621, %add3A_1622 : vector<8x2048xf32>
    %round3A_1624 = math.roundeven %add3A_1623 : vector<8x2048xf32>
    %sub3A_1625 = arith.subf %add3A_1623, %round3A_1624 : vector<8x2048xf32>
    %mul3A_1626 = arith.mulf %sub3A_1625, %sub3A_1625 : vector<8x2048xf32>
    %mul3A_1627 = arith.constant -57.1160888 : f32
    %mul3A_1628 = vector.broadcast %mul3A_1627 : f32 to vector<8x2048xf32>
    %mul3A_1629 = arith.mulf %mul3A_1628, %mul3A_1626 : vector<8x2048xf32>
    %add3A_1630 = arith.constant 78.3270874 : f32
    %add3A_1631 = vector.broadcast %add3A_1630 : f32 to vector<8x2048xf32>
    %add3A_1632 = arith.addf %mul3A_1629, %add3A_1631 : vector<8x2048xf32>
    %mul3A_1633 = arith.mulf %add3A_1632, %mul3A_1626 : vector<8x2048xf32>
    %add3A_1634 = arith.constant -41.1362572 : f32
    %add3A_1635 = vector.broadcast %add3A_1634 : f32 to vector<8x2048xf32>
    %add3A_1636 = arith.addf %mul3A_1633, %add3A_1635 : vector<8x2048xf32>
    %mul3A_1637 = arith.mulf %add3A_1636, %mul3A_1626 : vector<8x2048xf32>
    %add3A_1638 = arith.constant 6.27973079 : f32
    %add3A_1639 = vector.broadcast %add3A_1638 : f32 to vector<8x2048xf32>
    %add3A_1640 = arith.addf %mul3A_1637, %add3A_1639 : vector<8x2048xf32>
    %mul3A_1641 = arith.mulf %add3A_1640, %sub3A_1625 : vector<8x2048xf32>
    %swap3A_1642 = arith.constant 400 : index
    %swap3A_1643 = arith.constant 0 : index
    %swap3A_1644 = vector.load %arg4[%swap3A_1642, %swap3A_1643] : memref<768x2048xf32, #tpu.memory_space<vmem>>, vector<8x2048xf32>
    tpu.vector_store %arg4[%swap3A_1642, %swap3A_1643], %mul3A_1641 {strides = array<i32>} : memref<768x2048xf32, #tpu.memory_space<vmem>>, vector<8x2048xf32>,
    %get3A_1645 = arith.constant 24 : index
    %get3A_1646 = arith.constant 0 : index
    %get3A_1647 = vector.load %arg1[%get3A_1645, %get3A_1646] : memref<128x1xf32, #tpu.memory_space<vmem>>, vector<8x1xf32>
    %get3A_1648 = arith.constant 24 : index
    %get3A_1649 = arith.constant 0 : index
    %get3A_1650 = vector.load %arg2[%get3A_1648, %get3A_1649] : memref<128x1xf32, #tpu.memory_space<vmem>>, vector<8x1xf32>
    %mul3A_1651 = vector.broadcast %broadcast_in_dim3A_1548 : vector<1x2048xf32> to vector<8x2048xf32>
    %mul3A_1652 = vector.broadcast %get3A_1647 : vector<8x1xf32> to vector<8x2048xf32>
    %mul3A_1653 = arith.mulf %mul3A_1651, %mul3A_1652 : vector<8x2048xf32>
    %add3A_1654 = vector.broadcast %get3A_1650 : vector<8x1xf32> to vector<8x2048xf32>
    %add3A_1655 = arith.addf %mul3A_1653, %add3A_1654 : vector<8x2048xf32>
    %round3A_1656 = math.roundeven %add3A_1655 : vector<8x2048xf32>
    %sub3A_1657 = arith.subf %add3A_1655, %round3A_1656 : vector<8x2048xf32>
    %mul3A_1658 = arith.mulf %sub3A_1657, %sub3A_1657 : vector<8x2048xf32>
    %mul3A_1659 = arith.constant -57.1160888 : f32
    %mul3A_1660 = vector.broadcast %mul3A_1659 : f32 to vector<8x2048xf32>
    %mul3A_1661 = arith.mulf %mul3A_1660, %mul3A_1658 : vector<8x2048xf32>
    %add3A_1662 = arith.constant 78.3270874 : f32
    %add3A_1663 = vector.broadcast %add3A_1662 : f32 to vector<8x2048xf32>
    %add3A_1664 = arith.addf %mul3A_1661, %add3A_1663 : vector<8x2048xf32>
    %mul3A_1665 = arith.mulf %add3A_1664, %mul3A_1658 : vector<8x2048xf32>
    %add3A_1666 = arith.constant -41.1362572 : f32
    %add3A_1667 = vector.broadcast %add3A_1666 : f32 to vector<8x2048xf32>
    %add3A_1668 = arith.addf %mul3A_1665, %add3A_1667 : vector<8x2048xf32>
    %mul3A_1669 = arith.mulf %add3A_1668, %mul3A_1658 : vector<8x2048xf32>
    %add3A_1670 = arith.constant 6.27973079 : f32
    %add3A_1671 = vector.broadcast %add3A_1670 : f32 to vector<8x2048xf32>
    %add3A_1672 = arith.addf %mul3A_1669, %add3A_1671 : vector<8x2048xf32>
    %mul3A_1673 = arith.mulf %add3A_1672, %sub3A_1657 : vector<8x2048xf32>
    %swap3A_1674 = arith.constant 408 : index
    %swap3A_1675 = arith.constant 0 : index
    %swap3A_1676 = vector.load %arg4[%swap3A_1674, %swap3A_1675] : memref<768x2048xf32, #tpu.memory_space<vmem>>, vector<8x2048xf32>
    tpu.vector_store %arg4[%swap3A_1674, %swap3A_1675], %mul3A_1673 {strides = array<i32>} : memref<768x2048xf32, #tpu.memory_space<vmem>>, vector<8x2048xf32>,
    %get3A_1677 = arith.constant 32 : index
    %get3A_1678 = arith.constant 0 : index
    %get3A_1679 = vector.load %arg1[%get3A_1677, %get3A_1678] : memref<128x1xf32, #tpu.memory_space<vmem>>, vector<8x1xf32>
    %get3A_1680 = arith.constant 32 : index
    %get3A_1681 = arith.constant 0 : index
    %get3A_1682 = vector.load %arg2[%get3A_1680, %get3A_1681] : memref<128x1xf32, #tpu.memory_space<vmem>>, vector<8x1xf32>
    %mul3A_1683 = vector.broadcast %broadcast_in_dim3A_1548 : vector<1x2048xf32> to vector<8x2048xf32>
    %mul3A_1684 = vector.broadcast %get3A_1679 : vector<8x1xf32> to vector<8x2048xf32>
    %mul3A_1685 = arith.mulf %mul3A_1683, %mul3A_1684 : vector<8x2048xf32>
    %add3A_1686 = vector.broadcast %get3A_1682 : vector<8x1xf32> to vector<8x2048xf32>
    %add3A_1687 = arith.addf %mul3A_1685, %add3A_1686 : vector<8x2048xf32>
    %round3A_1688 = math.roundeven %add3A_1687 : vector<8x2048xf32>
    %sub3A_1689 = arith.subf %add3A_1687, %round3A_1688 : vector<8x2048xf32>
    %mul3A_1690 = arith.mulf %sub3A_1689, %sub3A_1689 : vector<8x2048xf32>
    %mul3A_1691 = arith.constant -57.1160888 : f32
    %mul3A_1692 = vector.broadcast %mul3A_1691 : f32 to vector<8x2048xf32>
    %mul3A_1693 = arith.mulf %mul3A_1692, %mul3A_1690 : vector<8x2048xf32>
    %add3A_1694 = arith.constant 78.3270874 : f32
    %add3A_1695 = vector.broadcast %add3A_1694 : f32 to vector<8x2048xf32>
    %add3A_1696 = arith.addf %mul3A_1693, %add3A_1695 : vector<8x2048xf32>
    %mul3A_1697 = arith.mulf %add3A_1696, %mul3A_1690 : vector<8x2048xf32>
    %add3A_1698 = arith.constant -41.1362572 : f32
    %add3A_1699 = vector.broadcast %add3A_1698 : f32 to vector<8x2048xf32>
    %add3A_1700 = arith.addf %mul3A_1697, %add3A_1699 : vector<8x2048xf32>
    %mul3A_1701 = arith.mulf %add3A_1700, %mul3A_1690 : vector<8x2048xf32>
    %add3A_1702 = arith.constant 6.27973079 : f32
    %add3A_1703 = vector.broadcast %add3A_1702 : f32 to vector<8x2048xf32>
    %add3A_1704 = arith.addf %mul3A_1701, %add3A_1703 : vector<8x2048xf32>
    %mul3A_1705 = arith.mulf %add3A_1704, %sub3A_1689 : vector<8x2048xf32>
    %swap3A_1706 = arith.constant 416 : index
    %swap3A_1707 = arith.constant 0 : index
    %swap3A_1708 = vector.load %arg4[%swap3A_1706, %swap3A_1707] : memref<768x2048xf32, #tpu.memory_space<vmem>>, vector<8x2048xf32>
    tpu.vector_store %arg4[%swap3A_1706, %swap3A_1707], %mul3A_1705 {strides = array<i32>} : memref<768x2048xf32, #tpu.memory_space<vmem>>, vector<8x2048xf32>,
    %get3A_1709 = arith.constant 40 : index
    %get3A_1710 = arith.constant 0 : index
    %get3A_1711 = vector.load %arg1[%get3A_1709, %get3A_1710] : memref<128x1xf32, #tpu.memory_space<vmem>>, vector<8x1xf32>
    %get3A_1712 = arith.constant 40 : index
    %get3A_1713 = arith.constant 0 : index
    %get3A_1714 = vector.load %arg2[%get3A_1712, %get3A_1713] : memref<128x1xf32, #tpu.memory_space<vmem>>, vector<8x1xf32>
    %mul3A_1715 = vector.broadcast %broadcast_in_dim3A_1548 : vector<1x2048xf32> to vector<8x2048xf32>
    %mul3A_1716 = vector.broadcast %get3A_1711 : vector<8x1xf32> to vector<8x2048xf32>
    %mul3A_1717 = arith.mulf %mul3A_1715, %mul3A_1716 : vector<8x2048xf32>
    %add3A_1718 = vector.broadcast %get3A_1714 : vector<8x1xf32> to vector<8x2048xf32>
    %add3A_1719 = arith.addf %mul3A_1717, %add3A_1718 : vector<8x2048xf32>
    %round3A_1720 = math.roundeven %add3A_1719 : vector<8x2048xf32>
    %sub3A_1721 = arith.subf %add3A_1719, %round3A_1720 : vector<8x2048xf32>
    %mul3A_1722 = arith.mulf %sub3A_1721, %sub3A_1721 : vector<8x2048xf32>
    %mul3A_1723 = arith.constant -57.1160888 : f32
    %mul3A_1724 = vector.broadcast %mul3A_1723 : f32 to vector<8x2048xf32>
    %mul3A_1725 = arith.mulf %mul3A_1724, %mul3A_1722 : vector<8x2048xf32>
    %add3A_1726 = arith.constant 78.3270874 : f32
    %add3A_1727 = vector.broadcast %add3A_1726 : f32 to vector<8x2048xf32>
    %add3A_1728 = arith.addf %mul3A_1725, %add3A_1727 : vector<8x2048xf32>
    %mul3A_1729 = arith.mulf %add3A_1728, %mul3A_1722 : vector<8x2048xf32>
    %add3A_1730 = arith.constant -41.1362572 : f32
    %add3A_1731 = vector.broadcast %add3A_1730 : f32 to vector<8x2048xf32>
    %add3A_1732 = arith.addf %mul3A_1729, %add3A_1731 : vector<8x2048xf32>
    %mul3A_1733 = arith.mulf %add3A_1732, %mul3A_1722 : vector<8x2048xf32>
    %add3A_1734 = arith.constant 6.27973079 : f32
    %add3A_1735 = vector.broadcast %add3A_1734 : f32 to vector<8x2048xf32>
    %add3A_1736 = arith.addf %mul3A_1733, %add3A_1735 : vector<8x2048xf32>
    %mul3A_1737 = arith.mulf %add3A_1736, %sub3A_1721 : vector<8x2048xf32>
    %swap3A_1738 = arith.constant 424 : index
    %swap3A_1739 = arith.constant 0 : index
    %swap3A_1740 = vector.load %arg4[%swap3A_1738, %swap3A_1739] : memref<768x2048xf32, #tpu.memory_space<vmem>>, vector<8x2048xf32>
    tpu.vector_store %arg4[%swap3A_1738, %swap3A_1739], %mul3A_1737 {strides = array<i32>} : memref<768x2048xf32, #tpu.memory_space<vmem>>, vector<8x2048xf32>,
    %get3A_1741 = arith.constant 48 : index
    %get3A_1742 = arith.constant 0 : index
    %get3A_1743 = vector.load %arg1[%get3A_1741, %get3A_1742] : memref<128x1xf32, #tpu.memory_space<vmem>>, vector<8x1xf32>
    %get3A_1744 = arith.constant 48 : index
    %get3A_1745 = arith.constant 0 : index
    %get3A_1746 = vector.load %arg2[%get3A_1744, %get3A_1745] : memref<128x1xf32, #tpu.memory_space<vmem>>, vector<8x1xf32>
    %mul3A_1747 = vector.broadcast %broadcast_in_dim3A_1548 : vector<1x2048xf32> to vector<8x2048xf32>
    %mul3A_1748 = vector.broadcast %get3A_1743 : vector<8x1xf32> to vector<8x2048xf32>
    %mul3A_1749 = arith.mulf %mul3A_1747, %mul3A_1748 : vector<8x2048xf32>
    %add3A_1750 = vector.broadcast %get3A_1746 : vector<8x1xf32> to vector<8x2048xf32>
    %add3A_1751 = arith.addf %mul3A_1749, %add3A_1750 : vector<8x2048xf32>
    %round3A_1752 = math.roundeven %add3A_1751 : vector<8x2048xf32>
    %sub3A_1753 = arith.subf %add3A_1751, %round3A_1752 : vector<8x2048xf32>
    %mul3A_1754 = arith.mulf %sub3A_1753, %sub3A_1753 : vector<8x2048xf32>
    %mul3A_1755 = arith.constant -57.1160888 : f32
    %mul3A_1756 = vector.broadcast %mul3A_1755 : f32 to vector<8x2048xf32>
    %mul3A_1757 = arith.mulf %mul3A_1756, %mul3A_1754 : vector<8x2048xf32>
    %add3A_1758 = arith.constant 78.3270874 : f32
    %add3A_1759 = vector.broadcast %add3A_1758 : f32 to vector<8x2048xf32>
    %add3A_1760 = arith.addf %mul3A_1757, %add3A_1759 : vector<8x2048xf32>
    %mul3A_1761 = arith.mulf %add3A_1760, %mul3A_1754 : vector<8x2048xf32>
    %add3A_1762 = arith.constant -41.1362572 : f32
    %add3A_1763 = vector.broadcast %add3A_1762 : f32 to vector<8x2048xf32>
    %add3A_1764 = arith.addf %mul3A_1761, %add3A_1763 : vector<8x2048xf32>
    %mul3A_1765 = arith.mulf %add3A_1764, %mul3A_1754 : vector<8x2048xf32>
    %add3A_1766 = arith.constant 6.27973079 : f32
    %add3A_1767 = vector.broadcast %add3A_1766 : f32 to vector<8x2048xf32>
    %add3A_1768 = arith.addf %mul3A_1765, %add3A_1767 : vector<8x2048xf32>
    %mul3A_1769 = arith.mulf %add3A_1768, %sub3A_1753 : vector<8x2048xf32>
    %swap3A_1770 = arith.constant 432 : index
    %swap3A_1771 = arith.constant 0 : index
    %swap3A_1772 = vector.load %arg4[%swap3A_1770, %swap3A_1771] : memref<768x2048xf32, #tpu.memory_space<vmem>>, vector<8x2048xf32>
    tpu.vector_store %arg4[%swap3A_1770, %swap3A_1771], %mul3A_1769 {strides = array<i32>} : memref<768x2048xf32, #tpu.memory_space<vmem>>, vector<8x2048xf32>,
    %get3A_1773 = arith.constant 56 : index
    %get3A_1774 = arith.constant 0 : index
    %get3A_1775 = vector.load %arg1[%get3A_1773, %get3A_1774] : memref<128x1xf32, #tpu.memory_space<vmem>>, vector<8x1xf32>
    %get3A_1776 = arith.constant 56 : index
    %get3A_1777 = arith.constant 0 : index
    %get3A_1778 = vector.load %arg2[%get3A_1776, %get3A_1777] : memref<128x1xf32, #tpu.memory_space<vmem>>, vector<8x1xf32>
    %mul3A_1779 = vector.broadcast %broadcast_in_dim3A_1548 : vector<1x2048xf32> to vector<8x2048xf32>
    %mul3A_1780 = vector.broadcast %get3A_1775 : vector<8x1xf32> to vector<8x2048xf32>
    %mul3A_1781 = arith.mulf %mul3A_1779, %mul3A_1780 : vector<8x2048xf32>
    %add3A_1782 = vector.broadcast %get3A_1778 : vector<8x1xf32> to vector<8x2048xf32>
    %add3A_1783 = arith.addf %mul3A_1781, %add3A_1782 : vector<8x2048xf32>
    %round3A_1784 = math.roundeven %add3A_1783 : vector<8x2048xf32>
    %sub3A_1785 = arith.subf %add3A_1783, %round3A_1784 : vector<8x2048xf32>
    %mul3A_1786 = arith.mulf %sub3A_1785, %sub3A_1785 : vector<8x2048xf32>
    %mul3A_1787 = arith.constant -57.1160888 : f32
    %mul3A_1788 = vector.broadcast %mul3A_1787 : f32 to vector<8x2048xf32>
    %mul3A_1789 = arith.mulf %mul3A_1788, %mul3A_1786 : vector<8x2048xf32>
    %add3A_1790 = arith.constant 78.3270874 : f32
    %add3A_1791 = vector.broadcast %add3A_1790 : f32 to vector<8x2048xf32>
    %add3A_1792 = arith.addf %mul3A_1789, %add3A_1791 : vector<8x2048xf32>
    %mul3A_1793 = arith.mulf %add3A_1792, %mul3A_1786 : vector<8x2048xf32>
    %add3A_1794 = arith.constant -41.1362572 : f32
    %add3A_1795 = vector.broadcast %add3A_1794 : f32 to vector<8x2048xf32>
    %add3A_1796 = arith.addf %mul3A_1793, %add3A_1795 : vector<8x2048xf32>
    %mul3A_1797 = arith.mulf %add3A_1796, %mul3A_1786 : vector<8x2048xf32>
    %add3A_1798 = arith.constant 6.27973079 : f32
    %add3A_1799 = vector.broadcast %add3A_1798 : f32 to vector<8x2048xf32>
    %add3A_1800 = arith.addf %mul3A_1797, %add3A_1799 : vector<8x2048xf32>
    %mul3A_1801 = arith.mulf %add3A_1800, %sub3A_1785 : vector<8x2048xf32>
    %swap3A_1802 = arith.constant 440 : index
    %swap3A_1803 = arith.constant 0 : index
    %swap3A_1804 = vector.load %arg4[%swap3A_1802, %swap3A_1803] : memref<768x2048xf32, #tpu.memory_space<vmem>>, vector<8x2048xf32>
    tpu.vector_store %arg4[%swap3A_1802, %swap3A_1803], %mul3A_1801 {strides = array<i32>} : memref<768x2048xf32, #tpu.memory_space<vmem>>, vector<8x2048xf32>,
    %get3A_1805 = arith.constant 64 : index
    %get3A_1806 = arith.constant 0 : index
    %get3A_1807 = vector.load %arg1[%get3A_1805, %get3A_1806] : memref<128x1xf32, #tpu.memory_space<vmem>>, vector<8x1xf32>
    %get3A_1808 = arith.constant 64 : index
    %get3A_1809 = arith.constant 0 : index
    %get3A_1810 = vector.load %arg2[%get3A_1808, %get3A_1809] : memref<128x1xf32, #tpu.memory_space<vmem>>, vector<8x1xf32>
    %mul3A_1811 = vector.broadcast %broadcast_in_dim3A_1548 : vector<1x2048xf32> to vector<8x2048xf32>
    %mul3A_1812 = vector.broadcast %get3A_1807 : vector<8x1xf32> to vector<8x2048xf32>
    %mul3A_1813 = arith.mulf %mul3A_1811, %mul3A_1812 : vector<8x2048xf32>
    %add3A_1814 = vector.broadcast %get3A_1810 : vector<8x1xf32> to vector<8x2048xf32>
    %add3A_1815 = arith.addf %mul3A_1813, %add3A_1814 : vector<8x2048xf32>
    %round3A_1816 = math.roundeven %add3A_1815 : vector<8x2048xf32>
    %sub3A_1817 = arith.subf %add3A_1815, %round3A_1816 : vector<8x2048xf32>
    %mul3A_1818 = arith.mulf %sub3A_1817, %sub3A_1817 : vector<8x2048xf32>
    %mul3A_1819 = arith.constant -57.1160888 : f32
    %mul3A_1820 = vector.broadcast %mul3A_1819 : f32 to vector<8x2048xf32>
    %mul3A_1821 = arith.mulf %mul3A_1820, %mul3A_1818 : vector<8x2048xf32>
    %add3A_1822 = arith.constant 78.3270874 : f32
    %add3A_1823 = vector.broadcast %add3A_1822 : f32 to vector<8x2048xf32>
    %add3A_1824 = arith.addf %mul3A_1821, %add3A_1823 : vector<8x2048xf32>
    %mul3A_1825 = arith.mulf %add3A_1824, %mul3A_1818 : vector<8x2048xf32>
    %add3A_1826 = arith.constant -41.1362572 : f32
    %add3A_1827 = vector.broadcast %add3A_1826 : f32 to vector<8x2048xf32>
    %add3A_1828 = arith.addf %mul3A_1825, %add3A_1827 : vector<8x2048xf32>
    %mul3A_1829 = arith.mulf %add3A_1828, %mul3A_1818 : vector<8x2048xf32>
    %add3A_1830 = arith.constant 6.27973079 : f32
    %add3A_1831 = vector.broadcast %add3A_1830 : f32 to vector<8x2048xf32>
    %add3A_1832 = arith.addf %mul3A_1829, %add3A_1831 : vector<8x2048xf32>
    %mul3A_1833 = arith.mulf %add3A_1832, %sub3A_1817 : vector<8x2048xf32>
    %swap3A_1834 = arith.constant 448 : index
    %swap3A_1835 = arith.constant 0 : index
    %swap3A_1836 = vector.load %arg4[%swap3A_1834, %swap3A_1835] : memref<768x2048xf32, #tpu.memory_space<vmem>>, vector<8x2048xf32>
    tpu.vector_store %arg4[%swap3A_1834, %swap3A_1835], %mul3A_1833 {strides = array<i32>} : memref<768x2048xf32, #tpu.memory_space<vmem>>, vector<8x2048xf32>,
    %get3A_1837 = arith.constant 72 : index
    %get3A_1838 = arith.constant 0 : index
    %get3A_1839 = vector.load %arg1[%get3A_1837, %get3A_1838] : memref<128x1xf32, #tpu.memory_space<vmem>>, vector<8x1xf32>
    %get3A_1840 = arith.constant 72 : index
    %get3A_1841 = arith.constant 0 : index
    %get3A_1842 = vector.load %arg2[%get3A_1840, %get3A_1841] : memref<128x1xf32, #tpu.memory_space<vmem>>, vector<8x1xf32>
    %mul3A_1843 = vector.broadcast %broadcast_in_dim3A_1548 : vector<1x2048xf32> to vector<8x2048xf32>
    %mul3A_1844 = vector.broadcast %get3A_1839 : vector<8x1xf32> to vector<8x2048xf32>
    %mul3A_1845 = arith.mulf %mul3A_1843, %mul3A_1844 : vector<8x2048xf32>
    %add3A_1846 = vector.broadcast %get3A_1842 : vector<8x1xf32> to vector<8x2048xf32>
    %add3A_1847 = arith.addf %mul3A_1845, %add3A_1846 : vector<8x2048xf32>
    %round3A_1848 = math.roundeven %add3A_1847 : vector<8x2048xf32>
    %sub3A_1849 = arith.subf %add3A_1847, %round3A_1848 : vector<8x2048xf32>
    %mul3A_1850 = arith.mulf %sub3A_1849, %sub3A_1849 : vector<8x2048xf32>
    %mul3A_1851 = arith.constant -57.1160888 : f32
    %mul3A_1852 = vector.broadcast %mul3A_1851 : f32 to vector<8x2048xf32>
    %mul3A_1853 = arith.mulf %mul3A_1852, %mul3A_1850 : vector<8x2048xf32>
    %add3A_1854 = arith.constant 78.3270874 : f32
    %add3A_1855 = vector.broadcast %add3A_1854 : f32 to vector<8x2048xf32>
    %add3A_1856 = arith.addf %mul3A_1853, %add3A_1855 : vector<8x2048xf32>
    %mul3A_1857 = arith.mulf %add3A_1856, %mul3A_1850 : vector<8x2048xf32>
    %add3A_1858 = arith.constant -41.1362572 : f32
    %add3A_1859 = vector.broadcast %add3A_1858 : f32 to vector<8x2048xf32>
    %add3A_1860 = arith.addf %mul3A_1857, %add3A_1859 : vector<8x2048xf32>
    %mul3A_1861 = arith.mulf %add3A_1860, %mul3A_1850 : vector<8x2048xf32>
    %add3A_1862 = arith.constant 6.27973079 : f32
    %add3A_1863 = vector.broadcast %add3A_1862 : f32 to vector<8x2048xf32>
    %add3A_1864 = arith.addf %mul3A_1861, %add3A_1863 : vector<8x2048xf32>
    %mul3A_1865 = arith.mulf %add3A_1864, %sub3A_1849 : vector<8x2048xf32>
    %swap3A_1866 = arith.constant 456 : index
    %swap3A_1867 = arith.constant 0 : index
    %swap3A_1868 = vector.load %arg4[%swap3A_1866, %swap3A_1867] : memref<768x2048xf32, #tpu.memory_space<vmem>>, vector<8x2048xf32>
    tpu.vector_store %arg4[%swap3A_1866, %swap3A_1867], %mul3A_1865 {strides = array<i32>} : memref<768x2048xf32, #tpu.memory_space<vmem>>, vector<8x2048xf32>,
    %get3A_1869 = arith.constant 80 : index
    %get3A_1870 = arith.constant 0 : index
    %get3A_1871 = vector.load %arg1[%get3A_1869, %get3A_1870] : memref<128x1xf32, #tpu.memory_space<vmem>>, vector<8x1xf32>
    %get3A_1872 = arith.constant 80 : index
    %get3A_1873 = arith.constant 0 : index
    %get3A_1874 = vector.load %arg2[%get3A_1872, %get3A_1873] : memref<128x1xf32, #tpu.memory_space<vmem>>, vector<8x1xf32>
    %mul3A_1875 = vector.broadcast %broadcast_in_dim3A_1548 : vector<1x2048xf32> to vector<8x2048xf32>
    %mul3A_1876 = vector.broadcast %get3A_1871 : vector<8x1xf32> to vector<8x2048xf32>
    %mul3A_1877 = arith.mulf %mul3A_1875, %mul3A_1876 : vector<8x2048xf32>
    %add3A_1878 = vector.broadcast %get3A_1874 : vector<8x1xf32> to vector<8x2048xf32>
    %add3A_1879 = arith.addf %mul3A_1877, %add3A_1878 : vector<8x2048xf32>
    %round3A_1880 = math.roundeven %add3A_1879 : vector<8x2048xf32>
    %sub3A_1881 = arith.subf %add3A_1879, %round3A_1880 : vector<8x2048xf32>
    %mul3A_1882 = arith.mulf %sub3A_1881, %sub3A_1881 : vector<8x2048xf32>
    %mul3A_1883 = arith.constant -57.1160888 : f32
    %mul3A_1884 = vector.broadcast %mul3A_1883 : f32 to vector<8x2048xf32>
    %mul3A_1885 = arith.mulf %mul3A_1884, %mul3A_1882 : vector<8x2048xf32>
    %add3A_1886 = arith.constant 78.3270874 : f32
    %add3A_1887 = vector.broadcast %add3A_1886 : f32 to vector<8x2048xf32>
    %add3A_1888 = arith.addf %mul3A_1885, %add3A_1887 : vector<8x2048xf32>
    %mul3A_1889 = arith.mulf %add3A_1888, %mul3A_1882 : vector<8x2048xf32>
    %add3A_1890 = arith.constant -41.1362572 : f32
    %add3A_1891 = vector.broadcast %add3A_1890 : f32 to vector<8x2048xf32>
    %add3A_1892 = arith.addf %mul3A_1889, %add3A_1891 : vector<8x2048xf32>
    %mul3A_1893 = arith.mulf %add3A_1892, %mul3A_1882 : vector<8x2048xf32>
    %add3A_1894 = arith.constant 6.27973079 : f32
    %add3A_1895 = vector.broadcast %add3A_1894 : f32 to vector<8x2048xf32>
    %add3A_1896 = arith.addf %mul3A_1893, %add3A_1895 : vector<8x2048xf32>
    %mul3A_1897 = arith.mulf %add3A_1896, %sub3A_1881 : vector<8x2048xf32>
    %swap3A_1898 = arith.constant 464 : index
    %swap3A_1899 = arith.constant 0 : index
    %swap3A_1900 = vector.load %arg4[%swap3A_1898, %swap3A_1899] : memref<768x2048xf32, #tpu.memory_space<vmem>>, vector<8x2048xf32>
    tpu.vector_store %arg4[%swap3A_1898, %swap3A_1899], %mul3A_1897 {strides = array<i32>} : memref<768x2048xf32, #tpu.memory_space<vmem>>, vector<8x2048xf32>,
    %get3A_1901 = arith.constant 88 : index
    %get3A_1902 = arith.constant 0 : index
    %get3A_1903 = vector.load %arg1[%get3A_1901, %get3A_1902] : memref<128x1xf32, #tpu.memory_space<vmem>>, vector<8x1xf32>
    %get3A_1904 = arith.constant 88 : index
    %get3A_1905 = arith.constant 0 : index
    %get3A_1906 = vector.load %arg2[%get3A_1904, %get3A_1905] : memref<128x1xf32, #tpu.memory_space<vmem>>, vector<8x1xf32>
    %mul3A_1907 = vector.broadcast %broadcast_in_dim3A_1548 : vector<1x2048xf32> to vector<8x2048xf32>
    %mul3A_1908 = vector.broadcast %get3A_1903 : vector<8x1xf32> to vector<8x2048xf32>
    %mul3A_1909 = arith.mulf %mul3A_1907, %mul3A_1908 : vector<8x2048xf32>
    %add3A_1910 = vector.broadcast %get3A_1906 : vector<8x1xf32> to vector<8x2048xf32>
    %add3A_1911 = arith.addf %mul3A_1909, %add3A_1910 : vector<8x2048xf32>
    %round3A_1912 = math.roundeven %add3A_1911 : vector<8x2048xf32>
    %sub3A_1913 = arith.subf %add3A_1911, %round3A_1912 : vector<8x2048xf32>
    %mul3A_1914 = arith.mulf %sub3A_1913, %sub3A_1913 : vector<8x2048xf32>
    %mul3A_1915 = arith.constant -57.1160888 : f32
    %mul3A_1916 = vector.broadcast %mul3A_1915 : f32 to vector<8x2048xf32>
    %mul3A_1917 = arith.mulf %mul3A_1916, %mul3A_1914 : vector<8x2048xf32>
    %add3A_1918 = arith.constant 78.3270874 : f32
    %add3A_1919 = vector.broadcast %add3A_1918 : f32 to vector<8x2048xf32>
    %add3A_1920 = arith.addf %mul3A_1917, %add3A_1919 : vector<8x2048xf32>
    %mul3A_1921 = arith.mulf %add3A_1920, %mul3A_1914 : vector<8x2048xf32>
    %add3A_1922 = arith.constant -41.1362572 : f32
    %add3A_1923 = vector.broadcast %add3A_1922 : f32 to vector<8x2048xf32>
    %add3A_1924 = arith.addf %mul3A_1921, %add3A_1923 : vector<8x2048xf32>
    %mul3A_1925 = arith.mulf %add3A_1924, %mul3A_1914 : vector<8x2048xf32>
    %add3A_1926 = arith.constant 6.27973079 : f32
    %add3A_1927 = vector.broadcast %add3A_1926 : f32 to vector<8x2048xf32>
    %add3A_1928 = arith.addf %mul3A_1925, %add3A_1927 : vector<8x2048xf32>
    %mul3A_1929 = arith.mulf %add3A_1928, %sub3A_1913 : vector<8x2048xf32>
    %swap3A_1930 = arith.constant 472 : index
    %swap3A_1931 = arith.constant 0 : index
    %swap3A_1932 = vector.load %arg4[%swap3A_1930, %swap3A_1931] : memref<768x2048xf32, #tpu.memory_space<vmem>>, vector<8x2048xf32>
    tpu.vector_store %arg4[%swap3A_1930, %swap3A_1931], %mul3A_1929 {strides = array<i32>} : memref<768x2048xf32, #tpu.memory_space<vmem>>, vector<8x2048xf32>,
    %get3A_1933 = arith.constant 96 : index
    %get3A_1934 = arith.constant 0 : index
    %get3A_1935 = vector.load %arg1[%get3A_1933, %get3A_1934] : memref<128x1xf32, #tpu.memory_space<vmem>>, vector<8x1xf32>
    %get3A_1936 = arith.constant 96 : index
    %get3A_1937 = arith.constant 0 : index
    %get3A_1938 = vector.load %arg2[%get3A_1936, %get3A_1937] : memref<128x1xf32, #tpu.memory_space<vmem>>, vector<8x1xf32>
    %mul3A_1939 = vector.broadcast %broadcast_in_dim3A_1548 : vector<1x2048xf32> to vector<8x2048xf32>
    %mul3A_1940 = vector.broadcast %get3A_1935 : vector<8x1xf32> to vector<8x2048xf32>
    %mul3A_1941 = arith.mulf %mul3A_1939, %mul3A_1940 : vector<8x2048xf32>
    %add3A_1942 = vector.broadcast %get3A_1938 : vector<8x1xf32> to vector<8x2048xf32>
    %add3A_1943 = arith.addf %mul3A_1941, %add3A_1942 : vector<8x2048xf32>
    %round3A_1944 = math.roundeven %add3A_1943 : vector<8x2048xf32>
    %sub3A_1945 = arith.subf %add3A_1943, %round3A_1944 : vector<8x2048xf32>
    %mul3A_1946 = arith.mulf %sub3A_1945, %sub3A_1945 : vector<8x2048xf32>
    %mul3A_1947 = arith.constant -57.1160888 : f32
    %mul3A_1948 = vector.broadcast %mul3A_1947 : f32 to vector<8x2048xf32>
    %mul3A_1949 = arith.mulf %mul3A_1948, %mul3A_1946 : vector<8x2048xf32>
    %add3A_1950 = arith.constant 78.3270874 : f32
    %add3A_1951 = vector.broadcast %add3A_1950 : f32 to vector<8x2048xf32>
    %add3A_1952 = arith.addf %mul3A_1949, %add3A_1951 : vector<8x2048xf32>
    %mul3A_1953 = arith.mulf %add3A_1952, %mul3A_1946 : vector<8x2048xf32>
    %add3A_1954 = arith.constant -41.1362572 : f32
    %add3A_1955 = vector.broadcast %add3A_1954 : f32 to vector<8x2048xf32>
    %add3A_1956 = arith.addf %mul3A_1953, %add3A_1955 : vector<8x2048xf32>
    %mul3A_1957 = arith.mulf %add3A_1956, %mul3A_1946 : vector<8x2048xf32>
    %add3A_1958 = arith.constant 6.27973079 : f32
    %add3A_1959 = vector.broadcast %add3A_1958 : f32 to vector<8x2048xf32>
    %add3A_1960 = arith.addf %mul3A_1957, %add3A_1959 : vector<8x2048xf32>
    %mul3A_1961 = arith.mulf %add3A_1960, %sub3A_1945 : vector<8x2048xf32>
    %swap3A_1962 = arith.constant 480 : index
    %swap3A_1963 = arith.constant 0 : index
    %swap3A_1964 = vector.load %arg4[%swap3A_1962, %swap3A_1963] : memref<768x2048xf32, #tpu.memory_space<vmem>>, vector<8x2048xf32>
    tpu.vector_store %arg4[%swap3A_1962, %swap3A_1963], %mul3A_1961 {strides = array<i32>} : memref<768x2048xf32, #tpu.memory_space<vmem>>, vector<8x2048xf32>,
    %get3A_1965 = arith.constant 104 : index
    %get3A_1966 = arith.constant 0 : index
    %get3A_1967 = vector.load %arg1[%get3A_1965, %get3A_1966] : memref<128x1xf32, #tpu.memory_space<vmem>>, vector<8x1xf32>
    %get3A_1968 = arith.constant 104 : index
    %get3A_1969 = arith.constant 0 : index
    %get3A_1970 = vector.load %arg2[%get3A_1968, %get3A_1969] : memref<128x1xf32, #tpu.memory_space<vmem>>, vector<8x1xf32>
    %mul3A_1971 = vector.broadcast %broadcast_in_dim3A_1548 : vector<1x2048xf32> to vector<8x2048xf32>
    %mul3A_1972 = vector.broadcast %get3A_1967 : vector<8x1xf32> to vector<8x2048xf32>
    %mul3A_1973 = arith.mulf %mul3A_1971, %mul3A_1972 : vector<8x2048xf32>
    %add3A_1974 = vector.broadcast %get3A_1970 : vector<8x1xf32> to vector<8x2048xf32>
    %add3A_1975 = arith.addf %mul3A_1973, %add3A_1974 : vector<8x2048xf32>
    %round3A_1976 = math.roundeven %add3A_1975 : vector<8x2048xf32>
    %sub3A_1977 = arith.subf %add3A_1975, %round3A_1976 : vector<8x2048xf32>
    %mul3A_1978 = arith.mulf %sub3A_1977, %sub3A_1977 : vector<8x2048xf32>
    %mul3A_1979 = arith.constant -57.1160888 : f32
    %mul3A_1980 = vector.broadcast %mul3A_1979 : f32 to vector<8x2048xf32>
    %mul3A_1981 = arith.mulf %mul3A_1980, %mul3A_1978 : vector<8x2048xf32>
    %add3A_1982 = arith.constant 78.3270874 : f32
    %add3A_1983 = vector.broadcast %add3A_1982 : f32 to vector<8x2048xf32>
    %add3A_1984 = arith.addf %mul3A_1981, %add3A_1983 : vector<8x2048xf32>
    %mul3A_1985 = arith.mulf %add3A_1984, %mul3A_1978 : vector<8x2048xf32>
    %add3A_1986 = arith.constant -41.1362572 : f32
    %add3A_1987 = vector.broadcast %add3A_1986 : f32 to vector<8x2048xf32>
    %add3A_1988 = arith.addf %mul3A_1985, %add3A_1987 : vector<8x2048xf32>
    %mul3A_1989 = arith.mulf %add3A_1988, %mul3A_1978 : vector<8x2048xf32>
    %add3A_1990 = arith.constant 6.27973079 : f32
    %add3A_1991 = vector.broadcast %add3A_1990 : f32 to vector<8x2048xf32>
    %add3A_1992 = arith.addf %mul3A_1989, %add3A_1991 : vector<8x2048xf32>
    %mul3A_1993 = arith.mulf %add3A_1992, %sub3A_1977 : vector<8x2048xf32>
    %swap3A_1994 = arith.constant 488 : index
    %swap3A_1995 = arith.constant 0 : index
    %swap3A_1996 = vector.load %arg4[%swap3A_1994, %swap3A_1995] : memref<768x2048xf32, #tpu.memory_space<vmem>>, vector<8x2048xf32>
    tpu.vector_store %arg4[%swap3A_1994, %swap3A_1995], %mul3A_1993 {strides = array<i32>} : memref<768x2048xf32, #tpu.memory_space<vmem>>, vector<8x2048xf32>,
    %get3A_1997 = arith.constant 112 : index
    %get3A_1998 = arith.constant 0 : index
    %get3A_1999 = vector.load %arg1[%get3A_1997, %get3A_1998] : memref<128x1xf32, #tpu.memory_space<vmem>>, vector<8x1xf32>
    %get3A_2000 = arith.constant 112 : index
    %get3A_2001 = arith.constant 0 : index
    %get3A_2002 = vector.load %arg2[%get3A_2000, %get3A_2001] : memref<128x1xf32, #tpu.memory_space<vmem>>, vector<8x1xf32>
    %mul3A_2003 = vector.broadcast %broadcast_in_dim3A_1548 : vector<1x2048xf32> to vector<8x2048xf32>
    %mul3A_2004 = vector.broadcast %get3A_1999 : vector<8x1xf32> to vector<8x2048xf32>
    %mul3A_2005 = arith.mulf %mul3A_2003, %mul3A_2004 : vector<8x2048xf32>
    %add3A_2006 = vector.broadcast %get3A_2002 : vector<8x1xf32> to vector<8x2048xf32>
    %add3A_2007 = arith.addf %mul3A_2005, %add3A_2006 : vector<8x2048xf32>
    %round3A_2008 = math.roundeven %add3A_2007 : vector<8x2048xf32>
    %sub3A_2009 = arith.subf %add3A_2007, %round3A_2008 : vector<8x2048xf32>
    %mul3A_2010 = arith.mulf %sub3A_2009, %sub3A_2009 : vector<8x2048xf32>
    %mul3A_2011 = arith.constant -57.1160888 : f32
    %mul3A_2012 = vector.broadcast %mul3A_2011 : f32 to vector<8x2048xf32>
    %mul3A_2013 = arith.mulf %mul3A_2012, %mul3A_2010 : vector<8x2048xf32>
    %add3A_2014 = arith.constant 78.3270874 : f32
    %add3A_2015 = vector.broadcast %add3A_2014 : f32 to vector<8x2048xf32>
    %add3A_2016 = arith.addf %mul3A_2013, %add3A_2015 : vector<8x2048xf32>
    %mul3A_2017 = arith.mulf %add3A_2016, %mul3A_2010 : vector<8x2048xf32>
    %add3A_2018 = arith.constant -41.1362572 : f32
    %add3A_2019 = vector.broadcast %add3A_2018 : f32 to vector<8x2048xf32>
    %add3A_2020 = arith.addf %mul3A_2017, %add3A_2019 : vector<8x2048xf32>
    %mul3A_2021 = arith.mulf %add3A_2020, %mul3A_2010 : vector<8x2048xf32>
    %add3A_2022 = arith.constant 6.27973079 : f32
    %add3A_2023 = vector.broadcast %add3A_2022 : f32 to vector<8x2048xf32>
    %add3A_2024 = arith.addf %mul3A_2021, %add3A_2023 : vector<8x2048xf32>
    %mul3A_2025 = arith.mulf %add3A_2024, %sub3A_2009 : vector<8x2048xf32>
    %swap3A_2026 = arith.constant 496 : index
    %swap3A_2027 = arith.constant 0 : index
    %swap3A_2028 = vector.load %arg4[%swap3A_2026, %swap3A_2027] : memref<768x2048xf32, #tpu.memory_space<vmem>>, vector<8x2048xf32>
    tpu.vector_store %arg4[%swap3A_2026, %swap3A_2027], %mul3A_2025 {strides = array<i32>} : memref<768x2048xf32, #tpu.memory_space<vmem>>, vector<8x2048xf32>,
    %get3A_2029 = arith.constant 120 : index
    %get3A_2030 = arith.constant 0 : index
    %get3A_2031 = vector.load %arg1[%get3A_2029, %get3A_2030] : memref<128x1xf32, #tpu.memory_space<vmem>>, vector<8x1xf32>
    %get3A_2032 = arith.constant 120 : index
    %get3A_2033 = arith.constant 0 : index
    %get3A_2034 = vector.load %arg2[%get3A_2032, %get3A_2033] : memref<128x1xf32, #tpu.memory_space<vmem>>, vector<8x1xf32>
    %mul3A_2035 = vector.broadcast %broadcast_in_dim3A_1548 : vector<1x2048xf32> to vector<8x2048xf32>
    %mul3A_2036 = vector.broadcast %get3A_2031 : vector<8x1xf32> to vector<8x2048xf32>
    %mul3A_2037 = arith.mulf %mul3A_2035, %mul3A_2036 : vector<8x2048xf32>
    %add3A_2038 = vector.broadcast %get3A_2034 : vector<8x1xf32> to vector<8x2048xf32>
    %add3A_2039 = arith.addf %mul3A_2037, %add3A_2038 : vector<8x2048xf32>
    %round3A_2040 = math.roundeven %add3A_2039 : vector<8x2048xf32>
    %sub3A_2041 = arith.subf %add3A_2039, %round3A_2040 : vector<8x2048xf32>
    %mul3A_2042 = arith.mulf %sub3A_2041, %sub3A_2041 : vector<8x2048xf32>
    %mul3A_2043 = arith.constant -57.1160888 : f32
    %mul3A_2044 = vector.broadcast %mul3A_2043 : f32 to vector<8x2048xf32>
    %mul3A_2045 = arith.mulf %mul3A_2044, %mul3A_2042 : vector<8x2048xf32>
    %add3A_2046 = arith.constant 78.3270874 : f32
    %add3A_2047 = vector.broadcast %add3A_2046 : f32 to vector<8x2048xf32>
    %add3A_2048 = arith.addf %mul3A_2045, %add3A_2047 : vector<8x2048xf32>
    %mul3A_2049 = arith.mulf %add3A_2048, %mul3A_2042 : vector<8x2048xf32>
    %add3A_2050 = arith.constant -41.1362572 : f32
    %add3A_2051 = vector.broadcast %add3A_2050 : f32 to vector<8x2048xf32>
    %add3A_2052 = arith.addf %mul3A_2049, %add3A_2051 : vector<8x2048xf32>
    %mul3A_2053 = arith.mulf %add3A_2052, %mul3A_2042 : vector<8x2048xf32>
    %add3A_2054 = arith.constant 6.27973079 : f32
    %add3A_2055 = vector.broadcast %add3A_2054 : f32 to vector<8x2048xf32>
    %add3A_2056 = arith.addf %mul3A_2053, %add3A_2055 : vector<8x2048xf32>
    %mul3A_2057 = arith.mulf %add3A_2056, %sub3A_2041 : vector<8x2048xf32>
    %swap3A_2058 = arith.constant 504 : index
    %swap3A_2059 = arith.constant 0 : index
    %swap3A_2060 = vector.load %arg4[%swap3A_2058, %swap3A_2059] : memref<768x2048xf32, #tpu.memory_space<vmem>>, vector<8x2048xf32>
    tpu.vector_store %arg4[%swap3A_2058, %swap3A_2059], %mul3A_2057 {strides = array<i32>} : memref<768x2048xf32, #tpu.memory_space<vmem>>, vector<8x2048xf32>,
    %get3A_2061 = arith.constant 4 : index
    %get3A_2062 = arith.constant 0 : index
    %get3A_2063 = vector.load %arg3[%get3A_2061, %get3A_2062] : memref<6x2048xf32, #tpu.memory_space<vmem>>, vector<1x2048xf32>
    %get3A_2064 = vector.shape_cast %get3A_2063 : vector<1x2048xf32> to vector<2048xf32>
    %broadcast_in_dim3A_2065 = vector.shape_cast %get3A_2064 : vector<2048xf32> to vector<1x2048xf32>
    %get3A_2066 = arith.constant 0 : index
    %get3A_2067 = arith.constant 0 : index
    %get3A_2068 = vector.load %arg1[%get3A_2066, %get3A_2067] : memref<128x1xf32, #tpu.memory_space<vmem>>, vector<8x1xf32>
    %get3A_2069 = arith.constant 0 : index
    %get3A_2070 = arith.constant 0 : index
    %get3A_2071 = vector.load %arg2[%get3A_2069, %get3A_2070] : memref<128x1xf32, #tpu.memory_space<vmem>>, vector<8x1xf32>
    %mul3A_2072 = vector.broadcast %broadcast_in_dim3A_2065 : vector<1x2048xf32> to vector<8x2048xf32>
    %mul3A_2073 = vector.broadcast %get3A_2068 : vector<8x1xf32> to vector<8x2048xf32>
    %mul3A_2074 = arith.mulf %mul3A_2072, %mul3A_2073 : vector<8x2048xf32>
    %add3A_2075 = vector.broadcast %get3A_2071 : vector<8x1xf32> to vector<8x2048xf32>
    %add3A_2076 = arith.addf %mul3A_2074, %add3A_2075 : vector<8x2048xf32>
    %round3A_2077 = math.roundeven %add3A_2076 : vector<8x2048xf32>
    %sub3A_2078 = arith.subf %add3A_2076, %round3A_2077 : vector<8x2048xf32>
    %mul3A_2079 = arith.mulf %sub3A_2078, %sub3A_2078 : vector<8x2048xf32>
    %mul3A_2080 = arith.constant -57.1160888 : f32
    %mul3A_2081 = vector.broadcast %mul3A_2080 : f32 to vector<8x2048xf32>
    %mul3A_2082 = arith.mulf %mul3A_2081, %mul3A_2079 : vector<8x2048xf32>
    %add3A_2083 = arith.constant 78.3270874 : f32
    %add3A_2084 = vector.broadcast %add3A_2083 : f32 to vector<8x2048xf32>
    %add3A_2085 = arith.addf %mul3A_2082, %add3A_2084 : vector<8x2048xf32>
    %mul3A_2086 = arith.mulf %add3A_2085, %mul3A_2079 : vector<8x2048xf32>
    %add3A_2087 = arith.constant -41.1362572 : f32
    %add3A_2088 = vector.broadcast %add3A_2087 : f32 to vector<8x2048xf32>
    %add3A_2089 = arith.addf %mul3A_2086, %add3A_2088 : vector<8x2048xf32>
    %mul3A_2090 = arith.mulf %add3A_2089, %mul3A_2079 : vector<8x2048xf32>
    %add3A_2091 = arith.constant 6.27973079 : f32
    %add3A_2092 = vector.broadcast %add3A_2091 : f32 to vector<8x2048xf32>
    %add3A_2093 = arith.addf %mul3A_2090, %add3A_2092 : vector<8x2048xf32>
    %mul3A_2094 = arith.mulf %add3A_2093, %sub3A_2078 : vector<8x2048xf32>
    %swap3A_2095 = arith.constant 512 : index
    %swap3A_2096 = arith.constant 0 : index
    %swap3A_2097 = vector.load %arg4[%swap3A_2095, %swap3A_2096] : memref<768x2048xf32, #tpu.memory_space<vmem>>, vector<8x2048xf32>
    tpu.vector_store %arg4[%swap3A_2095, %swap3A_2096], %mul3A_2094 {strides = array<i32>} : memref<768x2048xf32, #tpu.memory_space<vmem>>, vector<8x2048xf32>,
    %get3A_2098 = arith.constant 8 : index
    %get3A_2099 = arith.constant 0 : index
    %get3A_2100 = vector.load %arg1[%get3A_2098, %get3A_2099] : memref<128x1xf32, #tpu.memory_space<vmem>>, vector<8x1xf32>
    %get3A_2101 = arith.constant 8 : index
    %get3A_2102 = arith.constant 0 : index
    %get3A_2103 = vector.load %arg2[%get3A_2101, %get3A_2102] : memref<128x1xf32, #tpu.memory_space<vmem>>, vector<8x1xf32>
    %mul3A_2104 = vector.broadcast %broadcast_in_dim3A_2065 : vector<1x2048xf32> to vector<8x2048xf32>
    %mul3A_2105 = vector.broadcast %get3A_2100 : vector<8x1xf32> to vector<8x2048xf32>
    %mul3A_2106 = arith.mulf %mul3A_2104, %mul3A_2105 : vector<8x2048xf32>
    %add3A_2107 = vector.broadcast %get3A_2103 : vector<8x1xf32> to vector<8x2048xf32>
    %add3A_2108 = arith.addf %mul3A_2106, %add3A_2107 : vector<8x2048xf32>
    %round3A_2109 = math.roundeven %add3A_2108 : vector<8x2048xf32>
    %sub3A_2110 = arith.subf %add3A_2108, %round3A_2109 : vector<8x2048xf32>
    %mul3A_2111 = arith.mulf %sub3A_2110, %sub3A_2110 : vector<8x2048xf32>
    %mul3A_2112 = arith.constant -57.1160888 : f32
    %mul3A_2113 = vector.broadcast %mul3A_2112 : f32 to vector<8x2048xf32>
    %mul3A_2114 = arith.mulf %mul3A_2113, %mul3A_2111 : vector<8x2048xf32>
    %add3A_2115 = arith.constant 78.3270874 : f32
    %add3A_2116 = vector.broadcast %add3A_2115 : f32 to vector<8x2048xf32>
    %add3A_2117 = arith.addf %mul3A_2114, %add3A_2116 : vector<8x2048xf32>
    %mul3A_2118 = arith.mulf %add3A_2117, %mul3A_2111 : vector<8x2048xf32>
    %add3A_2119 = arith.constant -41.1362572 : f32
    %add3A_2120 = vector.broadcast %add3A_2119 : f32 to vector<8x2048xf32>
    %add3A_2121 = arith.addf %mul3A_2118, %add3A_2120 : vector<8x2048xf32>
    %mul3A_2122 = arith.mulf %add3A_2121, %mul3A_2111 : vector<8x2048xf32>
    %add3A_2123 = arith.constant 6.27973079 : f32
    %add3A_2124 = vector.broadcast %add3A_2123 : f32 to vector<8x2048xf32>
    %add3A_2125 = arith.addf %mul3A_2122, %add3A_2124 : vector<8x2048xf32>
    %mul3A_2126 = arith.mulf %add3A_2125, %sub3A_2110 : vector<8x2048xf32>
    %swap3A_2127 = arith.constant 520 : index
    %swap3A_2128 = arith.constant 0 : index
    %swap3A_2129 = vector.load %arg4[%swap3A_2127, %swap3A_2128] : memref<768x2048xf32, #tpu.memory_space<vmem>>, vector<8x2048xf32>
    tpu.vector_store %arg4[%swap3A_2127, %swap3A_2128], %mul3A_2126 {strides = array<i32>} : memref<768x2048xf32, #tpu.memory_space<vmem>>, vector<8x2048xf32>,
    %get3A_2130 = arith.constant 16 : index
    %get3A_2131 = arith.constant 0 : index
    %get3A_2132 = vector.load %arg1[%get3A_2130, %get3A_2131] : memref<128x1xf32, #tpu.memory_space<vmem>>, vector<8x1xf32>
    %get3A_2133 = arith.constant 16 : index
    %get3A_2134 = arith.constant 0 : index
    %get3A_2135 = vector.load %arg2[%get3A_2133, %get3A_2134] : memref<128x1xf32, #tpu.memory_space<vmem>>, vector<8x1xf32>
    %mul3A_2136 = vector.broadcast %broadcast_in_dim3A_2065 : vector<1x2048xf32> to vector<8x2048xf32>
    %mul3A_2137 = vector.broadcast %get3A_2132 : vector<8x1xf32> to vector<8x2048xf32>
    %mul3A_2138 = arith.mulf %mul3A_2136, %mul3A_2137 : vector<8x2048xf32>
    %add3A_2139 = vector.broadcast %get3A_2135 : vector<8x1xf32> to vector<8x2048xf32>
    %add3A_2140 = arith.addf %mul3A_2138, %add3A_2139 : vector<8x2048xf32>
    %round3A_2141 = math.roundeven %add3A_2140 : vector<8x2048xf32>
    %sub3A_2142 = arith.subf %add3A_2140, %round3A_2141 : vector<8x2048xf32>
    %mul3A_2143 = arith.mulf %sub3A_2142, %sub3A_2142 : vector<8x2048xf32>
    %mul3A_2144 = arith.constant -57.1160888 : f32
    %mul3A_2145 = vector.broadcast %mul3A_2144 : f32 to vector<8x2048xf32>
    %mul3A_2146 = arith.mulf %mul3A_2145, %mul3A_2143 : vector<8x2048xf32>
    %add3A_2147 = arith.constant 78.3270874 : f32
    %add3A_2148 = vector.broadcast %add3A_2147 : f32 to vector<8x2048xf32>
    %add3A_2149 = arith.addf %mul3A_2146, %add3A_2148 : vector<8x2048xf32>
    %mul3A_2150 = arith.mulf %add3A_2149, %mul3A_2143 : vector<8x2048xf32>
    %add3A_2151 = arith.constant -41.1362572 : f32
    %add3A_2152 = vector.broadcast %add3A_2151 : f32 to vector<8x2048xf32>
    %add3A_2153 = arith.addf %mul3A_2150, %add3A_2152 : vector<8x2048xf32>
    %mul3A_2154 = arith.mulf %add3A_2153, %mul3A_2143 : vector<8x2048xf32>
    %add3A_2155 = arith.constant 6.27973079 : f32
    %add3A_2156 = vector.broadcast %add3A_2155 : f32 to vector<8x2048xf32>
    %add3A_2157 = arith.addf %mul3A_2154, %add3A_2156 : vector<8x2048xf32>
    %mul3A_2158 = arith.mulf %add3A_2157, %sub3A_2142 : vector<8x2048xf32>
    %swap3A_2159 = arith.constant 528 : index
    %swap3A_2160 = arith.constant 0 : index
    %swap3A_2161 = vector.load %arg4[%swap3A_2159, %swap3A_2160] : memref<768x2048xf32, #tpu.memory_space<vmem>>, vector<8x2048xf32>
    tpu.vector_store %arg4[%swap3A_2159, %swap3A_2160], %mul3A_2158 {strides = array<i32>} : memref<768x2048xf32, #tpu.memory_space<vmem>>, vector<8x2048xf32>,
    %get3A_2162 = arith.constant 24 : index
    %get3A_2163 = arith.constant 0 : index
    %get3A_2164 = vector.load %arg1[%get3A_2162, %get3A_2163] : memref<128x1xf32, #tpu.memory_space<vmem>>, vector<8x1xf32>
    %get3A_2165 = arith.constant 24 : index
    %get3A_2166 = arith.constant 0 : index
    %get3A_2167 = vector.load %arg2[%get3A_2165, %get3A_2166] : memref<128x1xf32, #tpu.memory_space<vmem>>, vector<8x1xf32>
    %mul3A_2168 = vector.broadcast %broadcast_in_dim3A_2065 : vector<1x2048xf32> to vector<8x2048xf32>
    %mul3A_2169 = vector.broadcast %get3A_2164 : vector<8x1xf32> to vector<8x2048xf32>
    %mul3A_2170 = arith.mulf %mul3A_2168, %mul3A_2169 : vector<8x2048xf32>
    %add3A_2171 = vector.broadcast %get3A_2167 : vector<8x1xf32> to vector<8x2048xf32>
    %add3A_2172 = arith.addf %mul3A_2170, %add3A_2171 : vector<8x2048xf32>
    %round3A_2173 = math.roundeven %add3A_2172 : vector<8x2048xf32>
    %sub3A_2174 = arith.subf %add3A_2172, %round3A_2173 : vector<8x2048xf32>
    %mul3A_2175 = arith.mulf %sub3A_2174, %sub3A_2174 : vector<8x2048xf32>
    %mul3A_2176 = arith.constant -57.1160888 : f32
    %mul3A_2177 = vector.broadcast %mul3A_2176 : f32 to vector<8x2048xf32>
    %mul3A_2178 = arith.mulf %mul3A_2177, %mul3A_2175 : vector<8x2048xf32>
    %add3A_2179 = arith.constant 78.3270874 : f32
    %add3A_2180 = vector.broadcast %add3A_2179 : f32 to vector<8x2048xf32>
    %add3A_2181 = arith.addf %mul3A_2178, %add3A_2180 : vector<8x2048xf32>
    %mul3A_2182 = arith.mulf %add3A_2181, %mul3A_2175 : vector<8x2048xf32>
    %add3A_2183 = arith.constant -41.1362572 : f32
    %add3A_2184 = vector.broadcast %add3A_2183 : f32 to vector<8x2048xf32>
    %add3A_2185 = arith.addf %mul3A_2182, %add3A_2184 : vector<8x2048xf32>
    %mul3A_2186 = arith.mulf %add3A_2185, %mul3A_2175 : vector<8x2048xf32>
    %add3A_2187 = arith.constant 6.27973079 : f32
    %add3A_2188 = vector.broadcast %add3A_2187 : f32 to vector<8x2048xf32>
    %add3A_2189 = arith.addf %mul3A_2186, %add3A_2188 : vector<8x2048xf32>
    %mul3A_2190 = arith.mulf %add3A_2189, %sub3A_2174 : vector<8x2048xf32>
    %swap3A_2191 = arith.constant 536 : index
    %swap3A_2192 = arith.constant 0 : index
    %swap3A_2193 = vector.load %arg4[%swap3A_2191, %swap3A_2192] : memref<768x2048xf32, #tpu.memory_space<vmem>>, vector<8x2048xf32>
    tpu.vector_store %arg4[%swap3A_2191, %swap3A_2192], %mul3A_2190 {strides = array<i32>} : memref<768x2048xf32, #tpu.memory_space<vmem>>, vector<8x2048xf32>,
    %get3A_2194 = arith.constant 32 : index
    %get3A_2195 = arith.constant 0 : index
    %get3A_2196 = vector.load %arg1[%get3A_2194, %get3A_2195] : memref<128x1xf32, #tpu.memory_space<vmem>>, vector<8x1xf32>
    %get3A_2197 = arith.constant 32 : index
    %get3A_2198 = arith.constant 0 : index
    %get3A_2199 = vector.load %arg2[%get3A_2197, %get3A_2198] : memref<128x1xf32, #tpu.memory_space<vmem>>, vector<8x1xf32>
    %mul3A_2200 = vector.broadcast %broadcast_in_dim3A_2065 : vector<1x2048xf32> to vector<8x2048xf32>
    %mul3A_2201 = vector.broadcast %get3A_2196 : vector<8x1xf32> to vector<8x2048xf32>
    %mul3A_2202 = arith.mulf %mul3A_2200, %mul3A_2201 : vector<8x2048xf32>
    %add3A_2203 = vector.broadcast %get3A_2199 : vector<8x1xf32> to vector<8x2048xf32>
    %add3A_2204 = arith.addf %mul3A_2202, %add3A_2203 : vector<8x2048xf32>
    %round3A_2205 = math.roundeven %add3A_2204 : vector<8x2048xf32>
    %sub3A_2206 = arith.subf %add3A_2204, %round3A_2205 : vector<8x2048xf32>
    %mul3A_2207 = arith.mulf %sub3A_2206, %sub3A_2206 : vector<8x2048xf32>
    %mul3A_2208 = arith.constant -57.1160888 : f32
    %mul3A_2209 = vector.broadcast %mul3A_2208 : f32 to vector<8x2048xf32>
    %mul3A_2210 = arith.mulf %mul3A_2209, %mul3A_2207 : vector<8x2048xf32>
    %add3A_2211 = arith.constant 78.3270874 : f32
    %add3A_2212 = vector.broadcast %add3A_2211 : f32 to vector<8x2048xf32>
    %add3A_2213 = arith.addf %mul3A_2210, %add3A_2212 : vector<8x2048xf32>
    %mul3A_2214 = arith.mulf %add3A_2213, %mul3A_2207 : vector<8x2048xf32>
    %add3A_2215 = arith.constant -41.1362572 : f32
    %add3A_2216 = vector.broadcast %add3A_2215 : f32 to vector<8x2048xf32>
    %add3A_2217 = arith.addf %mul3A_2214, %add3A_2216 : vector<8x2048xf32>
    %mul3A_2218 = arith.mulf %add3A_2217, %mul3A_2207 : vector<8x2048xf32>
    %add3A_2219 = arith.constant 6.27973079 : f32
    %add3A_2220 = vector.broadcast %add3A_2219 : f32 to vector<8x2048xf32>
    %add3A_2221 = arith.addf %mul3A_2218, %add3A_2220 : vector<8x2048xf32>
    %mul3A_2222 = arith.mulf %add3A_2221, %sub3A_2206 : vector<8x2048xf32>
    %swap3A_2223 = arith.constant 544 : index
    %swap3A_2224 = arith.constant 0 : index
    %swap3A_2225 = vector.load %arg4[%swap3A_2223, %swap3A_2224] : memref<768x2048xf32, #tpu.memory_space<vmem>>, vector<8x2048xf32>
    tpu.vector_store %arg4[%swap3A_2223, %swap3A_2224], %mul3A_2222 {strides = array<i32>} : memref<768x2048xf32, #tpu.memory_space<vmem>>, vector<8x2048xf32>,
    %get3A_2226 = arith.constant 40 : index
    %get3A_2227 = arith.constant 0 : index
    %get3A_2228 = vector.load %arg1[%get3A_2226, %get3A_2227] : memref<128x1xf32, #tpu.memory_space<vmem>>, vector<8x1xf32>
    %get3A_2229 = arith.constant 40 : index
    %get3A_2230 = arith.constant 0 : index
    %get3A_2231 = vector.load %arg2[%get3A_2229, %get3A_2230] : memref<128x1xf32, #tpu.memory_space<vmem>>, vector<8x1xf32>
    %mul3A_2232 = vector.broadcast %broadcast_in_dim3A_2065 : vector<1x2048xf32> to vector<8x2048xf32>
    %mul3A_2233 = vector.broadcast %get3A_2228 : vector<8x1xf32> to vector<8x2048xf32>
    %mul3A_2234 = arith.mulf %mul3A_2232, %mul3A_2233 : vector<8x2048xf32>
    %add3A_2235 = vector.broadcast %get3A_2231 : vector<8x1xf32> to vector<8x2048xf32>
    %add3A_2236 = arith.addf %mul3A_2234, %add3A_2235 : vector<8x2048xf32>
    %round3A_2237 = math.roundeven %add3A_2236 : vector<8x2048xf32>
    %sub3A_2238 = arith.subf %add3A_2236, %round3A_2237 : vector<8x2048xf32>
    %mul3A_2239 = arith.mulf %sub3A_2238, %sub3A_2238 : vector<8x2048xf32>
    %mul3A_2240 = arith.constant -57.1160888 : f32
    %mul3A_2241 = vector.broadcast %mul3A_2240 : f32 to vector<8x2048xf32>
    %mul3A_2242 = arith.mulf %mul3A_2241, %mul3A_2239 : vector<8x2048xf32>
    %add3A_2243 = arith.constant 78.3270874 : f32
    %add3A_2244 = vector.broadcast %add3A_2243 : f32 to vector<8x2048xf32>
    %add3A_2245 = arith.addf %mul3A_2242, %add3A_2244 : vector<8x2048xf32>
    %mul3A_2246 = arith.mulf %add3A_2245, %mul3A_2239 : vector<8x2048xf32>
    %add3A_2247 = arith.constant -41.1362572 : f32
    %add3A_2248 = vector.broadcast %add3A_2247 : f32 to vector<8x2048xf32>
    %add3A_2249 = arith.addf %mul3A_2246, %add3A_2248 : vector<8x2048xf32>
    %mul3A_2250 = arith.mulf %add3A_2249, %mul3A_2239 : vector<8x2048xf32>
    %add3A_2251 = arith.constant 6.27973079 : f32
    %add3A_2252 = vector.broadcast %add3A_2251 : f32 to vector<8x2048xf32>
    %add3A_2253 = arith.addf %mul3A_2250, %add3A_2252 : vector<8x2048xf32>
    %mul3A_2254 = arith.mulf %add3A_2253, %sub3A_2238 : vector<8x2048xf32>
    %swap3A_2255 = arith.constant 552 : index
    %swap3A_2256 = arith.constant 0 : index
    %swap3A_2257 = vector.load %arg4[%swap3A_2255, %swap3A_2256] : memref<768x2048xf32, #tpu.memory_space<vmem>>, vector<8x2048xf32>
    tpu.vector_store %arg4[%swap3A_2255, %swap3A_2256], %mul3A_2254 {strides = array<i32>} : memref<768x2048xf32, #tpu.memory_space<vmem>>, vector<8x2048xf32>,
    %get3A_2258 = arith.constant 48 : index
    %get3A_2259 = arith.constant 0 : index
    %get3A_2260 = vector.load %arg1[%get3A_2258, %get3A_2259] : memref<128x1xf32, #tpu.memory_space<vmem>>, vector<8x1xf32>
    %get3A_2261 = arith.constant 48 : index
    %get3A_2262 = arith.constant 0 : index
    %get3A_2263 = vector.load %arg2[%get3A_2261, %get3A_2262] : memref<128x1xf32, #tpu.memory_space<vmem>>, vector<8x1xf32>
    %mul3A_2264 = vector.broadcast %broadcast_in_dim3A_2065 : vector<1x2048xf32> to vector<8x2048xf32>
    %mul3A_2265 = vector.broadcast %get3A_2260 : vector<8x1xf32> to vector<8x2048xf32>
    %mul3A_2266 = arith.mulf %mul3A_2264, %mul3A_2265 : vector<8x2048xf32>
    %add3A_2267 = vector.broadcast %get3A_2263 : vector<8x1xf32> to vector<8x2048xf32>
    %add3A_2268 = arith.addf %mul3A_2266, %add3A_2267 : vector<8x2048xf32>
    %round3A_2269 = math.roundeven %add3A_2268 : vector<8x2048xf32>
    %sub3A_2270 = arith.subf %add3A_2268, %round3A_2269 : vector<8x2048xf32>
    %mul3A_2271 = arith.mulf %sub3A_2270, %sub3A_2270 : vector<8x2048xf32>
    %mul3A_2272 = arith.constant -57.1160888 : f32
    %mul3A_2273 = vector.broadcast %mul3A_2272 : f32 to vector<8x2048xf32>
    %mul3A_2274 = arith.mulf %mul3A_2273, %mul3A_2271 : vector<8x2048xf32>
    %add3A_2275 = arith.constant 78.3270874 : f32
    %add3A_2276 = vector.broadcast %add3A_2275 : f32 to vector<8x2048xf32>
    %add3A_2277 = arith.addf %mul3A_2274, %add3A_2276 : vector<8x2048xf32>
    %mul3A_2278 = arith.mulf %add3A_2277, %mul3A_2271 : vector<8x2048xf32>
    %add3A_2279 = arith.constant -41.1362572 : f32
    %add3A_2280 = vector.broadcast %add3A_2279 : f32 to vector<8x2048xf32>
    %add3A_2281 = arith.addf %mul3A_2278, %add3A_2280 : vector<8x2048xf32>
    %mul3A_2282 = arith.mulf %add3A_2281, %mul3A_2271 : vector<8x2048xf32>
    %add3A_2283 = arith.constant 6.27973079 : f32
    %add3A_2284 = vector.broadcast %add3A_2283 : f32 to vector<8x2048xf32>
    %add3A_2285 = arith.addf %mul3A_2282, %add3A_2284 : vector<8x2048xf32>
    %mul3A_2286 = arith.mulf %add3A_2285, %sub3A_2270 : vector<8x2048xf32>
    %swap3A_2287 = arith.constant 560 : index
    %swap3A_2288 = arith.constant 0 : index
    %swap3A_2289 = vector.load %arg4[%swap3A_2287, %swap3A_2288] : memref<768x2048xf32, #tpu.memory_space<vmem>>, vector<8x2048xf32>
    tpu.vector_store %arg4[%swap3A_2287, %swap3A_2288], %mul3A_2286 {strides = array<i32>} : memref<768x2048xf32, #tpu.memory_space<vmem>>, vector<8x2048xf32>,
    %get3A_2290 = arith.constant 56 : index
    %get3A_2291 = arith.constant 0 : index
    %get3A_2292 = vector.load %arg1[%get3A_2290, %get3A_2291] : memref<128x1xf32, #tpu.memory_space<vmem>>, vector<8x1xf32>
    %get3A_2293 = arith.constant 56 : index
    %get3A_2294 = arith.constant 0 : index
    %get3A_2295 = vector.load %arg2[%get3A_2293, %get3A_2294] : memref<128x1xf32, #tpu.memory_space<vmem>>, vector<8x1xf32>
    %mul3A_2296 = vector.broadcast %broadcast_in_dim3A_2065 : vector<1x2048xf32> to vector<8x2048xf32>
    %mul3A_2297 = vector.broadcast %get3A_2292 : vector<8x1xf32> to vector<8x2048xf32>
    %mul3A_2298 = arith.mulf %mul3A_2296, %mul3A_2297 : vector<8x2048xf32>
    %add3A_2299 = vector.broadcast %get3A_2295 : vector<8x1xf32> to vector<8x2048xf32>
    %add3A_2300 = arith.addf %mul3A_2298, %add3A_2299 : vector<8x2048xf32>
    %round3A_2301 = math.roundeven %add3A_2300 : vector<8x2048xf32>
    %sub3A_2302 = arith.subf %add3A_2300, %round3A_2301 : vector<8x2048xf32>
    %mul3A_2303 = arith.mulf %sub3A_2302, %sub3A_2302 : vector<8x2048xf32>
    %mul3A_2304 = arith.constant -57.1160888 : f32
    %mul3A_2305 = vector.broadcast %mul3A_2304 : f32 to vector<8x2048xf32>
    %mul3A_2306 = arith.mulf %mul3A_2305, %mul3A_2303 : vector<8x2048xf32>
    %add3A_2307 = arith.constant 78.3270874 : f32
    %add3A_2308 = vector.broadcast %add3A_2307 : f32 to vector<8x2048xf32>
    %add3A_2309 = arith.addf %mul3A_2306, %add3A_2308 : vector<8x2048xf32>
    %mul3A_2310 = arith.mulf %add3A_2309, %mul3A_2303 : vector<8x2048xf32>
    %add3A_2311 = arith.constant -41.1362572 : f32
    %add3A_2312 = vector.broadcast %add3A_2311 : f32 to vector<8x2048xf32>
    %add3A_2313 = arith.addf %mul3A_2310, %add3A_2312 : vector<8x2048xf32>
    %mul3A_2314 = arith.mulf %add3A_2313, %mul3A_2303 : vector<8x2048xf32>
    %add3A_2315 = arith.constant 6.27973079 : f32
    %add3A_2316 = vector.broadcast %add3A_2315 : f32 to vector<8x2048xf32>
    %add3A_2317 = arith.addf %mul3A_2314, %add3A_2316 : vector<8x2048xf32>
    %mul3A_2318 = arith.mulf %add3A_2317, %sub3A_2302 : vector<8x2048xf32>
    %swap3A_2319 = arith.constant 568 : index
    %swap3A_2320 = arith.constant 0 : index
    %swap3A_2321 = vector.load %arg4[%swap3A_2319, %swap3A_2320] : memref<768x2048xf32, #tpu.memory_space<vmem>>, vector<8x2048xf32>
    tpu.vector_store %arg4[%swap3A_2319, %swap3A_2320], %mul3A_2318 {strides = array<i32>} : memref<768x2048xf32, #tpu.memory_space<vmem>>, vector<8x2048xf32>,
    %get3A_2322 = arith.constant 64 : index
    %get3A_2323 = arith.constant 0 : index
    %get3A_2324 = vector.load %arg1[%get3A_2322, %get3A_2323] : memref<128x1xf32, #tpu.memory_space<vmem>>, vector<8x1xf32>
    %get3A_2325 = arith.constant 64 : index
    %get3A_2326 = arith.constant 0 : index
    %get3A_2327 = vector.load %arg2[%get3A_2325, %get3A_2326] : memref<128x1xf32, #tpu.memory_space<vmem>>, vector<8x1xf32>
    %mul3A_2328 = vector.broadcast %broadcast_in_dim3A_2065 : vector<1x2048xf32> to vector<8x2048xf32>
    %mul3A_2329 = vector.broadcast %get3A_2324 : vector<8x1xf32> to vector<8x2048xf32>
    %mul3A_2330 = arith.mulf %mul3A_2328, %mul3A_2329 : vector<8x2048xf32>
    %add3A_2331 = vector.broadcast %get3A_2327 : vector<8x1xf32> to vector<8x2048xf32>
    %add3A_2332 = arith.addf %mul3A_2330, %add3A_2331 : vector<8x2048xf32>
    %round3A_2333 = math.roundeven %add3A_2332 : vector<8x2048xf32>
    %sub3A_2334 = arith.subf %add3A_2332, %round3A_2333 : vector<8x2048xf32>
    %mul3A_2335 = arith.mulf %sub3A_2334, %sub3A_2334 : vector<8x2048xf32>
    %mul3A_2336 = arith.constant -57.1160888 : f32
    %mul3A_2337 = vector.broadcast %mul3A_2336 : f32 to vector<8x2048xf32>
    %mul3A_2338 = arith.mulf %mul3A_2337, %mul3A_2335 : vector<8x2048xf32>
    %add3A_2339 = arith.constant 78.3270874 : f32
    %add3A_2340 = vector.broadcast %add3A_2339 : f32 to vector<8x2048xf32>
    %add3A_2341 = arith.addf %mul3A_2338, %add3A_2340 : vector<8x2048xf32>
    %mul3A_2342 = arith.mulf %add3A_2341, %mul3A_2335 : vector<8x2048xf32>
    %add3A_2343 = arith.constant -41.1362572 : f32
    %add3A_2344 = vector.broadcast %add3A_2343 : f32 to vector<8x2048xf32>
    %add3A_2345 = arith.addf %mul3A_2342, %add3A_2344 : vector<8x2048xf32>
    %mul3A_2346 = arith.mulf %add3A_2345, %mul3A_2335 : vector<8x2048xf32>
    %add3A_2347 = arith.constant 6.27973079 : f32
    %add3A_2348 = vector.broadcast %add3A_2347 : f32 to vector<8x2048xf32>
    %add3A_2349 = arith.addf %mul3A_2346, %add3A_2348 : vector<8x2048xf32>
    %mul3A_2350 = arith.mulf %add3A_2349, %sub3A_2334 : vector<8x2048xf32>
    %swap3A_2351 = arith.constant 576 : index
    %swap3A_2352 = arith.constant 0 : index
    %swap3A_2353 = vector.load %arg4[%swap3A_2351, %swap3A_2352] : memref<768x2048xf32, #tpu.memory_space<vmem>>, vector<8x2048xf32>
    tpu.vector_store %arg4[%swap3A_2351, %swap3A_2352], %mul3A_2350 {strides = array<i32>} : memref<768x2048xf32, #tpu.memory_space<vmem>>, vector<8x2048xf32>,
    %get3A_2354 = arith.constant 72 : index
    %get3A_2355 = arith.constant 0 : index
    %get3A_2356 = vector.load %arg1[%get3A_2354, %get3A_2355] : memref<128x1xf32, #tpu.memory_space<vmem>>, vector<8x1xf32>
    %get3A_2357 = arith.constant 72 : index
    %get3A_2358 = arith.constant 0 : index
    %get3A_2359 = vector.load %arg2[%get3A_2357, %get3A_2358] : memref<128x1xf32, #tpu.memory_space<vmem>>, vector<8x1xf32>
    %mul3A_2360 = vector.broadcast %broadcast_in_dim3A_2065 : vector<1x2048xf32> to vector<8x2048xf32>
    %mul3A_2361 = vector.broadcast %get3A_2356 : vector<8x1xf32> to vector<8x2048xf32>
    %mul3A_2362 = arith.mulf %mul3A_2360, %mul3A_2361 : vector<8x2048xf32>
    %add3A_2363 = vector.broadcast %get3A_2359 : vector<8x1xf32> to vector<8x2048xf32>
    %add3A_2364 = arith.addf %mul3A_2362, %add3A_2363 : vector<8x2048xf32>
    %round3A_2365 = math.roundeven %add3A_2364 : vector<8x2048xf32>
    %sub3A_2366 = arith.subf %add3A_2364, %round3A_2365 : vector<8x2048xf32>
    %mul3A_2367 = arith.mulf %sub3A_2366, %sub3A_2366 : vector<8x2048xf32>
    %mul3A_2368 = arith.constant -57.1160888 : f32
    %mul3A_2369 = vector.broadcast %mul3A_2368 : f32 to vector<8x2048xf32>
    %mul3A_2370 = arith.mulf %mul3A_2369, %mul3A_2367 : vector<8x2048xf32>
    %add3A_2371 = arith.constant 78.3270874 : f32
    %add3A_2372 = vector.broadcast %add3A_2371 : f32 to vector<8x2048xf32>
    %add3A_2373 = arith.addf %mul3A_2370, %add3A_2372 : vector<8x2048xf32>
    %mul3A_2374 = arith.mulf %add3A_2373, %mul3A_2367 : vector<8x2048xf32>
    %add3A_2375 = arith.constant -41.1362572 : f32
    %add3A_2376 = vector.broadcast %add3A_2375 : f32 to vector<8x2048xf32>
    %add3A_2377 = arith.addf %mul3A_2374, %add3A_2376 : vector<8x2048xf32>
    %mul3A_2378 = arith.mulf %add3A_2377, %mul3A_2367 : vector<8x2048xf32>
    %add3A_2379 = arith.constant 6.27973079 : f32
    %add3A_2380 = vector.broadcast %add3A_2379 : f32 to vector<8x2048xf32>
    %add3A_2381 = arith.addf %mul3A_2378, %add3A_2380 : vector<8x2048xf32>
    %mul3A_2382 = arith.mulf %add3A_2381, %sub3A_2366 : vector<8x2048xf32>
    %swap3A_2383 = arith.constant 584 : index
    %swap3A_2384 = arith.constant 0 : index
    %swap3A_2385 = vector.load %arg4[%swap3A_2383, %swap3A_2384] : memref<768x2048xf32, #tpu.memory_space<vmem>>, vector<8x2048xf32>
    tpu.vector_store %arg4[%swap3A_2383, %swap3A_2384], %mul3A_2382 {strides = array<i32>} : memref<768x2048xf32, #tpu.memory_space<vmem>>, vector<8x2048xf32>,
    %get3A_2386 = arith.constant 80 : index
    %get3A_2387 = arith.constant 0 : index
    %get3A_2388 = vector.load %arg1[%get3A_2386, %get3A_2387] : memref<128x1xf32, #tpu.memory_space<vmem>>, vector<8x1xf32>
    %get3A_2389 = arith.constant 80 : index
    %get3A_2390 = arith.constant 0 : index
    %get3A_2391 = vector.load %arg2[%get3A_2389, %get3A_2390] : memref<128x1xf32, #tpu.memory_space<vmem>>, vector<8x1xf32>
    %mul3A_2392 = vector.broadcast %broadcast_in_dim3A_2065 : vector<1x2048xf32> to vector<8x2048xf32>
    %mul3A_2393 = vector.broadcast %get3A_2388 : vector<8x1xf32> to vector<8x2048xf32>
    %mul3A_2394 = arith.mulf %mul3A_2392, %mul3A_2393 : vector<8x2048xf32>
    %add3A_2395 = vector.broadcast %get3A_2391 : vector<8x1xf32> to vector<8x2048xf32>
    %add3A_2396 = arith.addf %mul3A_2394, %add3A_2395 : vector<8x2048xf32>
    %round3A_2397 = math.roundeven %add3A_2396 : vector<8x2048xf32>
    %sub3A_2398 = arith.subf %add3A_2396, %round3A_2397 : vector<8x2048xf32>
    %mul3A_2399 = arith.mulf %sub3A_2398, %sub3A_2398 : vector<8x2048xf32>
    %mul3A_2400 = arith.constant -57.1160888 : f32
    %mul3A_2401 = vector.broadcast %mul3A_2400 : f32 to vector<8x2048xf32>
    %mul3A_2402 = arith.mulf %mul3A_2401, %mul3A_2399 : vector<8x2048xf32>
    %add3A_2403 = arith.constant 78.3270874 : f32
    %add3A_2404 = vector.broadcast %add3A_2403 : f32 to vector<8x2048xf32>
    %add3A_2405 = arith.addf %mul3A_2402, %add3A_2404 : vector<8x2048xf32>
    %mul3A_2406 = arith.mulf %add3A_2405, %mul3A_2399 : vector<8x2048xf32>
    %add3A_2407 = arith.constant -41.1362572 : f32
    %add3A_2408 = vector.broadcast %add3A_2407 : f32 to vector<8x2048xf32>
    %add3A_2409 = arith.addf %mul3A_2406, %add3A_2408 : vector<8x2048xf32>
    %mul3A_2410 = arith.mulf %add3A_2409, %mul3A_2399 : vector<8x2048xf32>
    %add3A_2411 = arith.constant 6.27973079 : f32
    %add3A_2412 = vector.broadcast %add3A_2411 : f32 to vector<8x2048xf32>
    %add3A_2413 = arith.addf %mul3A_2410, %add3A_2412 : vector<8x2048xf32>
    %mul3A_2414 = arith.mulf %add3A_2413, %sub3A_2398 : vector<8x2048xf32>
    %swap3A_2415 = arith.constant 592 : index
    %swap3A_2416 = arith.constant 0 : index
    %swap3A_2417 = vector.load %arg4[%swap3A_2415, %swap3A_2416] : memref<768x2048xf32, #tpu.memory_space<vmem>>, vector<8x2048xf32>
    tpu.vector_store %arg4[%swap3A_2415, %swap3A_2416], %mul3A_2414 {strides = array<i32>} : memref<768x2048xf32, #tpu.memory_space<vmem>>, vector<8x2048xf32>,
    %get3A_2418 = arith.constant 88 : index
    %get3A_2419 = arith.constant 0 : index
    %get3A_2420 = vector.load %arg1[%get3A_2418, %get3A_2419] : memref<128x1xf32, #tpu.memory_space<vmem>>, vector<8x1xf32>
    %get3A_2421 = arith.constant 88 : index
    %get3A_2422 = arith.constant 0 : index
    %get3A_2423 = vector.load %arg2[%get3A_2421, %get3A_2422] : memref<128x1xf32, #tpu.memory_space<vmem>>, vector<8x1xf32>
    %mul3A_2424 = vector.broadcast %broadcast_in_dim3A_2065 : vector<1x2048xf32> to vector<8x2048xf32>
    %mul3A_2425 = vector.broadcast %get3A_2420 : vector<8x1xf32> to vector<8x2048xf32>
    %mul3A_2426 = arith.mulf %mul3A_2424, %mul3A_2425 : vector<8x2048xf32>
    %add3A_2427 = vector.broadcast %get3A_2423 : vector<8x1xf32> to vector<8x2048xf32>
    %add3A_2428 = arith.addf %mul3A_2426, %add3A_2427 : vector<8x2048xf32>
    %round3A_2429 = math.roundeven %add3A_2428 : vector<8x2048xf32>
    %sub3A_2430 = arith.subf %add3A_2428, %round3A_2429 : vector<8x2048xf32>
    %mul3A_2431 = arith.mulf %sub3A_2430, %sub3A_2430 : vector<8x2048xf32>
    %mul3A_2432 = arith.constant -57.1160888 : f32
    %mul3A_2433 = vector.broadcast %mul3A_2432 : f32 to vector<8x2048xf32>
    %mul3A_2434 = arith.mulf %mul3A_2433, %mul3A_2431 : vector<8x2048xf32>
    %add3A_2435 = arith.constant 78.3270874 : f32
    %add3A_2436 = vector.broadcast %add3A_2435 : f32 to vector<8x2048xf32>
    %add3A_2437 = arith.addf %mul3A_2434, %add3A_2436 : vector<8x2048xf32>
    %mul3A_2438 = arith.mulf %add3A_2437, %mul3A_2431 : vector<8x2048xf32>
    %add3A_2439 = arith.constant -41.1362572 : f32
    %add3A_2440 = vector.broadcast %add3A_2439 : f32 to vector<8x2048xf32>
    %add3A_2441 = arith.addf %mul3A_2438, %add3A_2440 : vector<8x2048xf32>
    %mul3A_2442 = arith.mulf %add3A_2441, %mul3A_2431 : vector<8x2048xf32>
    %add3A_2443 = arith.constant 6.27973079 : f32
    %add3A_2444 = vector.broadcast %add3A_2443 : f32 to vector<8x2048xf32>
    %add3A_2445 = arith.addf %mul3A_2442, %add3A_2444 : vector<8x2048xf32>
    %mul3A_2446 = arith.mulf %add3A_2445, %sub3A_2430 : vector<8x2048xf32>
    %swap3A_2447 = arith.constant 600 : index
    %swap3A_2448 = arith.constant 0 : index
    %swap3A_2449 = vector.load %arg4[%swap3A_2447, %swap3A_2448] : memref<768x2048xf32, #tpu.memory_space<vmem>>, vector<8x2048xf32>
    tpu.vector_store %arg4[%swap3A_2447, %swap3A_2448], %mul3A_2446 {strides = array<i32>} : memref<768x2048xf32, #tpu.memory_space<vmem>>, vector<8x2048xf32>,
    %get3A_2450 = arith.constant 96 : index
    %get3A_2451 = arith.constant 0 : index
    %get3A_2452 = vector.load %arg1[%get3A_2450, %get3A_2451] : memref<128x1xf32, #tpu.memory_space<vmem>>, vector<8x1xf32>
    %get3A_2453 = arith.constant 96 : index
    %get3A_2454 = arith.constant 0 : index
    %get3A_2455 = vector.load %arg2[%get3A_2453, %get3A_2454] : memref<128x1xf32, #tpu.memory_space<vmem>>, vector<8x1xf32>
    %mul3A_2456 = vector.broadcast %broadcast_in_dim3A_2065 : vector<1x2048xf32> to vector<8x2048xf32>
    %mul3A_2457 = vector.broadcast %get3A_2452 : vector<8x1xf32> to vector<8x2048xf32>
    %mul3A_2458 = arith.mulf %mul3A_2456, %mul3A_2457 : vector<8x2048xf32>
    %add3A_2459 = vector.broadcast %get3A_2455 : vector<8x1xf32> to vector<8x2048xf32>
    %add3A_2460 = arith.addf %mul3A_2458, %add3A_2459 : vector<8x2048xf32>
    %round3A_2461 = math.roundeven %add3A_2460 : vector<8x2048xf32>
    %sub3A_2462 = arith.subf %add3A_2460, %round3A_2461 : vector<8x2048xf32>
    %mul3A_2463 = arith.mulf %sub3A_2462, %sub3A_2462 : vector<8x2048xf32>
    %mul3A_2464 = arith.constant -57.1160888 : f32
    %mul3A_2465 = vector.broadcast %mul3A_2464 : f32 to vector<8x2048xf32>
    %mul3A_2466 = arith.mulf %mul3A_2465, %mul3A_2463 : vector<8x2048xf32>
    %add3A_2467 = arith.constant 78.3270874 : f32
    %add3A_2468 = vector.broadcast %add3A_2467 : f32 to vector<8x2048xf32>
    %add3A_2469 = arith.addf %mul3A_2466, %add3A_2468 : vector<8x2048xf32>
    %mul3A_2470 = arith.mulf %add3A_2469, %mul3A_2463 : vector<8x2048xf32>
    %add3A_2471 = arith.constant -41.1362572 : f32
    %add3A_2472 = vector.broadcast %add3A_2471 : f32 to vector<8x2048xf32>
    %add3A_2473 = arith.addf %mul3A_2470, %add3A_2472 : vector<8x2048xf32>
    %mul3A_2474 = arith.mulf %add3A_2473, %mul3A_2463 : vector<8x2048xf32>
    %add3A_2475 = arith.constant 6.27973079 : f32
    %add3A_2476 = vector.broadcast %add3A_2475 : f32 to vector<8x2048xf32>
    %add3A_2477 = arith.addf %mul3A_2474, %add3A_2476 : vector<8x2048xf32>
    %mul3A_2478 = arith.mulf %add3A_2477, %sub3A_2462 : vector<8x2048xf32>
    %swap3A_2479 = arith.constant 608 : index
    %swap3A_2480 = arith.constant 0 : index
    %swap3A_2481 = vector.load %arg4[%swap3A_2479, %swap3A_2480] : memref<768x2048xf32, #tpu.memory_space<vmem>>, vector<8x2048xf32>
    tpu.vector_store %arg4[%swap3A_2479, %swap3A_2480], %mul3A_2478 {strides = array<i32>} : memref<768x2048xf32, #tpu.memory_space<vmem>>, vector<8x2048xf32>,
    %get3A_2482 = arith.constant 104 : index
    %get3A_2483 = arith.constant 0 : index
    %get3A_2484 = vector.load %arg1[%get3A_2482, %get3A_2483] : memref<128x1xf32, #tpu.memory_space<vmem>>, vector<8x1xf32>
    %get3A_2485 = arith.constant 104 : index
    %get3A_2486 = arith.constant 0 : index
    %get3A_2487 = vector.load %arg2[%get3A_2485, %get3A_2486] : memref<128x1xf32, #tpu.memory_space<vmem>>, vector<8x1xf32>
    %mul3A_2488 = vector.broadcast %broadcast_in_dim3A_2065 : vector<1x2048xf32> to vector<8x2048xf32>
    %mul3A_2489 = vector.broadcast %get3A_2484 : vector<8x1xf32> to vector<8x2048xf32>
    %mul3A_2490 = arith.mulf %mul3A_2488, %mul3A_2489 : vector<8x2048xf32>
    %add3A_2491 = vector.broadcast %get3A_2487 : vector<8x1xf32> to vector<8x2048xf32>
    %add3A_2492 = arith.addf %mul3A_2490, %add3A_2491 : vector<8x2048xf32>
    %round3A_2493 = math.roundeven %add3A_2492 : vector<8x2048xf32>
    %sub3A_2494 = arith.subf %add3A_2492, %round3A_2493 : vector<8x2048xf32>
    %mul3A_2495 = arith.mulf %sub3A_2494, %sub3A_2494 : vector<8x2048xf32>
    %mul3A_2496 = arith.constant -57.1160888 : f32
    %mul3A_2497 = vector.broadcast %mul3A_2496 : f32 to vector<8x2048xf32>
    %mul3A_2498 = arith.mulf %mul3A_2497, %mul3A_2495 : vector<8x2048xf32>
    %add3A_2499 = arith.constant 78.3270874 : f32
    %add3A_2500 = vector.broadcast %add3A_2499 : f32 to vector<8x2048xf32>
    %add3A_2501 = arith.addf %mul3A_2498, %add3A_2500 : vector<8x2048xf32>
    %mul3A_2502 = arith.mulf %add3A_2501, %mul3A_2495 : vector<8x2048xf32>
    %add3A_2503 = arith.constant -41.1362572 : f32
    %add3A_2504 = vector.broadcast %add3A_2503 : f32 to vector<8x2048xf32>
    %add3A_2505 = arith.addf %mul3A_2502, %add3A_2504 : vector<8x2048xf32>
    %mul3A_2506 = arith.mulf %add3A_2505, %mul3A_2495 : vector<8x2048xf32>
    %add3A_2507 = arith.constant 6.27973079 : f32
    %add3A_2508 = vector.broadcast %add3A_2507 : f32 to vector<8x2048xf32>
    %add3A_2509 = arith.addf %mul3A_2506, %add3A_2508 : vector<8x2048xf32>
    %mul3A_2510 = arith.mulf %add3A_2509, %sub3A_2494 : vector<8x2048xf32>
    %swap3A_2511 = arith.constant 616 : index
    %swap3A_2512 = arith.constant 0 : index
    %swap3A_2513 = vector.load %arg4[%swap3A_2511, %swap3A_2512] : memref<768x2048xf32, #tpu.memory_space<vmem>>, vector<8x2048xf32>
    tpu.vector_store %arg4[%swap3A_2511, %swap3A_2512], %mul3A_2510 {strides = array<i32>} : memref<768x2048xf32, #tpu.memory_space<vmem>>, vector<8x2048xf32>,
    %get3A_2514 = arith.constant 112 : index
    %get3A_2515 = arith.constant 0 : index
    %get3A_2516 = vector.load %arg1[%get3A_2514, %get3A_2515] : memref<128x1xf32, #tpu.memory_space<vmem>>, vector<8x1xf32>
    %get3A_2517 = arith.constant 112 : index
    %get3A_2518 = arith.constant 0 : index
    %get3A_2519 = vector.load %arg2[%get3A_2517, %get3A_2518] : memref<128x1xf32, #tpu.memory_space<vmem>>, vector<8x1xf32>
    %mul3A_2520 = vector.broadcast %broadcast_in_dim3A_2065 : vector<1x2048xf32> to vector<8x2048xf32>
    %mul3A_2521 = vector.broadcast %get3A_2516 : vector<8x1xf32> to vector<8x2048xf32>
    %mul3A_2522 = arith.mulf %mul3A_2520, %mul3A_2521 : vector<8x2048xf32>
    %add3A_2523 = vector.broadcast %get3A_2519 : vector<8x1xf32> to vector<8x2048xf32>
    %add3A_2524 = arith.addf %mul3A_2522, %add3A_2523 : vector<8x2048xf32>
    %round3A_2525 = math.roundeven %add3A_2524 : vector<8x2048xf32>
    %sub3A_2526 = arith.subf %add3A_2524, %round3A_2525 : vector<8x2048xf32>
    %mul3A_2527 = arith.mulf %sub3A_2526, %sub3A_2526 : vector<8x2048xf32>
    %mul3A_2528 = arith.constant -57.1160888 : f32
    %mul3A_2529 = vector.broadcast %mul3A_2528 : f32 to vector<8x2048xf32>
    %mul3A_2530 = arith.mulf %mul3A_2529, %mul3A_2527 : vector<8x2048xf32>
    %add3A_2531 = arith.constant 78.3270874 : f32
    %add3A_2532 = vector.broadcast %add3A_2531 : f32 to vector<8x2048xf32>
    %add3A_2533 = arith.addf %mul3A_2530, %add3A_2532 : vector<8x2048xf32>
    %mul3A_2534 = arith.mulf %add3A_2533, %mul3A_2527 : vector<8x2048xf32>
    %add3A_2535 = arith.constant -41.1362572 : f32
    %add3A_2536 = vector.broadcast %add3A_2535 : f32 to vector<8x2048xf32>
    %add3A_2537 = arith.addf %mul3A_2534, %add3A_2536 : vector<8x2048xf32>
    %mul3A_2538 = arith.mulf %add3A_2537, %mul3A_2527 : vector<8x2048xf32>
    %add3A_2539 = arith.constant 6.27973079 : f32
    %add3A_2540 = vector.broadcast %add3A_2539 : f32 to vector<8x2048xf32>
    %add3A_2541 = arith.addf %mul3A_2538, %add3A_2540 : vector<8x2048xf32>
    %mul3A_2542 = arith.mulf %add3A_2541, %sub3A_2526 : vector<8x2048xf32>
    %swap3A_2543 = arith.constant 624 : index
    %swap3A_2544 = arith.constant 0 : index
    %swap3A_2545 = vector.load %arg4[%swap3A_2543, %swap3A_2544] : memref<768x2048xf32, #tpu.memory_space<vmem>>, vector<8x2048xf32>
    tpu.vector_store %arg4[%swap3A_2543, %swap3A_2544], %mul3A_2542 {strides = array<i32>} : memref<768x2048xf32, #tpu.memory_space<vmem>>, vector<8x2048xf32>,
    %get3A_2546 = arith.constant 120 : index
    %get3A_2547 = arith.constant 0 : index
    %get3A_2548 = vector.load %arg1[%get3A_2546, %get3A_2547] : memref<128x1xf32, #tpu.memory_space<vmem>>, vector<8x1xf32>
    %get3A_2549 = arith.constant 120 : index
    %get3A_2550 = arith.constant 0 : index
    %get3A_2551 = vector.load %arg2[%get3A_2549, %get3A_2550] : memref<128x1xf32, #tpu.memory_space<vmem>>, vector<8x1xf32>
    %mul3A_2552 = vector.broadcast %broadcast_in_dim3A_2065 : vector<1x2048xf32> to vector<8x2048xf32>
    %mul3A_2553 = vector.broadcast %get3A_2548 : vector<8x1xf32> to vector<8x2048xf32>
    %mul3A_2554 = arith.mulf %mul3A_2552, %mul3A_2553 : vector<8x2048xf32>
    %add3A_2555 = vector.broadcast %get3A_2551 : vector<8x1xf32> to vector<8x2048xf32>
    %add3A_2556 = arith.addf %mul3A_2554, %add3A_2555 : vector<8x2048xf32>
    %round3A_2557 = math.roundeven %add3A_2556 : vector<8x2048xf32>
    %sub3A_2558 = arith.subf %add3A_2556, %round3A_2557 : vector<8x2048xf32>
    %mul3A_2559 = arith.mulf %sub3A_2558, %sub3A_2558 : vector<8x2048xf32>
    %mul3A_2560 = arith.constant -57.1160888 : f32
    %mul3A_2561 = vector.broadcast %mul3A_2560 : f32 to vector<8x2048xf32>
    %mul3A_2562 = arith.mulf %mul3A_2561, %mul3A_2559 : vector<8x2048xf32>
    %add3A_2563 = arith.constant 78.3270874 : f32
    %add3A_2564 = vector.broadcast %add3A_2563 : f32 to vector<8x2048xf32>
    %add3A_2565 = arith.addf %mul3A_2562, %add3A_2564 : vector<8x2048xf32>
    %mul3A_2566 = arith.mulf %add3A_2565, %mul3A_2559 : vector<8x2048xf32>
    %add3A_2567 = arith.constant -41.1362572 : f32
    %add3A_2568 = vector.broadcast %add3A_2567 : f32 to vector<8x2048xf32>
    %add3A_2569 = arith.addf %mul3A_2566, %add3A_2568 : vector<8x2048xf32>
    %mul3A_2570 = arith.mulf %add3A_2569, %mul3A_2559 : vector<8x2048xf32>
    %add3A_2571 = arith.constant 6.27973079 : f32
    %add3A_2572 = vector.broadcast %add3A_2571 : f32 to vector<8x2048xf32>
    %add3A_2573 = arith.addf %mul3A_2570, %add3A_2572 : vector<8x2048xf32>
    %mul3A_2574 = arith.mulf %add3A_2573, %sub3A_2558 : vector<8x2048xf32>
    %swap3A_2575 = arith.constant 632 : index
    %swap3A_2576 = arith.constant 0 : index
    %swap3A_2577 = vector.load %arg4[%swap3A_2575, %swap3A_2576] : memref<768x2048xf32, #tpu.memory_space<vmem>>, vector<8x2048xf32>
    tpu.vector_store %arg4[%swap3A_2575, %swap3A_2576], %mul3A_2574 {strides = array<i32>} : memref<768x2048xf32, #tpu.memory_space<vmem>>, vector<8x2048xf32>,
    %get3A_2578 = arith.constant 5 : index
    %get3A_2579 = arith.constant 0 : index
    %get3A_2580 = vector.load %arg3[%get3A_2578, %get3A_2579] : memref<6x2048xf32, #tpu.memory_space<vmem>>, vector<1x2048xf32>
    %get3A_2581 = vector.shape_cast %get3A_2580 : vector<1x2048xf32> to vector<2048xf32>
    %broadcast_in_dim3A_2582 = vector.shape_cast %get3A_2581 : vector<2048xf32> to vector<1x2048xf32>
    %get3A_2583 = arith.constant 0 : index
    %get3A_2584 = arith.constant 0 : index
    %get3A_2585 = vector.load %arg1[%get3A_2583, %get3A_2584] : memref<128x1xf32, #tpu.memory_space<vmem>>, vector<8x1xf32>
    %get3A_2586 = arith.constant 0 : index
    %get3A_2587 = arith.constant 0 : index
    %get3A_2588 = vector.load %arg2[%get3A_2586, %get3A_2587] : memref<128x1xf32, #tpu.memory_space<vmem>>, vector<8x1xf32>
    %mul3A_2589 = vector.broadcast %broadcast_in_dim3A_2582 : vector<1x2048xf32> to vector<8x2048xf32>
    %mul3A_2590 = vector.broadcast %get3A_2585 : vector<8x1xf32> to vector<8x2048xf32>
    %mul3A_2591 = arith.mulf %mul3A_2589, %mul3A_2590 : vector<8x2048xf32>
    %add3A_2592 = vector.broadcast %get3A_2588 : vector<8x1xf32> to vector<8x2048xf32>
    %add3A_2593 = arith.addf %mul3A_2591, %add3A_2592 : vector<8x2048xf32>
    %round3A_2594 = math.roundeven %add3A_2593 : vector<8x2048xf32>
    %sub3A_2595 = arith.subf %add3A_2593, %round3A_2594 : vector<8x2048xf32>
    %mul3A_2596 = arith.mulf %sub3A_2595, %sub3A_2595 : vector<8x2048xf32>
    %mul3A_2597 = arith.constant -57.1160888 : f32
    %mul3A_2598 = vector.broadcast %mul3A_2597 : f32 to vector<8x2048xf32>
    %mul3A_2599 = arith.mulf %mul3A_2598, %mul3A_2596 : vector<8x2048xf32>
    %add3A_2600 = arith.constant 78.3270874 : f32
    %add3A_2601 = vector.broadcast %add3A_2600 : f32 to vector<8x2048xf32>
    %add3A_2602 = arith.addf %mul3A_2599, %add3A_2601 : vector<8x2048xf32>
    %mul3A_2603 = arith.mulf %add3A_2602, %mul3A_2596 : vector<8x2048xf32>
    %add3A_2604 = arith.constant -41.1362572 : f32
    %add3A_2605 = vector.broadcast %add3A_2604 : f32 to vector<8x2048xf32>
    %add3A_2606 = arith.addf %mul3A_2603, %add3A_2605 : vector<8x2048xf32>
    %mul3A_2607 = arith.mulf %add3A_2606, %mul3A_2596 : vector<8x2048xf32>
    %add3A_2608 = arith.constant 6.27973079 : f32
    %add3A_2609 = vector.broadcast %add3A_2608 : f32 to vector<8x2048xf32>
    %add3A_2610 = arith.addf %mul3A_2607, %add3A_2609 : vector<8x2048xf32>
    %mul3A_2611 = arith.mulf %add3A_2610, %sub3A_2595 : vector<8x2048xf32>
    %swap3A_2612 = arith.constant 640 : index
    %swap3A_2613 = arith.constant 0 : index
    %swap3A_2614 = vector.load %arg4[%swap3A_2612, %swap3A_2613] : memref<768x2048xf32, #tpu.memory_space<vmem>>, vector<8x2048xf32>
    tpu.vector_store %arg4[%swap3A_2612, %swap3A_2613], %mul3A_2611 {strides = array<i32>} : memref<768x2048xf32, #tpu.memory_space<vmem>>, vector<8x2048xf32>,
    %get3A_2615 = arith.constant 8 : index
    %get3A_2616 = arith.constant 0 : index
    %get3A_2617 = vector.load %arg1[%get3A_2615, %get3A_2616] : memref<128x1xf32, #tpu.memory_space<vmem>>, vector<8x1xf32>
    %get3A_2618 = arith.constant 8 : index
    %get3A_2619 = arith.constant 0 : index
    %get3A_2620 = vector.load %arg2[%get3A_2618, %get3A_2619] : memref<128x1xf32, #tpu.memory_space<vmem>>, vector<8x1xf32>
    %mul3A_2621 = vector.broadcast %broadcast_in_dim3A_2582 : vector<1x2048xf32> to vector<8x2048xf32>
    %mul3A_2622 = vector.broadcast %get3A_2617 : vector<8x1xf32> to vector<8x2048xf32>
    %mul3A_2623 = arith.mulf %mul3A_2621, %mul3A_2622 : vector<8x2048xf32>
    %add3A_2624 = vector.broadcast %get3A_2620 : vector<8x1xf32> to vector<8x2048xf32>
    %add3A_2625 = arith.addf %mul3A_2623, %add3A_2624 : vector<8x2048xf32>
    %round3A_2626 = math.roundeven %add3A_2625 : vector<8x2048xf32>
    %sub3A_2627 = arith.subf %add3A_2625, %round3A_2626 : vector<8x2048xf32>
    %mul3A_2628 = arith.mulf %sub3A_2627, %sub3A_2627 : vector<8x2048xf32>
    %mul3A_2629 = arith.constant -57.1160888 : f32
    %mul3A_2630 = vector.broadcast %mul3A_2629 : f32 to vector<8x2048xf32>
    %mul3A_2631 = arith.mulf %mul3A_2630, %mul3A_2628 : vector<8x2048xf32>
    %add3A_2632 = arith.constant 78.3270874 : f32
    %add3A_2633 = vector.broadcast %add3A_2632 : f32 to vector<8x2048xf32>
    %add3A_2634 = arith.addf %mul3A_2631, %add3A_2633 : vector<8x2048xf32>
    %mul3A_2635 = arith.mulf %add3A_2634, %mul3A_2628 : vector<8x2048xf32>
    %add3A_2636 = arith.constant -41.1362572 : f32
    %add3A_2637 = vector.broadcast %add3A_2636 : f32 to vector<8x2048xf32>
    %add3A_2638 = arith.addf %mul3A_2635, %add3A_2637 : vector<8x2048xf32>
    %mul3A_2639 = arith.mulf %add3A_2638, %mul3A_2628 : vector<8x2048xf32>
    %add3A_2640 = arith.constant 6.27973079 : f32
    %add3A_2641 = vector.broadcast %add3A_2640 : f32 to vector<8x2048xf32>
    %add3A_2642 = arith.addf %mul3A_2639, %add3A_2641 : vector<8x2048xf32>
    %mul3A_2643 = arith.mulf %add3A_2642, %sub3A_2627 : vector<8x2048xf32>
    %swap3A_2644 = arith.constant 648 : index
    %swap3A_2645 = arith.constant 0 : index
    %swap3A_2646 = vector.load %arg4[%swap3A_2644, %swap3A_2645] : memref<768x2048xf32, #tpu.memory_space<vmem>>, vector<8x2048xf32>
    tpu.vector_store %arg4[%swap3A_2644, %swap3A_2645], %mul3A_2643 {strides = array<i32>} : memref<768x2048xf32, #tpu.memory_space<vmem>>, vector<8x2048xf32>,
    %get3A_2647 = arith.constant 16 : index
    %get3A_2648 = arith.constant 0 : index
    %get3A_2649 = vector.load %arg1[%get3A_2647, %get3A_2648] : memref<128x1xf32, #tpu.memory_space<vmem>>, vector<8x1xf32>
    %get3A_2650 = arith.constant 16 : index
    %get3A_2651 = arith.constant 0 : index
    %get3A_2652 = vector.load %arg2[%get3A_2650, %get3A_2651] : memref<128x1xf32, #tpu.memory_space<vmem>>, vector<8x1xf32>
    %mul3A_2653 = vector.broadcast %broadcast_in_dim3A_2582 : vector<1x2048xf32> to vector<8x2048xf32>
    %mul3A_2654 = vector.broadcast %get3A_2649 : vector<8x1xf32> to vector<8x2048xf32>
    %mul3A_2655 = arith.mulf %mul3A_2653, %mul3A_2654 : vector<8x2048xf32>
    %add3A_2656 = vector.broadcast %get3A_2652 : vector<8x1xf32> to vector<8x2048xf32>
    %add3A_2657 = arith.addf %mul3A_2655, %add3A_2656 : vector<8x2048xf32>
    %round3A_2658 = math.roundeven %add3A_2657 : vector<8x2048xf32>
    %sub3A_2659 = arith.subf %add3A_2657, %round3A_2658 : vector<8x2048xf32>
    %mul3A_2660 = arith.mulf %sub3A_2659, %sub3A_2659 : vector<8x2048xf32>
    %mul3A_2661 = arith.constant -57.1160888 : f32
    %mul3A_2662 = vector.broadcast %mul3A_2661 : f32 to vector<8x2048xf32>
    %mul3A_2663 = arith.mulf %mul3A_2662, %mul3A_2660 : vector<8x2048xf32>
    %add3A_2664 = arith.constant 78.3270874 : f32
    %add3A_2665 = vector.broadcast %add3A_2664 : f32 to vector<8x2048xf32>
    %add3A_2666 = arith.addf %mul3A_2663, %add3A_2665 : vector<8x2048xf32>
    %mul3A_2667 = arith.mulf %add3A_2666, %mul3A_2660 : vector<8x2048xf32>
    %add3A_2668 = arith.constant -41.1362572 : f32
    %add3A_2669 = vector.broadcast %add3A_2668 : f32 to vector<8x2048xf32>
    %add3A_2670 = arith.addf %mul3A_2667, %add3A_2669 : vector<8x2048xf32>
    %mul3A_2671 = arith.mulf %add3A_2670, %mul3A_2660 : vector<8x2048xf32>
    %add3A_2672 = arith.constant 6.27973079 : f32
    %add3A_2673 = vector.broadcast %add3A_2672 : f32 to vector<8x2048xf32>
    %add3A_2674 = arith.addf %mul3A_2671, %add3A_2673 : vector<8x2048xf32>
    %mul3A_2675 = arith.mulf %add3A_2674, %sub3A_2659 : vector<8x2048xf32>
    %swap3A_2676 = arith.constant 656 : index
    %swap3A_2677 = arith.constant 0 : index
    %swap3A_2678 = vector.load %arg4[%swap3A_2676, %swap3A_2677] : memref<768x2048xf32, #tpu.memory_space<vmem>>, vector<8x2048xf32>
    tpu.vector_store %arg4[%swap3A_2676, %swap3A_2677], %mul3A_2675 {strides = array<i32>} : memref<768x2048xf32, #tpu.memory_space<vmem>>, vector<8x2048xf32>,
    %get3A_2679 = arith.constant 24 : index
    %get3A_2680 = arith.constant 0 : index
    %get3A_2681 = vector.load %arg1[%get3A_2679, %get3A_2680] : memref<128x1xf32, #tpu.memory_space<vmem>>, vector<8x1xf32>
    %get3A_2682 = arith.constant 24 : index
    %get3A_2683 = arith.constant 0 : index
    %get3A_2684 = vector.load %arg2[%get3A_2682, %get3A_2683] : memref<128x1xf32, #tpu.memory_space<vmem>>, vector<8x1xf32>
    %mul3A_2685 = vector.broadcast %broadcast_in_dim3A_2582 : vector<1x2048xf32> to vector<8x2048xf32>
    %mul3A_2686 = vector.broadcast %get3A_2681 : vector<8x1xf32> to vector<8x2048xf32>
    %mul3A_2687 = arith.mulf %mul3A_2685, %mul3A_2686 : vector<8x2048xf32>
    %add3A_2688 = vector.broadcast %get3A_2684 : vector<8x1xf32> to vector<8x2048xf32>
    %add3A_2689 = arith.addf %mul3A_2687, %add3A_2688 : vector<8x2048xf32>
    %round3A_2690 = math.roundeven %add3A_2689 : vector<8x2048xf32>
    %sub3A_2691 = arith.subf %add3A_2689, %round3A_2690 : vector<8x2048xf32>
    %mul3A_2692 = arith.mulf %sub3A_2691, %sub3A_2691 : vector<8x2048xf32>
    %mul3A_2693 = arith.constant -57.1160888 : f32
    %mul3A_2694 = vector.broadcast %mul3A_2693 : f32 to vector<8x2048xf32>
    %mul3A_2695 = arith.mulf %mul3A_2694, %mul3A_2692 : vector<8x2048xf32>
    %add3A_2696 = arith.constant 78.3270874 : f32
    %add3A_2697 = vector.broadcast %add3A_2696 : f32 to vector<8x2048xf32>
    %add3A_2698 = arith.addf %mul3A_2695, %add3A_2697 : vector<8x2048xf32>
    %mul3A_2699 = arith.mulf %add3A_2698, %mul3A_2692 : vector<8x2048xf32>
    %add3A_2700 = arith.constant -41.1362572 : f32
    %add3A_2701 = vector.broadcast %add3A_2700 : f32 to vector<8x2048xf32>
    %add3A_2702 = arith.addf %mul3A_2699, %add3A_2701 : vector<8x2048xf32>
    %mul3A_2703 = arith.mulf %add3A_2702, %mul3A_2692 : vector<8x2048xf32>
    %add3A_2704 = arith.constant 6.27973079 : f32
    %add3A_2705 = vector.broadcast %add3A_2704 : f32 to vector<8x2048xf32>
    %add3A_2706 = arith.addf %mul3A_2703, %add3A_2705 : vector<8x2048xf32>
    %mul3A_2707 = arith.mulf %add3A_2706, %sub3A_2691 : vector<8x2048xf32>
    %swap3A_2708 = arith.constant 664 : index
    %swap3A_2709 = arith.constant 0 : index
    %swap3A_2710 = vector.load %arg4[%swap3A_2708, %swap3A_2709] : memref<768x2048xf32, #tpu.memory_space<vmem>>, vector<8x2048xf32>
    tpu.vector_store %arg4[%swap3A_2708, %swap3A_2709], %mul3A_2707 {strides = array<i32>} : memref<768x2048xf32, #tpu.memory_space<vmem>>, vector<8x2048xf32>,
    %get3A_2711 = arith.constant 32 : index
    %get3A_2712 = arith.constant 0 : index
    %get3A_2713 = vector.load %arg1[%get3A_2711, %get3A_2712] : memref<128x1xf32, #tpu.memory_space<vmem>>, vector<8x1xf32>
    %get3A_2714 = arith.constant 32 : index
    %get3A_2715 = arith.constant 0 : index
    %get3A_2716 = vector.load %arg2[%get3A_2714, %get3A_2715] : memref<128x1xf32, #tpu.memory_space<vmem>>, vector<8x1xf32>
    %mul3A_2717 = vector.broadcast %broadcast_in_dim3A_2582 : vector<1x2048xf32> to vector<8x2048xf32>
    %mul3A_2718 = vector.broadcast %get3A_2713 : vector<8x1xf32> to vector<8x2048xf32>
    %mul3A_2719 = arith.mulf %mul3A_2717, %mul3A_2718 : vector<8x2048xf32>
    %add3A_2720 = vector.broadcast %get3A_2716 : vector<8x1xf32> to vector<8x2048xf32>
    %add3A_2721 = arith.addf %mul3A_2719, %add3A_2720 : vector<8x2048xf32>
    %round3A_2722 = math.roundeven %add3A_2721 : vector<8x2048xf32>
    %sub3A_2723 = arith.subf %add3A_2721, %round3A_2722 : vector<8x2048xf32>
    %mul3A_2724 = arith.mulf %sub3A_2723, %sub3A_2723 : vector<8x2048xf32>
    %mul3A_2725 = arith.constant -57.1160888 : f32
    %mul3A_2726 = vector.broadcast %mul3A_2725 : f32 to vector<8x2048xf32>
    %mul3A_2727 = arith.mulf %mul3A_2726, %mul3A_2724 : vector<8x2048xf32>
    %add3A_2728 = arith.constant 78.3270874 : f32
    %add3A_2729 = vector.broadcast %add3A_2728 : f32 to vector<8x2048xf32>
    %add3A_2730 = arith.addf %mul3A_2727, %add3A_2729 : vector<8x2048xf32>
    %mul3A_2731 = arith.mulf %add3A_2730, %mul3A_2724 : vector<8x2048xf32>
    %add3A_2732 = arith.constant -41.1362572 : f32
    %add3A_2733 = vector.broadcast %add3A_2732 : f32 to vector<8x2048xf32>
    %add3A_2734 = arith.addf %mul3A_2731, %add3A_2733 : vector<8x2048xf32>
    %mul3A_2735 = arith.mulf %add3A_2734, %mul3A_2724 : vector<8x2048xf32>
    %add3A_2736 = arith.constant 6.27973079 : f32
    %add3A_2737 = vector.broadcast %add3A_2736 : f32 to vector<8x2048xf32>
    %add3A_2738 = arith.addf %mul3A_2735, %add3A_2737 : vector<8x2048xf32>
    %mul3A_2739 = arith.mulf %add3A_2738, %sub3A_2723 : vector<8x2048xf32>
    %swap3A_2740 = arith.constant 672 : index
    %swap3A_2741 = arith.constant 0 : index
    %swap3A_2742 = vector.load %arg4[%swap3A_2740, %swap3A_2741] : memref<768x2048xf32, #tpu.memory_space<vmem>>, vector<8x2048xf32>
    tpu.vector_store %arg4[%swap3A_2740, %swap3A_2741], %mul3A_2739 {strides = array<i32>} : memref<768x2048xf32, #tpu.memory_space<vmem>>, vector<8x2048xf32>,
    %get3A_2743 = arith.constant 40 : index
    %get3A_2744 = arith.constant 0 : index
    %get3A_2745 = vector.load %arg1[%get3A_2743, %get3A_2744] : memref<128x1xf32, #tpu.memory_space<vmem>>, vector<8x1xf32>
    %get3A_2746 = arith.constant 40 : index
    %get3A_2747 = arith.constant 0 : index
    %get3A_2748 = vector.load %arg2[%get3A_2746, %get3A_2747] : memref<128x1xf32, #tpu.memory_space<vmem>>, vector<8x1xf32>
    %mul3A_2749 = vector.broadcast %broadcast_in_dim3A_2582 : vector<1x2048xf32> to vector<8x2048xf32>
    %mul3A_2750 = vector.broadcast %get3A_2745 : vector<8x1xf32> to vector<8x2048xf32>
    %mul3A_2751 = arith.mulf %mul3A_2749, %mul3A_2750 : vector<8x2048xf32>
    %add3A_2752 = vector.broadcast %get3A_2748 : vector<8x1xf32> to vector<8x2048xf32>
    %add3A_2753 = arith.addf %mul3A_2751, %add3A_2752 : vector<8x2048xf32>
    %round3A_2754 = math.roundeven %add3A_2753 : vector<8x2048xf32>
    %sub3A_2755 = arith.subf %add3A_2753, %round3A_2754 : vector<8x2048xf32>
    %mul3A_2756 = arith.mulf %sub3A_2755, %sub3A_2755 : vector<8x2048xf32>
    %mul3A_2757 = arith.constant -57.1160888 : f32
    %mul3A_2758 = vector.broadcast %mul3A_2757 : f32 to vector<8x2048xf32>
    %mul3A_2759 = arith.mulf %mul3A_2758, %mul3A_2756 : vector<8x2048xf32>
    %add3A_2760 = arith.constant 78.3270874 : f32
    %add3A_2761 = vector.broadcast %add3A_2760 : f32 to vector<8x2048xf32>
    %add3A_2762 = arith.addf %mul3A_2759, %add3A_2761 : vector<8x2048xf32>
    %mul3A_2763 = arith.mulf %add3A_2762, %mul3A_2756 : vector<8x2048xf32>
    %add3A_2764 = arith.constant -41.1362572 : f32
    %add3A_2765 = vector.broadcast %add3A_2764 : f32 to vector<8x2048xf32>
    %add3A_2766 = arith.addf %mul3A_2763, %add3A_2765 : vector<8x2048xf32>
    %mul3A_2767 = arith.mulf %add3A_2766, %mul3A_2756 : vector<8x2048xf32>
    %add3A_2768 = arith.constant 6.27973079 : f32
    %add3A_2769 = vector.broadcast %add3A_2768 : f32 to vector<8x2048xf32>
    %add3A_2770 = arith.addf %mul3A_2767, %add3A_2769 : vector<8x2048xf32>
    %mul3A_2771 = arith.mulf %add3A_2770, %sub3A_2755 : vector<8x2048xf32>
    %swap3A_2772 = arith.constant 680 : index
    %swap3A_2773 = arith.constant 0 : index
    %swap3A_2774 = vector.load %arg4[%swap3A_2772, %swap3A_2773] : memref<768x2048xf32, #tpu.memory_space<vmem>>, vector<8x2048xf32>
    tpu.vector_store %arg4[%swap3A_2772, %swap3A_2773], %mul3A_2771 {strides = array<i32>} : memref<768x2048xf32, #tpu.memory_space<vmem>>, vector<8x2048xf32>,
    %get3A_2775 = arith.constant 48 : index
    %get3A_2776 = arith.constant 0 : index
    %get3A_2777 = vector.load %arg1[%get3A_2775, %get3A_2776] : memref<128x1xf32, #tpu.memory_space<vmem>>, vector<8x1xf32>
    %get3A_2778 = arith.constant 48 : index
    %get3A_2779 = arith.constant 0 : index
    %get3A_2780 = vector.load %arg2[%get3A_2778, %get3A_2779] : memref<128x1xf32, #tpu.memory_space<vmem>>, vector<8x1xf32>
    %mul3A_2781 = vector.broadcast %broadcast_in_dim3A_2582 : vector<1x2048xf32> to vector<8x2048xf32>
    %mul3A_2782 = vector.broadcast %get3A_2777 : vector<8x1xf32> to vector<8x2048xf32>
    %mul3A_2783 = arith.mulf %mul3A_2781, %mul3A_2782 : vector<8x2048xf32>
    %add3A_2784 = vector.broadcast %get3A_2780 : vector<8x1xf32> to vector<8x2048xf32>
    %add3A_2785 = arith.addf %mul3A_2783, %add3A_2784 : vector<8x2048xf32>
    %round3A_2786 = math.roundeven %add3A_2785 : vector<8x2048xf32>
    %sub3A_2787 = arith.subf %add3A_2785, %round3A_2786 : vector<8x2048xf32>
    %mul3A_2788 = arith.mulf %sub3A_2787, %sub3A_2787 : vector<8x2048xf32>
    %mul3A_2789 = arith.constant -57.1160888 : f32
    %mul3A_2790 = vector.broadcast %mul3A_2789 : f32 to vector<8x2048xf32>
    %mul3A_2791 = arith.mulf %mul3A_2790, %mul3A_2788 : vector<8x2048xf32>
    %add3A_2792 = arith.constant 78.3270874 : f32
    %add3A_2793 = vector.broadcast %add3A_2792 : f32 to vector<8x2048xf32>
    %add3A_2794 = arith.addf %mul3A_2791, %add3A_2793 : vector<8x2048xf32>
    %mul3A_2795 = arith.mulf %add3A_2794, %mul3A_2788 : vector<8x2048xf32>
    %add3A_2796 = arith.constant -41.1362572 : f32
    %add3A_2797 = vector.broadcast %add3A_2796 : f32 to vector<8x2048xf32>
    %add3A_2798 = arith.addf %mul3A_2795, %add3A_2797 : vector<8x2048xf32>
    %mul3A_2799 = arith.mulf %add3A_2798, %mul3A_2788 : vector<8x2048xf32>
    %add3A_2800 = arith.constant 6.27973079 : f32
    %add3A_2801 = vector.broadcast %add3A_2800 : f32 to vector<8x2048xf32>
    %add3A_2802 = arith.addf %mul3A_2799, %add3A_2801 : vector<8x2048xf32>
    %mul3A_2803 = arith.mulf %add3A_2802, %sub3A_2787 : vector<8x2048xf32>
    %swap3A_2804 = arith.constant 688 : index
    %swap3A_2805 = arith.constant 0 : index
    %swap3A_2806 = vector.load %arg4[%swap3A_2804, %swap3A_2805] : memref<768x2048xf32, #tpu.memory_space<vmem>>, vector<8x2048xf32>
    tpu.vector_store %arg4[%swap3A_2804, %swap3A_2805], %mul3A_2803 {strides = array<i32>} : memref<768x2048xf32, #tpu.memory_space<vmem>>, vector<8x2048xf32>,
    %get3A_2807 = arith.constant 56 : index
    %get3A_2808 = arith.constant 0 : index
    %get3A_2809 = vector.load %arg1[%get3A_2807, %get3A_2808] : memref<128x1xf32, #tpu.memory_space<vmem>>, vector<8x1xf32>
    %get3A_2810 = arith.constant 56 : index
    %get3A_2811 = arith.constant 0 : index
    %get3A_2812 = vector.load %arg2[%get3A_2810, %get3A_2811] : memref<128x1xf32, #tpu.memory_space<vmem>>, vector<8x1xf32>
    %mul3A_2813 = vector.broadcast %broadcast_in_dim3A_2582 : vector<1x2048xf32> to vector<8x2048xf32>
    %mul3A_2814 = vector.broadcast %get3A_2809 : vector<8x1xf32> to vector<8x2048xf32>
    %mul3A_2815 = arith.mulf %mul3A_2813, %mul3A_2814 : vector<8x2048xf32>
    %add3A_2816 = vector.broadcast %get3A_2812 : vector<8x1xf32> to vector<8x2048xf32>
    %add3A_2817 = arith.addf %mul3A_2815, %add3A_2816 : vector<8x2048xf32>
    %round3A_2818 = math.roundeven %add3A_2817 : vector<8x2048xf32>
    %sub3A_2819 = arith.subf %add3A_2817, %round3A_2818 : vector<8x2048xf32>
    %mul3A_2820 = arith.mulf %sub3A_2819, %sub3A_2819 : vector<8x2048xf32>
    %mul3A_2821 = arith.constant -57.1160888 : f32
    %mul3A_2822 = vector.broadcast %mul3A_2821 : f32 to vector<8x2048xf32>
    %mul3A_2823 = arith.mulf %mul3A_2822, %mul3A_2820 : vector<8x2048xf32>
    %add3A_2824 = arith.constant 78.3270874 : f32
    %add3A_2825 = vector.broadcast %add3A_2824 : f32 to vector<8x2048xf32>
    %add3A_2826 = arith.addf %mul3A_2823, %add3A_2825 : vector<8x2048xf32>
    %mul3A_2827 = arith.mulf %add3A_2826, %mul3A_2820 : vector<8x2048xf32>
    %add3A_2828 = arith.constant -41.1362572 : f32
    %add3A_2829 = vector.broadcast %add3A_2828 : f32 to vector<8x2048xf32>
    %add3A_2830 = arith.addf %mul3A_2827, %add3A_2829 : vector<8x2048xf32>
    %mul3A_2831 = arith.mulf %add3A_2830, %mul3A_2820 : vector<8x2048xf32>
    %add3A_2832 = arith.constant 6.27973079 : f32
    %add3A_2833 = vector.broadcast %add3A_2832 : f32 to vector<8x2048xf32>
    %add3A_2834 = arith.addf %mul3A_2831, %add3A_2833 : vector<8x2048xf32>
    %mul3A_2835 = arith.mulf %add3A_2834, %sub3A_2819 : vector<8x2048xf32>
    %swap3A_2836 = arith.constant 696 : index
    %swap3A_2837 = arith.constant 0 : index
    %swap3A_2838 = vector.load %arg4[%swap3A_2836, %swap3A_2837] : memref<768x2048xf32, #tpu.memory_space<vmem>>, vector<8x2048xf32>
    tpu.vector_store %arg4[%swap3A_2836, %swap3A_2837], %mul3A_2835 {strides = array<i32>} : memref<768x2048xf32, #tpu.memory_space<vmem>>, vector<8x2048xf32>,
    %get3A_2839 = arith.constant 64 : index
    %get3A_2840 = arith.constant 0 : index
    %get3A_2841 = vector.load %arg1[%get3A_2839, %get3A_2840] : memref<128x1xf32, #tpu.memory_space<vmem>>, vector<8x1xf32>
    %get3A_2842 = arith.constant 64 : index
    %get3A_2843 = arith.constant 0 : index
    %get3A_2844 = vector.load %arg2[%get3A_2842, %get3A_2843] : memref<128x1xf32, #tpu.memory_space<vmem>>, vector<8x1xf32>
    %mul3A_2845 = vector.broadcast %broadcast_in_dim3A_2582 : vector<1x2048xf32> to vector<8x2048xf32>
    %mul3A_2846 = vector.broadcast %get3A_2841 : vector<8x1xf32> to vector<8x2048xf32>
    %mul3A_2847 = arith.mulf %mul3A_2845, %mul3A_2846 : vector<8x2048xf32>
    %add3A_2848 = vector.broadcast %get3A_2844 : vector<8x1xf32> to vector<8x2048xf32>
    %add3A_2849 = arith.addf %mul3A_2847, %add3A_2848 : vector<8x2048xf32>
    %round3A_2850 = math.roundeven %add3A_2849 : vector<8x2048xf32>
    %sub3A_2851 = arith.subf %add3A_2849, %round3A_2850 : vector<8x2048xf32>
    %mul3A_2852 = arith.mulf %sub3A_2851, %sub3A_2851 : vector<8x2048xf32>
    %mul3A_2853 = arith.constant -57.1160888 : f32
    %mul3A_2854 = vector.broadcast %mul3A_2853 : f32 to vector<8x2048xf32>
    %mul3A_2855 = arith.mulf %mul3A_2854, %mul3A_2852 : vector<8x2048xf32>
    %add3A_2856 = arith.constant 78.3270874 : f32
    %add3A_2857 = vector.broadcast %add3A_2856 : f32 to vector<8x2048xf32>
    %add3A_2858 = arith.addf %mul3A_2855, %add3A_2857 : vector<8x2048xf32>
    %mul3A_2859 = arith.mulf %add3A_2858, %mul3A_2852 : vector<8x2048xf32>
    %add3A_2860 = arith.constant -41.1362572 : f32
    %add3A_2861 = vector.broadcast %add3A_2860 : f32 to vector<8x2048xf32>
    %add3A_2862 = arith.addf %mul3A_2859, %add3A_2861 : vector<8x2048xf32>
    %mul3A_2863 = arith.mulf %add3A_2862, %mul3A_2852 : vector<8x2048xf32>
    %add3A_2864 = arith.constant 6.27973079 : f32
    %add3A_2865 = vector.broadcast %add3A_2864 : f32 to vector<8x2048xf32>
    %add3A_2866 = arith.addf %mul3A_2863, %add3A_2865 : vector<8x2048xf32>
    %mul3A_2867 = arith.mulf %add3A_2866, %sub3A_2851 : vector<8x2048xf32>
    %swap3A_2868 = arith.constant 704 : index
    %swap3A_2869 = arith.constant 0 : index
    %swap3A_2870 = vector.load %arg4[%swap3A_2868, %swap3A_2869] : memref<768x2048xf32, #tpu.memory_space<vmem>>, vector<8x2048xf32>
    tpu.vector_store %arg4[%swap3A_2868, %swap3A_2869], %mul3A_2867 {strides = array<i32>} : memref<768x2048xf32, #tpu.memory_space<vmem>>, vector<8x2048xf32>,
    %get3A_2871 = arith.constant 72 : index
    %get3A_2872 = arith.constant 0 : index
    %get3A_2873 = vector.load %arg1[%get3A_2871, %get3A_2872] : memref<128x1xf32, #tpu.memory_space<vmem>>, vector<8x1xf32>
    %get3A_2874 = arith.constant 72 : index
    %get3A_2875 = arith.constant 0 : index
    %get3A_2876 = vector.load %arg2[%get3A_2874, %get3A_2875] : memref<128x1xf32, #tpu.memory_space<vmem>>, vector<8x1xf32>
    %mul3A_2877 = vector.broadcast %broadcast_in_dim3A_2582 : vector<1x2048xf32> to vector<8x2048xf32>
    %mul3A_2878 = vector.broadcast %get3A_2873 : vector<8x1xf32> to vector<8x2048xf32>
    %mul3A_2879 = arith.mulf %mul3A_2877, %mul3A_2878 : vector<8x2048xf32>
    %add3A_2880 = vector.broadcast %get3A_2876 : vector<8x1xf32> to vector<8x2048xf32>
    %add3A_2881 = arith.addf %mul3A_2879, %add3A_2880 : vector<8x2048xf32>
    %round3A_2882 = math.roundeven %add3A_2881 : vector<8x2048xf32>
    %sub3A_2883 = arith.subf %add3A_2881, %round3A_2882 : vector<8x2048xf32>
    %mul3A_2884 = arith.mulf %sub3A_2883, %sub3A_2883 : vector<8x2048xf32>
    %mul3A_2885 = arith.constant -57.1160888 : f32
    %mul3A_2886 = vector.broadcast %mul3A_2885 : f32 to vector<8x2048xf32>
    %mul3A_2887 = arith.mulf %mul3A_2886, %mul3A_2884 : vector<8x2048xf32>
    %add3A_2888 = arith.constant 78.3270874 : f32
    %add3A_2889 = vector.broadcast %add3A_2888 : f32 to vector<8x2048xf32>
    %add3A_2890 = arith.addf %mul3A_2887, %add3A_2889 : vector<8x2048xf32>
    %mul3A_2891 = arith.mulf %add3A_2890, %mul3A_2884 : vector<8x2048xf32>
    %add3A_2892 = arith.constant -41.1362572 : f32
    %add3A_2893 = vector.broadcast %add3A_2892 : f32 to vector<8x2048xf32>
    %add3A_2894 = arith.addf %mul3A_2891, %add3A_2893 : vector<8x2048xf32>
    %mul3A_2895 = arith.mulf %add3A_2894, %mul3A_2884 : vector<8x2048xf32>
    %add3A_2896 = arith.constant 6.27973079 : f32
    %add3A_2897 = vector.broadcast %add3A_2896 : f32 to vector<8x2048xf32>
    %add3A_2898 = arith.addf %mul3A_2895, %add3A_2897 : vector<8x2048xf32>
    %mul3A_2899 = arith.mulf %add3A_2898, %sub3A_2883 : vector<8x2048xf32>
    %swap3A_2900 = arith.constant 712 : index
    %swap3A_2901 = arith.constant 0 : index
    %swap3A_2902 = vector.load %arg4[%swap3A_2900, %swap3A_2901] : memref<768x2048xf32, #tpu.memory_space<vmem>>, vector<8x2048xf32>
    tpu.vector_store %arg4[%swap3A_2900, %swap3A_2901], %mul3A_2899 {strides = array<i32>} : memref<768x2048xf32, #tpu.memory_space<vmem>>, vector<8x2048xf32>,
    %get3A_2903 = arith.constant 80 : index
    %get3A_2904 = arith.constant 0 : index
    %get3A_2905 = vector.load %arg1[%get3A_2903, %get3A_2904] : memref<128x1xf32, #tpu.memory_space<vmem>>, vector<8x1xf32>
    %get3A_2906 = arith.constant 80 : index
    %get3A_2907 = arith.constant 0 : index
    %get3A_2908 = vector.load %arg2[%get3A_2906, %get3A_2907] : memref<128x1xf32, #tpu.memory_space<vmem>>, vector<8x1xf32>
    %mul3A_2909 = vector.broadcast %broadcast_in_dim3A_2582 : vector<1x2048xf32> to vector<8x2048xf32>
    %mul3A_2910 = vector.broadcast %get3A_2905 : vector<8x1xf32> to vector<8x2048xf32>
    %mul3A_2911 = arith.mulf %mul3A_2909, %mul3A_2910 : vector<8x2048xf32>
    %add3A_2912 = vector.broadcast %get3A_2908 : vector<8x1xf32> to vector<8x2048xf32>
    %add3A_2913 = arith.addf %mul3A_2911, %add3A_2912 : vector<8x2048xf32>
    %round3A_2914 = math.roundeven %add3A_2913 : vector<8x2048xf32>
    %sub3A_2915 = arith.subf %add3A_2913, %round3A_2914 : vector<8x2048xf32>
    %mul3A_2916 = arith.mulf %sub3A_2915, %sub3A_2915 : vector<8x2048xf32>
    %mul3A_2917 = arith.constant -57.1160888 : f32
    %mul3A_2918 = vector.broadcast %mul3A_2917 : f32 to vector<8x2048xf32>
    %mul3A_2919 = arith.mulf %mul3A_2918, %mul3A_2916 : vector<8x2048xf32>
    %add3A_2920 = arith.constant 78.3270874 : f32
    %add3A_2921 = vector.broadcast %add3A_2920 : f32 to vector<8x2048xf32>
    %add3A_2922 = arith.addf %mul3A_2919, %add3A_2921 : vector<8x2048xf32>
    %mul3A_2923 = arith.mulf %add3A_2922, %mul3A_2916 : vector<8x2048xf32>
    %add3A_2924 = arith.constant -41.1362572 : f32
    %add3A_2925 = vector.broadcast %add3A_2924 : f32 to vector<8x2048xf32>
    %add3A_2926 = arith.addf %mul3A_2923, %add3A_2925 : vector<8x2048xf32>
    %mul3A_2927 = arith.mulf %add3A_2926, %mul3A_2916 : vector<8x2048xf32>
    %add3A_2928 = arith.constant 6.27973079 : f32
    %add3A_2929 = vector.broadcast %add3A_2928 : f32 to vector<8x2048xf32>
    %add3A_2930 = arith.addf %mul3A_2927, %add3A_2929 : vector<8x2048xf32>
    %mul3A_2931 = arith.mulf %add3A_2930, %sub3A_2915 : vector<8x2048xf32>
    %swap3A_2932 = arith.constant 720 : index
    %swap3A_2933 = arith.constant 0 : index
    %swap3A_2934 = vector.load %arg4[%swap3A_2932, %swap3A_2933] : memref<768x2048xf32, #tpu.memory_space<vmem>>, vector<8x2048xf32>
    tpu.vector_store %arg4[%swap3A_2932, %swap3A_2933], %mul3A_2931 {strides = array<i32>} : memref<768x2048xf32, #tpu.memory_space<vmem>>, vector<8x2048xf32>,
    %get3A_2935 = arith.constant 88 : index
    %get3A_2936 = arith.constant 0 : index
    %get3A_2937 = vector.load %arg1[%get3A_2935, %get3A_2936] : memref<128x1xf32, #tpu.memory_space<vmem>>, vector<8x1xf32>
    %get3A_2938 = arith.constant 88 : index
    %get3A_2939 = arith.constant 0 : index
    %get3A_2940 = vector.load %arg2[%get3A_2938, %get3A_2939] : memref<128x1xf32, #tpu.memory_space<vmem>>, vector<8x1xf32>
    %mul3A_2941 = vector.broadcast %broadcast_in_dim3A_2582 : vector<1x2048xf32> to vector<8x2048xf32>
    %mul3A_2942 = vector.broadcast %get3A_2937 : vector<8x1xf32> to vector<8x2048xf32>
    %mul3A_2943 = arith.mulf %mul3A_2941, %mul3A_2942 : vector<8x2048xf32>
    %add3A_2944 = vector.broadcast %get3A_2940 : vector<8x1xf32> to vector<8x2048xf32>
    %add3A_2945 = arith.addf %mul3A_2943, %add3A_2944 : vector<8x2048xf32>
    %round3A_2946 = math.roundeven %add3A_2945 : vector<8x2048xf32>
    %sub3A_2947 = arith.subf %add3A_2945, %round3A_2946 : vector<8x2048xf32>
    %mul3A_2948 = arith.mulf %sub3A_2947, %sub3A_2947 : vector<8x2048xf32>
    %mul3A_2949 = arith.constant -57.1160888 : f32
    %mul3A_2950 = vector.broadcast %mul3A_2949 : f32 to vector<8x2048xf32>
    %mul3A_2951 = arith.mulf %mul3A_2950, %mul3A_2948 : vector<8x2048xf32>
    %add3A_2952 = arith.constant 78.3270874 : f32
    %add3A_2953 = vector.broadcast %add3A_2952 : f32 to vector<8x2048xf32>
    %add3A_2954 = arith.addf %mul3A_2951, %add3A_2953 : vector<8x2048xf32>
    %mul3A_2955 = arith.mulf %add3A_2954, %mul3A_2948 : vector<8x2048xf32>
    %add3A_2956 = arith.constant -41.1362572 : f32
    %add3A_2957 = vector.broadcast %add3A_2956 : f32 to vector<8x2048xf32>
    %add3A_2958 = arith.addf %mul3A_2955, %add3A_2957 : vector<8x2048xf32>
    %mul3A_2959 = arith.mulf %add3A_2958, %mul3A_2948 : vector<8x2048xf32>
    %add3A_2960 = arith.constant 6.27973079 : f32
    %add3A_2961 = vector.broadcast %add3A_2960 : f32 to vector<8x2048xf32>
    %add3A_2962 = arith.addf %mul3A_2959, %add3A_2961 : vector<8x2048xf32>
    %mul3A_2963 = arith.mulf %add3A_2962, %sub3A_2947 : vector<8x2048xf32>
    %swap3A_2964 = arith.constant 728 : index
    %swap3A_2965 = arith.constant 0 : index
    %swap3A_2966 = vector.load %arg4[%swap3A_2964, %swap3A_2965] : memref<768x2048xf32, #tpu.memory_space<vmem>>, vector<8x2048xf32>
    tpu.vector_store %arg4[%swap3A_2964, %swap3A_2965], %mul3A_2963 {strides = array<i32>} : memref<768x2048xf32, #tpu.memory_space<vmem>>, vector<8x2048xf32>,
    %get3A_2967 = arith.constant 96 : index
    %get3A_2968 = arith.constant 0 : index
    %get3A_2969 = vector.load %arg1[%get3A_2967, %get3A_2968] : memref<128x1xf32, #tpu.memory_space<vmem>>, vector<8x1xf32>
    %get3A_2970 = arith.constant 96 : index
    %get3A_2971 = arith.constant 0 : index
    %get3A_2972 = vector.load %arg2[%get3A_2970, %get3A_2971] : memref<128x1xf32, #tpu.memory_space<vmem>>, vector<8x1xf32>
    %mul3A_2973 = vector.broadcast %broadcast_in_dim3A_2582 : vector<1x2048xf32> to vector<8x2048xf32>
    %mul3A_2974 = vector.broadcast %get3A_2969 : vector<8x1xf32> to vector<8x2048xf32>
    %mul3A_2975 = arith.mulf %mul3A_2973, %mul3A_2974 : vector<8x2048xf32>
    %add3A_2976 = vector.broadcast %get3A_2972 : vector<8x1xf32> to vector<8x2048xf32>
    %add3A_2977 = arith.addf %mul3A_2975, %add3A_2976 : vector<8x2048xf32>
    %round3A_2978 = math.roundeven %add3A_2977 : vector<8x2048xf32>
    %sub3A_2979 = arith.subf %add3A_2977, %round3A_2978 : vector<8x2048xf32>
    %mul3A_2980 = arith.mulf %sub3A_2979, %sub3A_2979 : vector<8x2048xf32>
    %mul3A_2981 = arith.constant -57.1160888 : f32
    %mul3A_2982 = vector.broadcast %mul3A_2981 : f32 to vector<8x2048xf32>
    %mul3A_2983 = arith.mulf %mul3A_2982, %mul3A_2980 : vector<8x2048xf32>
    %add3A_2984 = arith.constant 78.3270874 : f32
    %add3A_2985 = vector.broadcast %add3A_2984 : f32 to vector<8x2048xf32>
    %add3A_2986 = arith.addf %mul3A_2983, %add3A_2985 : vector<8x2048xf32>
    %mul3A_2987 = arith.mulf %add3A_2986, %mul3A_2980 : vector<8x2048xf32>
    %add3A_2988 = arith.constant -41.1362572 : f32
    %add3A_2989 = vector.broadcast %add3A_2988 : f32 to vector<8x2048xf32>
    %add3A_2990 = arith.addf %mul3A_2987, %add3A_2989 : vector<8x2048xf32>
    %mul3A_2991 = arith.mulf %add3A_2990, %mul3A_2980 : vector<8x2048xf32>
    %add3A_2992 = arith.constant 6.27973079 : f32
    %add3A_2993 = vector.broadcast %add3A_2992 : f32 to vector<8x2048xf32>
    %add3A_2994 = arith.addf %mul3A_2991, %add3A_2993 : vector<8x2048xf32>
    %mul3A_2995 = arith.mulf %add3A_2994, %sub3A_2979 : vector<8x2048xf32>
    %swap3A_2996 = arith.constant 736 : index
    %swap3A_2997 = arith.constant 0 : index
    %swap3A_2998 = vector.load %arg4[%swap3A_2996, %swap3A_2997] : memref<768x2048xf32, #tpu.memory_space<vmem>>, vector<8x2048xf32>
    tpu.vector_store %arg4[%swap3A_2996, %swap3A_2997], %mul3A_2995 {strides = array<i32>} : memref<768x2048xf32, #tpu.memory_space<vmem>>, vector<8x2048xf32>,
    %get3A_2999 = arith.constant 104 : index
    %get3A_3000 = arith.constant 0 : index
    %get3A_3001 = vector.load %arg1[%get3A_2999, %get3A_3000] : memref<128x1xf32, #tpu.memory_space<vmem>>, vector<8x1xf32>
    %get3A_3002 = arith.constant 104 : index
    %get3A_3003 = arith.constant 0 : index
    %get3A_3004 = vector.load %arg2[%get3A_3002, %get3A_3003] : memref<128x1xf32, #tpu.memory_space<vmem>>, vector<8x1xf32>
    %mul3A_3005 = vector.broadcast %broadcast_in_dim3A_2582 : vector<1x2048xf32> to vector<8x2048xf32>
    %mul3A_3006 = vector.broadcast %get3A_3001 : vector<8x1xf32> to vector<8x2048xf32>
    %mul3A_3007 = arith.mulf %mul3A_3005, %mul3A_3006 : vector<8x2048xf32>
    %add3A_3008 = vector.broadcast %get3A_3004 : vector<8x1xf32> to vector<8x2048xf32>
    %add3A_3009 = arith.addf %mul3A_3007, %add3A_3008 : vector<8x2048xf32>
    %round3A_3010 = math.roundeven %add3A_3009 : vector<8x2048xf32>
    %sub3A_3011 = arith.subf %add3A_3009, %round3A_3010 : vector<8x2048xf32>
    %mul3A_3012 = arith.mulf %sub3A_3011, %sub3A_3011 : vector<8x2048xf32>
    %mul3A_3013 = arith.constant -57.1160888 : f32
    %mul3A_3014 = vector.broadcast %mul3A_3013 : f32 to vector<8x2048xf32>
    %mul3A_3015 = arith.mulf %mul3A_3014, %mul3A_3012 : vector<8x2048xf32>
    %add3A_3016 = arith.constant 78.3270874 : f32
    %add3A_3017 = vector.broadcast %add3A_3016 : f32 to vector<8x2048xf32>
    %add3A_3018 = arith.addf %mul3A_3015, %add3A_3017 : vector<8x2048xf32>
    %mul3A_3019 = arith.mulf %add3A_3018, %mul3A_3012 : vector<8x2048xf32>
    %add3A_3020 = arith.constant -41.1362572 : f32
    %add3A_3021 = vector.broadcast %add3A_3020 : f32 to vector<8x2048xf32>
    %add3A_3022 = arith.addf %mul3A_3019, %add3A_3021 : vector<8x2048xf32>
    %mul3A_3023 = arith.mulf %add3A_3022, %mul3A_3012 : vector<8x2048xf32>
    %add3A_3024 = arith.constant 6.27973079 : f32
    %add3A_3025 = vector.broadcast %add3A_3024 : f32 to vector<8x2048xf32>
    %add3A_3026 = arith.addf %mul3A_3023, %add3A_3025 : vector<8x2048xf32>
    %mul3A_3027 = arith.mulf %add3A_3026, %sub3A_3011 : vector<8x2048xf32>
    %swap3A_3028 = arith.constant 744 : index
    %swap3A_3029 = arith.constant 0 : index
    %swap3A_3030 = vector.load %arg4[%swap3A_3028, %swap3A_3029] : memref<768x2048xf32, #tpu.memory_space<vmem>>, vector<8x2048xf32>
    tpu.vector_store %arg4[%swap3A_3028, %swap3A_3029], %mul3A_3027 {strides = array<i32>} : memref<768x2048xf32, #tpu.memory_space<vmem>>, vector<8x2048xf32>,
    %get3A_3031 = arith.constant 112 : index
    %get3A_3032 = arith.constant 0 : index
    %get3A_3033 = vector.load %arg1[%get3A_3031, %get3A_3032] : memref<128x1xf32, #tpu.memory_space<vmem>>, vector<8x1xf32>
    %get3A_3034 = arith.constant 112 : index
    %get3A_3035 = arith.constant 0 : index
    %get3A_3036 = vector.load %arg2[%get3A_3034, %get3A_3035] : memref<128x1xf32, #tpu.memory_space<vmem>>, vector<8x1xf32>
    %mul3A_3037 = vector.broadcast %broadcast_in_dim3A_2582 : vector<1x2048xf32> to vector<8x2048xf32>
    %mul3A_3038 = vector.broadcast %get3A_3033 : vector<8x1xf32> to vector<8x2048xf32>
    %mul3A_3039 = arith.mulf %mul3A_3037, %mul3A_3038 : vector<8x2048xf32>
    %add3A_3040 = vector.broadcast %get3A_3036 : vector<8x1xf32> to vector<8x2048xf32>
    %add3A_3041 = arith.addf %mul3A_3039, %add3A_3040 : vector<8x2048xf32>
    %round3A_3042 = math.roundeven %add3A_3041 : vector<8x2048xf32>
    %sub3A_3043 = arith.subf %add3A_3041, %round3A_3042 : vector<8x2048xf32>
    %mul3A_3044 = arith.mulf %sub3A_3043, %sub3A_3043 : vector<8x2048xf32>
    %mul3A_3045 = arith.constant -57.1160888 : f32
    %mul3A_3046 = vector.broadcast %mul3A_3045 : f32 to vector<8x2048xf32>
    %mul3A_3047 = arith.mulf %mul3A_3046, %mul3A_3044 : vector<8x2048xf32>
    %add3A_3048 = arith.constant 78.3270874 : f32
    %add3A_3049 = vector.broadcast %add3A_3048 : f32 to vector<8x2048xf32>
    %add3A_3050 = arith.addf %mul3A_3047, %add3A_3049 : vector<8x2048xf32>
    %mul3A_3051 = arith.mulf %add3A_3050, %mul3A_3044 : vector<8x2048xf32>
    %add3A_3052 = arith.constant -41.1362572 : f32
    %add3A_3053 = vector.broadcast %add3A_3052 : f32 to vector<8x2048xf32>
    %add3A_3054 = arith.addf %mul3A_3051, %add3A_3053 : vector<8x2048xf32>
    %mul3A_3055 = arith.mulf %add3A_3054, %mul3A_3044 : vector<8x2048xf32>
    %add3A_3056 = arith.constant 6.27973079 : f32
    %add3A_3057 = vector.broadcast %add3A_3056 : f32 to vector<8x2048xf32>
    %add3A_3058 = arith.addf %mul3A_3055, %add3A_3057 : vector<8x2048xf32>
    %mul3A_3059 = arith.mulf %add3A_3058, %sub3A_3043 : vector<8x2048xf32>
    %swap3A_3060 = arith.constant 752 : index
    %swap3A_3061 = arith.constant 0 : index
    %swap3A_3062 = vector.load %arg4[%swap3A_3060, %swap3A_3061] : memref<768x2048xf32, #tpu.memory_space<vmem>>, vector<8x2048xf32>
    tpu.vector_store %arg4[%swap3A_3060, %swap3A_3061], %mul3A_3059 {strides = array<i32>} : memref<768x2048xf32, #tpu.memory_space<vmem>>, vector<8x2048xf32>,
    %get3A_3063 = arith.constant 120 : index
    %get3A_3064 = arith.constant 0 : index
    %get3A_3065 = vector.load %arg1[%get3A_3063, %get3A_3064] : memref<128x1xf32, #tpu.memory_space<vmem>>, vector<8x1xf32>
    %get3A_3066 = arith.constant 120 : index
    %get3A_3067 = arith.constant 0 : index
    %get3A_3068 = vector.load %arg2[%get3A_3066, %get3A_3067] : memref<128x1xf32, #tpu.memory_space<vmem>>, vector<8x1xf32>
    %mul3A_3069 = vector.broadcast %broadcast_in_dim3A_2582 : vector<1x2048xf32> to vector<8x2048xf32>
    %mul3A_3070 = vector.broadcast %get3A_3065 : vector<8x1xf32> to vector<8x2048xf32>
    %mul3A_3071 = arith.mulf %mul3A_3069, %mul3A_3070 : vector<8x2048xf32>
    %add3A_3072 = vector.broadcast %get3A_3068 : vector<8x1xf32> to vector<8x2048xf32>
    %add3A_3073 = arith.addf %mul3A_3071, %add3A_3072 : vector<8x2048xf32>
    %round3A_3074 = math.roundeven %add3A_3073 : vector<8x2048xf32>
    %sub3A_3075 = arith.subf %add3A_3073, %round3A_3074 : vector<8x2048xf32>
    %mul3A_3076 = arith.mulf %sub3A_3075, %sub3A_3075 : vector<8x2048xf32>
    %mul3A_3077 = arith.constant -57.1160888 : f32
    %mul3A_3078 = vector.broadcast %mul3A_3077 : f32 to vector<8x2048xf32>
    %mul3A_3079 = arith.mulf %mul3A_3078, %mul3A_3076 : vector<8x2048xf32>
    %add3A_3080 = arith.constant 78.3270874 : f32
    %add3A_3081 = vector.broadcast %add3A_3080 : f32 to vector<8x2048xf32>
    %add3A_3082 = arith.addf %mul3A_3079, %add3A_3081 : vector<8x2048xf32>
    %mul3A_3083 = arith.mulf %add3A_3082, %mul3A_3076 : vector<8x2048xf32>
    %add3A_3084 = arith.constant -41.1362572 : f32
    %add3A_3085 = vector.broadcast %add3A_3084 : f32 to vector<8x2048xf32>
    %add3A_3086 = arith.addf %mul3A_3083, %add3A_3085 : vector<8x2048xf32>
    %mul3A_3087 = arith.mulf %add3A_3086, %mul3A_3076 : vector<8x2048xf32>
    %add3A_3088 = arith.constant 6.27973079 : f32
    %add3A_3089 = vector.broadcast %add3A_3088 : f32 to vector<8x2048xf32>
    %add3A_3090 = arith.addf %mul3A_3087, %add3A_3089 : vector<8x2048xf32>
    %mul3A_3091 = arith.mulf %add3A_3090, %sub3A_3075 : vector<8x2048xf32>
    %swap3A_3092 = arith.constant 760 : index
    %swap3A_3093 = arith.constant 0 : index
    %swap3A_3094 = vector.load %arg4[%swap3A_3092, %swap3A_3093] : memref<768x2048xf32, #tpu.memory_space<vmem>>, vector<8x2048xf32>
    tpu.vector_store %arg4[%swap3A_3092, %swap3A_3093], %mul3A_3091 {strides = array<i32>} : memref<768x2048xf32, #tpu.memory_space<vmem>>, vector<8x2048xf32>,
    return
  }
  func.func @transform_0(%arg0: i32) -> (i32, i32) {
    %c0_i32 = arith.constant 0 : i32
    %c0_i32_0 = arith.constant 0 : i32
    %c0_i32_1 = arith.constant 0 : i32
    return %c0_i32, %c0_i32_0 : i32, i32
  }
  func.func @transform_1(%arg0: i32) -> (i32, i32) {
    %c0_i32 = arith.constant 0 : i32
    %c0_i32_0 = arith.constant 0 : i32
    %c0_i32_1 = arith.constant 0 : i32
    return %c0_i32, %c0_i32_0 : i32, i32
  }
  func.func @transform_2(%arg0: i32) -> (i32, i32) {
    %c0_i32 = arith.constant 0 : i32
    %c0_i32_0 = arith.constant 0 : i32
    return %c0_i32, %arg0 : i32, i32
  }
  func.func @transform_3(%arg0: i32) -> (i32, i32) {
    %c0_i32 = arith.constant 0 : i32
    %c0_i32_0 = arith.constant 0 : i32
    return %c0_i32, %arg0 : i32, i32
  }
}

</mosaic_0001>

<sc_bundles>
// kernel: sparse-core-data-format-call.cloned.1.call-start
scs
called_computation_lowered:
.L_overlay_start_0:
0x0: {  	s2 =	sld [smem:$0x3FD9]  }
0x1: {  	s3 =	sld [smem:$0x3FFE];
	_ =	sdelay $0x1  }
0x2: {  	s1 =	srdreg.scid  }
0x3: {  	s0 =	sand.u32 $0x1, s1  }
0x4: {  	s15 =	sshll.u32 s0, $0xA;
	s2 =	sadd.s32 s3, s2  }
0x5: {  	s2 =	sadd.s32 s2, s15  }
0x6: {  	[smem:$0x3FC6] =	sst s2  }
0x7: {  	_ = 	snop  }
0x8: {  	s2 =	sld [smem:$0x3FD0];
	_ =	sdelay $0x2  }
0x9: {  	s16 =	simm.s32 $0xA;
	s4 =	simm.s32 $0x10  }
0xa: {  	[smem:s4], [sflag:s16] =	dma.local [hbm:s2], $0x1  }
0xb: {  	_ =	swait.eq [sflag:s16], $0x1  }
0xc: {  	[sflag:s16] =	ssyncset.done $0x0  }
0xd: {  	[sflag:s16] =	ssyncadd.s32 $0xFFFFFFFF  }
0xe: {  	s17 =	sld [smem:$0x11];
	(tm) =	ssettm $0x1  }
0xf: {  	s18 =	sld [smem:$0x3FFB];
	_ =	sdelay $0x3  }
0x10: {  	_ =	strace s18  }
0x11: {  	s3 =	sld [smem:$0x3FFC];
	_ =	sdelay $0x3  }
0x12: {  	_ =	strace s3  }
0x13: {  	s3 =	sld [smem:$0x3FFD];
	_ =	sdelay $0x3  }
0x14: {  	_ =	strace s3  }
0x15: {  	_ =	strace $0x8FFFFFFF  }
0x16: {  	s19 =	sld [smem:$0x3FDB];
	_ =	sdelay $0x1  }
0x17: {  	s20 =	simm.s32 $_scs_section_size  }
0x18: {  	s5 =	simm.s32 $_size__tile_overlayer_lowered;
	s6 =	simm.s32 $_tile_overlayer_lowered  }
0x19: {  	s23 =	simm.s32 $0x1BFF;
	s22 =	sshll.u32 s6, $0x1;
	s3 =	sadd.s32 s20, s19  }
0x1a: {  	s7 =	simm.s32 $0x0;
	s21 =	sshll.u32 s5, $0x1;
	s5 =	sadd.s32 s22, s3  }
0x1b: {  	[timem:s7], [sflag:s23] =	dma.local [hbm:s5], s21  }
0x1c: {  	_ =	swait.ge [sflag:s23], s21  }
0x1d: {  	s4 =	ssub.s32 $0x0, s21;
	[sflag:s23] =	ssyncset.done $0x0  }
0x1e: {  	[sflag:s23] =	ssyncadd.s32 s4;
	_ =	sdelay $0x1  }
0x1f: {  	s24 =	simm.s32 $0x1B8B  }
0x20: {  	_ =	swait.ge [sflag:s24], $0x1  }
0x21: {  	[sflag:s24] =	ssyncset.done $0x0  }
0x22: {  	s26 =	simm.s32 $0x1B8E;
	s25 =	sld [smem:$0x3FFE];
	[sflag:s24] =	ssyncadd.s32 $0xFFFFFFFF  }
0x23: {  	s27 =	simm.s32 $execute0_lowered;
	[smem:$0x3FD2] =	sst s26  }
0x24: {  	s5 =	sshll.u32 s27, $0x1;
	_ =	strace $0x80000046;
	[dreg:$0x1] =	wrdreg $0xFFFFFFFF  }
0x25: {  	s28 =	simm.s32 $_size_execute0_lowered;
	s3 =	sadd.s32 s3, s5;
	[dreg:$0x0] =	wrdreg $0x0  }
0x26: {  	s5 =	sshll.u32 s28, $0x1;
	[dreg:$0x2] =	wrdreg s3  }
0x27: {  	[dreg:$0x3] =	wrdreg s5  }
0x28: {  	[dreg:$0x4] =	wrdreg $0xC0  }
0x29: {  	_ =	task [dreg:s7], $0x5FFFF  }
0x2a: {  	[dreg:$0x1] =	wrdreg $0xFFFFFFFF  }
0x2b: {  	[dreg:$0x0] =	wrdreg $0x60  }
0x2c: {  	[dreg:$0x2] =	wrdreg s25  }
0x2d: {  	[dreg:$0x3] =	wrdreg s17  }
0x2e: {  	[dreg:$0x4] =	wrdreg $0x9  }
0x2f: {  	_ =	task.clear_ibuf [dreg:s7], $0x5FFFF;
	_ =	strace $0x90000046  }
0x30: {  	s29 =	simm.s32 $0x9;
	_ =	strace $0x80000048  }
0x31: {  	_ =	swait.ge [sflag:s29], $0x1  }
0x32: {  	[sflag:s29] =	ssyncadd.s32 $0xFFFFFFFF  }
0x33: {  	_ =	strace $0x90000048  }
0x34: {  	_ =	sfence  }
0x35: {  	s30 =	sld [smem:$0x0];
	_ =	sdelay $0x2  }
0x36: {  	s31 =	sshll.u32 s1, $0xD;
	s1 =	sshrl.u32 s1, $0x2  }
0x37: {  	s3 =	sand.u32 $0x4000, s31;
	s1 =	sadd.s32 s1, s30  }
0x38: {  	s0 =	sor.u32 s3, s0;
	s1 =	sshll.u32 s1, $0x11  }
0x39: {  	s0 =	sor.u32 s1, s0  }
0x3a: {  	s0 =	sadd.s32 $0x8F2B, s0  }
0x3b: {  	[sflag:s0] =	ssyncadd.remote.s32 $0x1  }
0x3c: {  	_ =	sfence.sel $0xFFFF  }
0x3d: {  	[dreg:$0x0] =	wrdreg $0xFFFFFFFF;
	(pc) =	sbr.abs _section_cstart, $3  }
0x3e: {  	[dreg:$0x1] =	wrdreg $0xFFFFFFFF  }
0x3f: {  	_ =	task.clear_ibuf [dreg:s7], $0x2FFFF;
	_ =	strace $0x9FFFFFFF  }
0x40: {  	(tm) =	ssettm $0x7FFFFFFF  }
0x41: {  	_ =	shalt  }
tec
execute0_lowered:
.L_overlay_start_1:
0x0: {  	(tag) =	ssettag $0x1  }
0x1: {  	s0 =	stileid.u32  }
0x2: {  	s1 =	srdreg.scid;
	s7 =	rddreg [dreg:$0x0]  }
0x3: {  	s8 =	simm.s32 $0x2;
	s2 =	sshll.u32 s0, $0x6;
	s1 =	sshll.u32 s1, $0xA  }
0x4: {  	s17 =	simm.s32 $0x0;
	p0 =	por $0x0, $0x0;
	s2 =	sor.u32 s2, s1  }
0x5: {  	s9 =	simm.s32 $0xC00;
	s1 =	sand.u32 $0x1, s0;
	s2 =	sand.u32 $0x780, s2  }
0x6: {  	s18 =	simm.s32 $0x0;
	s3 =	ssub.s32 $0x2, s1;
	s4 =	ssub.s32 $0x18680, s2  }
0x7: {  	s5 =	sshrl.u32 s3, $0x1;
	s3 =	sand.u32 $0x1, s3;
	s4 =	sshrl.u32 s4, $0xB  }
0x8: {  	s19 =	simm.s32 $0x0;
	s3 =	sadd.s32 s3, s5;
	s31 =	sadd.s32 $0x1, s4  }
0x9: {  	s10 =	simm.s32 $0x0;
	s11 =	simm.s32 $0x0;
	s6 =	smul.u32 s31, s3  }
.Ltmp0:
0xa: {  	s12 =	simm.s32 $0x0;
	s14 =	simm.s32 $0x0;
	(pc) =	sbr.rel .LBB1_1-.Ltmp0, $4  }
0xb: {  	s16 =	simm.s32 $0x0;
	s5 =	simm.s32 $0x1;
	s4 =	rddreg [dreg:$0x1]  }
0xc: {  	s3 =	rddreg [dreg:$0x2];
	_ =	strace $0x80000047;
	s6 =	smul.u32 $0x3, s6  }
0xd: {  	s7 =	sadd.s32 $0xA00, s7;
	s15 =	smov.u32 s1;
	[sflag:s5] =	ssyncpa.u1 $0x0  }
0xe: {  	s13 =	smov.u32 s2;
	[sflag:s8] =	ssyncpa.u1 $0x0;
	s8 =	sadd.s32 $0x1, s6  }
.LBB1_4:
0xf: {  	s25 =	sshrl.u32 s10, $0x3  }
0x10: {  	s26 =	sshll.u32 s11, $0x3;
	s25 =	smul.u32 $0xC00, s25  }
0x11: {  	s27 =	sshll.u32 s10, $0x7;
	s26 =	sand.u32 $0xFFFFFC00, s26  }
0x12: {  	s27 =	sand.u32 $0x380, s27;
	s25 =	sadd.s32 s26, s25  }
0x13: {  	s28 =	sand.u32 $0x7F, s11;
	s24 =	sshra.s32 s24, $0x2;
	s25 =	sor.u32 s27, s25  }
0x14: {  	p1 =	sgt.s32 s12, $0x1;
	s31 =	sshra.s32 s11, $0x1F;
	s29 =	smulhi.u32 $0xAAAAAAAB, s25  }
0x15: {  	s23 =	sadd.s32 s24, s23;
	s31 =	sand.u32 s31, s11;
	s25 =	sor.u32 s28, s25  }
0x16: {  	s26 =	smulhi.u32 $0xAAAAAAAB, s25;
	s27 =	sshrl.u32 s29, $0x8;
	s29 =	sshra.s32 s12, $0x1F  }
0x17: {  	s28 =	smov.u32 s12;
	s30 =	smulhi.u32 $0x14F8B59, s27;
	s29 =	sand.u32 s29, s12  }
0x18: {  	s28 =	simm.s32 @!p1 $0x1;
	p1 =	sgt.s32 s11, $0x100;
	s29 =	sxor.u32 $0xFFFFFFFF, s29  }
0x19: {  	s24 =	sshrl.u32 s30, $0x9;
	s30 =	smov.u32 s11;
	s28 =	sadd.s32 s29, s28  }
0x1a: {  	v5 =	vld [tilespmem:s21+$0xFFFFFFD0];
	[tilespmem:s22+$0x2040 ss:$0x81] =	vst.msk $0xffff, v4;
	s30 =	simm.s32 @!p1 $0x100;
	p1 =	sgt.s32 s28, $0x0;
	s28 =	ssub.s32 $0x1, s28  }
0x1b: {  	v58 =	vld [tilespmem:s21+$0xFFFFFFE0];
	[tilespmem:s22+$0x2850 ss:$0x81] =	vst.msk $0xffff, v3;
	s26 =	sshrl.u32 s26, $0x8;
	s29 =	ssub.s32 s30, s31;
	s28 =	simm.s32 @p1 $0x0  }
0x1c: {  	v59 =	vld [tilespmem:s21+$0xFFFFFFF0];
	[tilespmem:s22+$0x3060 ss:$0x81] =	vst.msk $0xffff, v2;
	p1 =	sgt.s32 s10, $0x18620;
	s30 =	smov.u32 s10;
	s31 =	sadd.s32 $0xFFFFFF00, s29  }
0x1d: {  	[tilespmem:s22+$0x0 ss:$0x81] =	vst.msk $0xffff, v1;
	v60 =	vld [tilespmem:s21+$0x0];
	s30 =	simm.s32 @!p1 $0x18620;
	p1 =	sgt.s32 s31, $0x7F;
	s31 =	sshra.s32 s10, $0x1F  }
0x1e: {  	v61 =	vld [tilespmem:s21+$0x10];
	[tilespmem:s23+$0x3870 ss:$0x81] =	vst.msk $0xffff, v0;
	s24 =	smul.u32 $0x186A0, s24;
	s29 =	ssub.s32 $0x180, s29;
	s22 =	sand.u32 s31, s10  }
0x1f: {  	v62 =	vld [tilespmem:s21+$0x20];
	[tilespmem:s23+$0x810 ss:$0x81] =	vst.msk $0xffff, v5;
	s26 =	smul.u32 $0x180, s26;
	s29 =	simm.s32 @p1 $0x0;
	s22 =	ssub.s32 s30, s22  }
0x20: {  	v63 =	vld [tilespmem:s21+$0xFFFFFFC0];
	[tilespmem:s23+$0x1020 ss:$0x81] =	vst.msk $0xffff, v58;
	s24 =	ssub.s32 s27, s24;
	s30 =	smul.u32 s28, s29;
	s31 =	sadd.s32 $0xFFFE79E0, s22  }
0x21: {  	[tilespmem:s23+$0x1830 ss:$0x81] =	vst.msk $0xffff, v59;
	s28 =	smul.u32 $0x493E00, s12;
	s22 =	ssub.s32 $0x186A0, s22;
	p1 =	sgt.s32 s31, $0x7F  }
0x22: {  	[tilespmem:s23+$0x2040 ss:$0x81] =	vst.msk $0xffff, v60;
	s25 =	ssub.s32 s25, s26;
	s21 =	smul.u32 $0x30, s24;
	s22 =	simm.s32 @p1 $0x0  }
0x23: {  	[tilespmem:s23+$0x2850 ss:$0x81] =	vst.msk $0xffff, v61;
	s26 =	sand.u32 $0x7, s25;
	s29 =	sadd.s32 s4, s28;
	s22 =	smul.u32 s22, s30  }
0x24: {  	[tilespmem:s23+$0x3060 ss:$0x81] =	vst.msk $0xffff, v62;
	s25 =	sshrl.u32 s25, $0x3;
	s21 =	sadd.s32 s21, s29;
	s30 =	sshll.u32 s26, $0x12  }
0x25: {  	[tilespmem:s23+$0x0 ss:$0x81] =	vst.msk $0xffff, v63;
	s21 =	sadd.s32 s25, s21;
	s31 =	sor.u32 $0x400, s30;
	s22 =	sand.u32 $0x3FFFFFFF, s22  }
0x26: {  	[hbm4b:s21+s31] =	stream.strided.scatter [tilespmem:s20], [sflag:$0x2], s22, s9, s31, $0x20;
	[tilespmem:$0x10100] =	vst v63  }
.LBB1_5:
0x27: {  	p1 =	slt.u32 s16, $0x2  }
0x28: {  	s21 =	smov.u32 s19;
	p2 =	sgt.s32 @!p1 s19, $0x1  }
0x29: {  	s20 =	sshra.s32 @!p1 s19, $0x1F;
	p3 =	sgt.s32 @!p1 s18, $0x100;
	p2 =	por !p2, p1  }
0x2a: {  	s19 =	sand.u32 @!p1 s20, s19;
	p3 =	por !p3, p1;
	s20 =	smov.u32 s18  }
0x2b: {  	s21 =	simm.s32 @p2 $0x1;
	s19 =	sxor.u32 @!p1 $0xFFFFFFFF, s19;
	s20 =	simm.s32 @p3 $0x100  }
0x2c: {  	p3 =	sgt.s32 @!p1 s17, $0x18620;
	s19 =	sadd.s32 @!p1 s19, s21;
	s21 =	sshra.s32 @!p1 s18, $0x1F  }
0x2d: {  	p3 =	por !p3, p1;
	p2 =	sgt.s32 @!p1 s19, $0x0;
	s19 =	ssub.s32 @!p1 $0x1, s19  }
0x2e: {  	s18 =	sand.u32 @!p1 s21, s18;
	s21 =	smov.u32 s17;
	p2 =	por !p2, p1  }
0x2f: {  	s18 =	ssub.s32 @!p1 s20, s18;
	s20 =	sshra.s32 @!p1 s17, $0x1F;
	s21 =	simm.s32 @p3 $0x18620  }
0x30: {  	s17 =	sand.u32 @!p1 s20, s17;
	s20 =	sadd.s32 @!p1 $0xFFFFFF00, s18;
	s19 =	simm.s32 @!p2 $0x0  }
0x31: {  	s18 =	ssub.s32 @!p1 $0x180, s18;
	s17 =	ssub.s32 @!p1 s21, s17;
	p2 =	sgt.s32 @!p1 s20, $0x7F  }
0x32: {  	s21 =	smov.u32 s14;
	s20 =	sadd.s32 @!p1 $0xFFFE79E0, s17;
	p2 =	por !p2, p1  }
0x33: {  	s17 =	ssub.s32 @!p1 $0x186A0, s17;
	p3 =	sgt.s32 @!p1 s20, $0x7F;
	s18 =	simm.s32 @!p2 $0x0  }
0x34: {  	s20 =	sadd.s32 $0x800, s13;
	p2 =	por !p3, p1;
	s18 =	smul.u32 @!p1 s19, s18  }
0x35: {  	s19 =	sadd.s32 $0x80, s14;
	s17 =	simm.s32 @!p2 $0x0;
	p2 =	sgt.s32 s20, $0x1869F  }
0x36: {  	s22 =	smov.u32 s15;
	s21 =	smov.u32 @p2 s19  }
0x37: {  	s17 =	smul.u32 @!p1 s17, s18;
	s18 =	sadd.s32 $0x2, s15;
	p3 =	sgt.s32 s21, $0x17F  }
0x38: {  	p0 =	por !p0, !p0;
	s23 =	simm.s32 @!p1 $0x2;
	s22 =	smov.u32 @p3 s18  }
0x39: {  	s20 =	smov.u32 @p2 s2;
	s19 =	smov.u32 s12;
	p2 =	sgt.s32 s22, $0x1  }
0x3a: {  	s12 =	smov.u32 s15;
	s22 =	smov.u32 @p2 s1;
	p2 =	sne.s32 s16, s8  }
.Ltmp1:
0x3b: {  	s17 =	sand.u32 @!p1 $0x3FFFFFFF, s17;
	s21 =	simm.s32 @p3 $0x0;
	(pc) =	sbr.rel @!p2 .LBB1_6-.Ltmp1, $4  }
0x3c: {  	s18 =	smov.u32 s11;
	s11 =	smov.u32 s14;
	_ =	swait.ge @!p1 [sflag:s23], s17  }
0x3d: {  	s24 =	ssub.s32 @!p1 $0x0, s17;
	s17 =	smov.u32 s10;
	s10 =	smov.u32 s13  }
0x3e: {  	s13 =	smov.u32 s20;
	s14 =	smov.u32 s21;
	[sflag:s23] =	ssyncset.done @!p1 $0x0  }
0x3f: {  	s16 =	sadd.s32 $0x1, s16;
	[sflag:s23] =	ssyncadd.s32 @!p1 s24;
	s15 =	smov.u32 s22  }
.LBB1_1:
0x40: {  	p1 =	sge.u32 s16, s6  }
0x41: {  	s20 =	sshrl.u32 @!p1 s14, $0x3  }
0x42: {  	s21 =	sshll.u32 @!p1 s13, $0x3;
	s20 =	smul.u32 @!p1 $0xC3800, s20  }
0x43: {  	s22 =	sshll.u32 @!p1 s14, $0x7;
	s21 =	sand.u32 @!p1 $0xFFFFFC00, s21  }
0x44: {  	s20 =	sadd.s32 @!p1 s20, s21;
	s21 =	sand.u32 @!p1 $0x380, s22  }
0x45: {  	s20 =	sor.u32 @!p1 s21, s20  }
0x46: {  	s22 =	sand.u32 @!p1 $0x7F, s13;
	s21 =	smulhi.u32 @!p1 $0xA79C7B17, s20  }
0x47: {  	s20 =	sor.u32 @!p1 s22, s20  }
0x48: {  	s22 =	smulhi.u32 @!p1 $0xA79C7B17, s20;
	s21 =	sshrl.u32 @!p1 s21, $0x10  }
0x49: {  	s23 =	smul.u32 @!p1 $0xAAAB, s21  }
0x4a: {  	s24 =	smul.u32 @!p1 $0x495000, s15;
	s22 =	sshrl.u32 @!p1 s22, $0x10  }
0x4b: {  	s22 =	smul.u32 @!p1 $0x18700, s22;
	s23 =	sshrl.u32 @!p1 s23, $0x18  }
0x4c: {  	s23 =	smul.u32 @!p1 $0x180, s23  }
0x4d: {  	s31 =	sadd.s32 $0xFFFFFFFF, s16  }
0x4e: {  	s24 =	sadd.s32 @!p1 s7, s24;
	s20 =	ssub.s32 @!p1 s20, s22;
	s21 =	ssub.s32 @!p1 s21, s23  }
0x4f: {  	s22 =	sshrl.u32 @!p1 s20, $0x3;
	s20 =	sand.u32 @!p1 $0x7, s20;
	s21 =	sand.u32 @!p1 $0xFFFF, s21  }
0x50: {  	s23 =	sxor.u32 @!p1 $0xFFFFFFFF, s16;
	s20 =	sshll.u32 @!p1 s20, $0x12;
	s21 =	smul.u32 @!p1 $0x30E0, s21  }
0x51: {  	s22 =	sadd.s32 @!p1 s22, s24;
	s23 =	sshll.u32 @!p1 s23, $0xE;
	s20 =	sor.u32 @!p1 $0x400, s20  }
0x52: {  	s23 =	sand.u32 @!p1 $0x4000, s23;
	s21 =	sadd.s32 @!p1 s21, s22;
	s22 =	simm.s32 @!p1 $0xC3800  }
0x53: {  	[tilespmem:s23], [sflag:$0x1] =	stream.strided.gather @!p1 [hbm4b:s21+s20], $0x4000, s22, s20, $0x38;
	[tilespmem:$0x10100] =	vst v63  }
0x54: {  	p1 =	sge.u32 s31, s6  }
.Ltmp2:
0x55: {  	_ = 	snop;
	(pc) =	sbr.rel @p1 .LBB1_5-.Ltmp2, $1  }
0x56: {  	_ =	sdelay $0x3  }
0x57: {  	s20 =	simm.s32 $0x1  }
0x58: {  	_ =	swait.ge [sflag:s5], $0x4000;
	s20 =	simm.s32 @!p0 $0x0  }
0x59: {  	[sflag:s5] =	ssyncset.done $0x0;
	s21 =	sshll.u32 s20, $0xE  }
0x5a: {  	[sflag:s5] =	ssyncadd.s32 $0xFFFFC000;
	s21 =	sor.u32 $0x40, s21  }
0x5b: {  	s20 =	smul.u32 $0x10200, s20;
	v0 =	vld [tilespmem:s21+$0x30]  }
0x5c: {  	v1 =	vld [tilespmem:s21+$0xFFFFFFD0]  }
0x5d: {  	s20 =	sshrl.u32 s20, $0x2;
	v5 =	vld [tilespmem:s21+$0xFFFFFFE0]  }
0x5e: {  	v6 =	vld [tilespmem:s21+$0xFFFFFFF0];
	s23 =	sor.u32 $0x8000, s20  }
0x5f: {  	s31 =	sand.u32 $0x1, s16;
	v4 =	vld [tilespmem:s21+$0x0];
	s22 =	sadd.s32 $0x0, s23  }
0x60: {  	v3 =	vld [tilespmem:s21+$0x10];
	s20 =	smul.u32 $0x10200, s31;
	[tilespmem:s22+$0x3870 ss:$0x81] =	vst.msk $0xffff, v0  }
0x61: {  	v2 =	vld [tilespmem:s21+$0x20];
	[tilespmem:s22+$0x810 ss:$0x81] =	vst.msk $0xffff, v1  }
0x62: {  	s20 =	sshrl.u32 s20, $0x2;
	v1 =	vld [tilespmem:s21+$0xFFFFFFC0];
	[tilespmem:s22+$0x1020 ss:$0x81] =	vst.msk $0xffff, v5;
	s21 =	sadd.s32 $0x80, s21  }
0x63: {  	s24 =	simm.s32 $0x4;
	s25 =	simm.s32 $0x8;
	s20 =	sor.u32 $0x8000, s20;
	[tilespmem:s22+$0x1830 ss:$0x81] =	vst.msk $0xffff, v6;
	v0 =	vld [tilespmem:s21+$0x30]  }
.LBB1_3:
0x64: {  	p1 =	sne.s32 s25, $0x1FC;
	v5 =	vld [tilespmem:s21+$0xFFFFFFD0];
	[tilespmem:s22+$0x2040 ss:$0x81] =	vst.msk $0xffff, v4  }
0x65: {  	v6 =	vld [tilespmem:s21+$0xFFFFFFE0];
	[tilespmem:s22+$0x2850 ss:$0x81] =	vst.msk $0xffff, v3  }
0x66: {  	s26 =	sshra.s32 s24, $0x2;
	s24 =	smov.u32 s25;
	v7 =	vld [tilespmem:s21+$0xFFFFFFF0];
	[tilespmem:s22+$0x3060 ss:$0x81] =	vst.msk $0xffff, v2  }
.Ltmp3:
0x67: {  	v4 =	vld [tilespmem:s21+$0x0];
	[tilespmem:s22+$0x0 ss:$0x81] =	vst.msk $0xffff, v1;
	s22 =	sadd.s32 s26, s23;
	(pc) =	sbr.rel @p1 .LBB1_3-.Ltmp3, $4  }
0x68: {  	v3 =	vld [tilespmem:s21+$0x10];
	[tilespmem:s22+$0x3870 ss:$0x81] =	vst.msk $0xffff, v0  }
0x69: {  	[tilespmem:s22+$0x810 ss:$0x81] =	vst.msk $0xffff, v5;
	v2 =	vld [tilespmem:s21+$0x20]  }
0x6a: {  	v1 =	vld [tilespmem:s21+$0xFFFFFFC0];
	[tilespmem:s22+$0x1020 ss:$0x81] =	vst.msk $0xffff, v6;
	s21 =	sadd.s32 $0x80, s21  }
0x6b: {  	s25 =	sadd.s32 $0x4, s25;
	v0 =	vld [tilespmem:s21+$0x30];
	[tilespmem:s22+$0x1830 ss:$0x81] =	vst.msk $0xffff, v7  }
.Ltmp4:
0x6c: {  	_ = 	snop;
	(pc) =	sbr.rel .LBB1_4-.Ltmp4, $1  }
0x6d: {  	_ =	sdelay $0x3  }
.LBB1_6:
0x6e: {  	_ =	sfence.sel $0x180000  }
0x6f: {  	s1 =	simm.s32 $0x1;
	[bflag:$0x0] =	sbarrier.arrive $0xFFFF  }
0x70: {  	s31 =	simm.s32 $0x2;
	[sflag:s1] =	ssyncpa.u1 $0x1  }
0x71: {  	[sflag:s31] =	ssyncpa.u1 $0x1  }
0x72: {  	p0 =	sne.s32 s0, $0x0;
	_ =	strace $0x90000047  }
0x73: {  	s0 =	sadd.s32 @!p0 $0x100000, s3;
	[bflag:$0x2] =	sbarrier.arrive $0xFFFF  }
0x74: {  	[sflag:s0] =	ssyncadd.tile.s32 @!p0 $0x1;
	_ =	shalt  }
.Lfunc_end1:
_tile_overlayer_lowered:
.L_overlay_start_2:
0x75: {  	(tag) =	ssettag $0x2  }
0x76: {  	s0 =	rddreg [dreg:$0x0];
	s2 =	stileid.u32  }
0x77: {  	s1 =	rddreg [dreg:$0x1];
	p0 =	sne.s32 s2, $0x0  }
0x78: {  	s3 =	rddreg [dreg:$0x2];
	[bflag:$0x3] =	sbarrier.arrive $0xFFFF;
	s2 =	simm.s32 @!p0 $0x1C01  }
0x79: {  	[timem:s3], [sflag:s2] =	dma.local @!p0 [hbm:s0], s1  }
0x7a: {  	s0 =	simm.s32 @!p0 $0x1  }
0x7b: {  	_ =	swait.ge @!p0 [sflag:s0], s1  }
0x7c: {  	s1 =	ssub.s32 @!p0 $0x0, s1;
	[sflag:s0] =	ssyncset.done @!p0 $0x0  }
0x7d: {  	[sflag:s0] =	ssyncadd.s32 @!p0 s1  }
0x7e: {  	[bflag:$0x3] =	sbarrier.arrive $0xFFFF  }
0x7f: {  	_ =	shalt  }

</sc_bundles>
